<compile_context>
chip_gen: v7x
topology: tpu7x:2x2x1
jax: 0.10.2.dev20260603
libtpu: 0.0.44.dev20260713+nightly
codegen_flags: <defaults>
</compile_context>

<pallas_src>
import functools

import jax
import jax.numpy as jnp
from jax import lax
from jax.experimental import pallas as pl
from jax.experimental.pallas import tpu as pltpu
from jax.experimental.pallas import tpu_sc as plsc

_NC, _NS = 2, 16
_NW = _NC * _NS
_CH = 256
_TC_BLK = 4096


@functools.lru_cache(maxsize=None)
def _make_transpose(n_rows, d):
    grid = (n_rows + _TC_BLK - 1) // _TC_BLK

    def body(x_ref, o_ref):
        o_ref[...] = x_ref[...].T

    return pl.pallas_call(
        body,
        grid=(grid,),
        in_specs=[pl.BlockSpec((d, _TC_BLK), lambda j: (0, j))],
        out_specs=pl.BlockSpec((_TC_BLK, d), lambda j: (j, 0)),
        out_shape=jax.ShapeDtypeStruct((n_rows, d), jnp.float32),
    )


@functools.lru_cache(maxsize=None)
def _make_gather(t_total, d):
    n_units = t_total // _CH
    upw = n_units // _NW
    assert upw * _NW * _CH == t_total

    mesh = plsc.VectorSubcoreMesh(core_axis_name="c", subcore_axis_name="s")

    @functools.partial(
        pl.kernel,
        mesh=mesh,
        compiler_params=pltpu.CompilerParams(use_tc_tiling_on_sc=False),
        out_type=jax.ShapeDtypeStruct((t_total, d), jnp.float32),
        scratch_types=[
            pltpu.VMEM((2, _CH), jnp.int32),
            pltpu.VMEM((2, _CH, 2 * d), jnp.float32),
            pltpu.SemaphoreType.DMA,
            pltpu.SemaphoreType.DMA,
            pltpu.SemaphoreType.DMA,
            pltpu.SemaphoreType.DMA,
        ],
    )
    def emb(table_hbm, idx_hbm, out_hbm, idx_v, rows_v, g0, g1, w0, w1):
        wid = lax.axis_index("s") * _NC + lax.axis_index("c")
        u0 = wid * upw
        gsem = (g0, g1)
        wsem = (w0, w1)
        gath = [None, None]
        wrb = [None, None]
        for i in range(upw):
            cur = i % 2
            u = u0 + i
            if wrb[cur] is not None:
                wrb[cur].wait()
            pltpu.sync_copy(idx_hbm.at[pl.ds(u * _CH, _CH)],
                            idx_v.at[cur])
            gath[cur] = pltpu.async_copy(
                table_hbm.at[idx_v.at[cur]], rows_v.at[cur], gsem[cur])
            if i > 0:
                prv = 1 - cur
                gath[prv].wait()
                wrb[prv] = pltpu.async_copy(
                    rows_v.at[prv, :, pl.ds(0, d)],
                    out_hbm.at[pl.ds((u - 1) * _CH, _CH)],
                    wsem[prv])
        last = (upw - 1) % 2
        ul = u0 + upw - 1
        gath[last].wait()
        pltpu.sync_copy(rows_v.at[last, :, pl.ds(0, d)],
                        out_hbm.at[pl.ds(ul * _CH, _CH)])
        if wrb[1 - last] is not None:
            wrb[1 - last].wait()

    return emb


def kernel(token_ids, weight):
    b, l = token_ids.shape
    n, d = weight.shape
    idx_flat = token_ids.T.reshape(-1).astype(jnp.int32)
    w_pad = jnp.pad(weight, ((0, 0), (0, d)))
    out = _make_gather(b * l, d)(w_pad, idx_flat)
    return jnp.transpose(out.reshape(l, b, d), (1, 0, 2))

# --- scband reference (transcript-rebuilt; emitter-appended) ---
"""Pipeline reference for scband-embedding-82514911691080 (READ-ONLY COPY).

The authoritative reference and input builder live on the scoring server;
editing this copy changes nothing except your own understanding.
"""

import jax, jax.numpy as jnp
import numpy as np

NUM_EMBEDDINGS = 1000000
EMBEDDING_DIM = 64
B, L = 1024, 200

def setup_inputs(seed: int = 0) -> dict:
    key = jax.random.key(seed)
    k_idx, k_w = jax.random.split(key)
    token_ids = jax.random.randint(k_idx, (B, L), 0, NUM_EMBEDDINGS, dtype=jnp.int64 if jax.config.read('jax_enable_x64') else jnp.int32)
    # trunc_normal_(std=1, a=-3, b=3)
    weight = jax.random.truncated_normal(k_w, -3.0, 3.0, (NUM_EMBEDDINGS, EMBEDDING_DIM), dtype=jnp.float32)
    return {"token_ids": token_ids, "weight": weight}

def reference(token_ids, weight):
    # Pure gather: weight[token_ids] -> [B, L, D]
    return jnp.take(weight, token_ids, axis=0)

if __name__ == "__main__":
    import jax
    _d = setup_inputs()
    print(jax.jit(kernel)(*tuple(_d.values())))

</pallas_src>

<mosaic_0001>
#map = affine_map<(d0, d1) -> (0, 0)>
#map1 = affine_map<(d0, d1) -> (0)>
module attributes {stable_mosaic.version = 14 : i64} {
  func.func @emb(%arg0: i32, %arg1: i32, %arg2: memref<1000000x128xf32, #tpu.memory_space<hbm>>, %arg3: memref<204800xi32, #tpu.memory_space<hbm>>, %arg4: memref<204800x64xf32, #tpu.memory_space<hbm>>, %arg5: memref<2x256xi32, #tpu.memory_space<vmem>>, %arg6: memref<2x256x128xf32, #tpu.memory_space<vmem>>, %arg7: memref<!tpu.dma_semaphore, #tpu.memory_space<semaphore_mem>>, %arg8: memref<!tpu.dma_semaphore, #tpu.memory_space<semaphore_mem>>, %arg9: memref<!tpu.dma_semaphore, #tpu.memory_space<semaphore_mem>>, %arg10: memref<!tpu.dma_semaphore, #tpu.memory_space<semaphore_mem>>) attributes {dimension_semantics = [#tpu.dimension_semantics<core_parallel>, #tpu.dimension_semantics<subcore_parallel>], iteration_bounds = array<i64: 2, 16>, scalar_prefetch = 0 : i64, scratch_operands = 6 : i64, tpu.core_type = #tpu.core_type<sc_vector_subcore>, window_params = [{transform_indices = #map}, {transform_indices = #map1}, {transform_indices = #map}]} {
    %mul3A = arith.constant 2 : i32
    %mul3A_0 = arith.muli %arg1, %mul3A : i32
    %add3A = arith.addi %mul3A_0, %arg0 : i32
    %mul3A_1 = arith.constant 25 : i32
    %mul3A_2 = arith.muli %add3A, %mul3A_1 : i32
    %add3A_3 = arith.constant 0 : i32
    %add3A_4 = arith.addi %mul3A_2, %add3A_3 : i32
    %mul3A_5 = arith.constant 256 : i32
    %mul3A_6 = arith.muli %add3A_4, %mul3A_5 : i32
    %run_scoped3A = arith.constant 0 : i32
    "tpu.region"() ({
      %run_scoped3A_1451 = tpu.sem_alloc : memref<!tpu.dma_semaphore, #tpu.memory_space<semaphore_mem>>
      %dma_start3A_1452 = arith.constant 0 : i32
      %dma_start3A_1453 = tpu.memref_slice %arg5[%run_scoped3A, %dma_start3A_1452] : memref<2x256xi32, #tpu.memory_space<vmem>> -> memref<1x256xi32, #tpu.memory_space<vmem>>
      %dma_start3A_1454 = tpu.memref_squeeze %dma_start3A_1453 : memref<1x256xi32, #tpu.memory_space<vmem>> -> memref<256xi32, #tpu.memory_space<vmem>>
      %dma_start3A_1455 = tpu.memref_slice %arg3[%mul3A_6] : memref<204800xi32, #tpu.memory_space<hbm>> -> memref<256xi32, #tpu.memory_space<hbm>>
      %dma_start3A_1456 = arith.constant 0 : i32
      %dma_start3A_1457 = tpu.memref_slice %arg5[%run_scoped3A, %dma_start3A_1456] : memref<2x256xi32, #tpu.memory_space<vmem>> -> memref<1x256xi32, #tpu.memory_space<vmem>>
      %dma_start3A_1458 = tpu.memref_squeeze %dma_start3A_1457 : memref<1x256xi32, #tpu.memory_space<vmem>> -> memref<256xi32, #tpu.memory_space<vmem>>
      %dma_start3A_1459 = tpu.memref_slice %arg3[%mul3A_6] : memref<204800xi32, #tpu.memory_space<hbm>> -> memref<256xi32, #tpu.memory_space<hbm>>
      tpu.enqueue_dma source(%dma_start3A_1459 : memref<256xi32, #tpu.memory_space<hbm>>) target(%dma_start3A_1458 : memref<256xi32, #tpu.memory_space<vmem>>) target_semaphore(%run_scoped3A_1451 : memref<!tpu.dma_semaphore, #tpu.memory_space<semaphore_mem>>)
      %dma_wait3A_1460 = arith.constant 0 : i32
      %dma_wait3A_1461 = tpu.memref_slice %arg5[%run_scoped3A, %dma_wait3A_1460] : memref<2x256xi32, #tpu.memory_space<vmem>> -> memref<1x256xi32, #tpu.memory_space<vmem>>
      %dma_wait3A_1462 = tpu.memref_squeeze %dma_wait3A_1461 : memref<1x256xi32, #tpu.memory_space<vmem>> -> memref<256xi32, #tpu.memory_space<vmem>>
      %dma_wait3A_1463 = tpu.memref_slice %arg3[%mul3A_6] : memref<204800xi32, #tpu.memory_space<hbm>> -> memref<256xi32, #tpu.memory_space<hbm>>
      %dma_wait3A_1464 = arith.constant 0 : i32
      %dma_wait3A_1465 = tpu.memref_slice %arg5[%run_scoped3A, %dma_wait3A_1464] : memref<2x256xi32, #tpu.memory_space<vmem>> -> memref<1x256xi32, #tpu.memory_space<vmem>>
      %dma_wait3A_1466 = tpu.memref_squeeze %dma_wait3A_1465 : memref<1x256xi32, #tpu.memory_space<vmem>> -> memref<256xi32, #tpu.memory_space<vmem>>
      %dma_wait3A_1467 = tpu.memref_slice %arg3[%mul3A_6] : memref<204800xi32, #tpu.memory_space<hbm>> -> memref<256xi32, #tpu.memory_space<hbm>>
      tpu.wait_dma2 semaphore(%run_scoped3A_1451 : memref<!tpu.dma_semaphore, #tpu.memory_space<semaphore_mem>>) src(%dma_wait3A_1467 : memref<256xi32, #tpu.memory_space<hbm>>) dst(%dma_wait3A_1466 : memref<256xi32, #tpu.memory_space<vmem>>)
      tpu.yield
    }) : () -> ()
    %dma_start3A = arith.constant 0 : i32
    %dma_start3A_7 = arith.constant 0 : i32
    %dma_start3A_8 = arith.constant 0 : i32
    %dma_start3A_9 = arith.constant 0 : i32
    %dma_start3A_10 = tpu.memref_slice %arg6[%dma_start3A_7, %dma_start3A_8, %dma_start3A_9] : memref<2x256x128xf32, #tpu.memory_space<vmem>> -> memref<1x256x128xf32, #tpu.memory_space<vmem>>
    %dma_start3A_11 = tpu.memref_squeeze %dma_start3A_10 : memref<1x256x128xf32, #tpu.memory_space<vmem>> -> memref<256x128xf32, #tpu.memory_space<vmem>>
    %dma_start3A_12 = arith.constant 0 : i32
    %dma_start3A_13 = tpu.memref_slice %arg5[%dma_start3A, %dma_start3A_12] : memref<2x256xi32, #tpu.memory_space<vmem>> -> memref<1x256xi32, #tpu.memory_space<vmem>>
    %dma_start3A_14 = tpu.memref_squeeze %dma_start3A_13 : memref<1x256xi32, #tpu.memory_space<vmem>> -> memref<256xi32, #tpu.memory_space<vmem>>
    %dma_start3A_15 = arith.constant 0 : i32
    %dma_start3A_16 = arith.constant 0 : i32
    %dma_start3A_17 = tpu.memref_slice %arg2[%dma_start3A_15, %dma_start3A_16] : memref<1000000x128xf32, #tpu.memory_space<hbm>> -> memref<1000000x128xf32, #tpu.memory_space<hbm>>
    tpu.enqueue_indirect_dma source(%dma_start3A_17 : memref<1000000x128xf32, #tpu.memory_space<hbm>>) target(%dma_start3A_11 : memref<256x128xf32, #tpu.memory_space<vmem>>) offsets(%dma_start3A_14 : memref<256xi32, #tpu.memory_space<vmem>>) semaphore(%arg7 : memref<!tpu.dma_semaphore, #tpu.memory_space<semaphore_mem>>)
    %add3A_18 = arith.constant 1 : i32
    %add3A_19 = arith.addi %mul3A_2, %add3A_18 : i32
    %mul3A_20 = arith.constant 256 : i32
    %mul3A_21 = arith.muli %add3A_19, %mul3A_20 : i32
    %run_scoped3A_22 = arith.constant 1 : i32
    "tpu.region"() ({
      %run_scoped3A_1451 = tpu.sem_alloc : memref<!tpu.dma_semaphore, #tpu.memory_space<semaphore_mem>>
      %dma_start3A_1452 = arith.constant 0 : i32
      %dma_start3A_1453 = tpu.memref_slice %arg5[%run_scoped3A_22, %dma_start3A_1452] : memref<2x256xi32, #tpu.memory_space<vmem>> -> memref<1x256xi32, #tpu.memory_space<vmem>>
      %dma_start3A_1454 = tpu.memref_squeeze %dma_start3A_1453 : memref<1x256xi32, #tpu.memory_space<vmem>> -> memref<256xi32, #tpu.memory_space<vmem>>
      %dma_start3A_1455 = tpu.memref_slice %arg3[%mul3A_21] : memref<204800xi32, #tpu.memory_space<hbm>> -> memref<256xi32, #tpu.memory_space<hbm>>
      %dma_start3A_1456 = arith.constant 0 : i32
      %dma_start3A_1457 = tpu.memref_slice %arg5[%run_scoped3A_22, %dma_start3A_1456] : memref<2x256xi32, #tpu.memory_space<vmem>> -> memref<1x256xi32, #tpu.memory_space<vmem>>
      %dma_start3A_1458 = tpu.memref_squeeze %dma_start3A_1457 : memref<1x256xi32, #tpu.memory_space<vmem>> -> memref<256xi32, #tpu.memory_space<vmem>>
      %dma_start3A_1459 = tpu.memref_slice %arg3[%mul3A_21] : memref<204800xi32, #tpu.memory_space<hbm>> -> memref<256xi32, #tpu.memory_space<hbm>>
      tpu.enqueue_dma source(%dma_start3A_1459 : memref<256xi32, #tpu.memory_space<hbm>>) target(%dma_start3A_1458 : memref<256xi32, #tpu.memory_space<vmem>>) target_semaphore(%run_scoped3A_1451 : memref<!tpu.dma_semaphore, #tpu.memory_space<semaphore_mem>>)
      %dma_wait3A_1460 = arith.constant 0 : i32
      %dma_wait3A_1461 = tpu.memref_slice %arg5[%run_scoped3A_22, %dma_wait3A_1460] : memref<2x256xi32, #tpu.memory_space<vmem>> -> memref<1x256xi32, #tpu.memory_space<vmem>>
      %dma_wait3A_1462 = tpu.memref_squeeze %dma_wait3A_1461 : memref<1x256xi32, #tpu.memory_space<vmem>> -> memref<256xi32, #tpu.memory_space<vmem>>
      %dma_wait3A_1463 = tpu.memref_slice %arg3[%mul3A_21] : memref<204800xi32, #tpu.memory_space<hbm>> -> memref<256xi32, #tpu.memory_space<hbm>>
      %dma_wait3A_1464 = arith.constant 0 : i32
      %dma_wait3A_1465 = tpu.memref_slice %arg5[%run_scoped3A_22, %dma_wait3A_1464] : memref<2x256xi32, #tpu.memory_space<vmem>> -> memref<1x256xi32, #tpu.memory_space<vmem>>
      %dma_wait3A_1466 = tpu.memref_squeeze %dma_wait3A_1465 : memref<1x256xi32, #tpu.memory_space<vmem>> -> memref<256xi32, #tpu.memory_space<vmem>>
      %dma_wait3A_1467 = tpu.memref_slice %arg3[%mul3A_21] : memref<204800xi32, #tpu.memory_space<hbm>> -> memref<256xi32, #tpu.memory_space<hbm>>
      tpu.wait_dma2 semaphore(%run_scoped3A_1451 : memref<!tpu.dma_semaphore, #tpu.memory_space<semaphore_mem>>) src(%dma_wait3A_1467 : memref<256xi32, #tpu.memory_space<hbm>>) dst(%dma_wait3A_1466 : memref<256xi32, #tpu.memory_space<vmem>>)
      tpu.yield
    }) : () -> ()
    %dma_start3A_23 = arith.constant 1 : i32
    %dma_start3A_24 = arith.constant 1 : i32
    %dma_start3A_25 = arith.constant 0 : i32
    %dma_start3A_26 = arith.constant 0 : i32
    %dma_start3A_27 = tpu.memref_slice %arg6[%dma_start3A_24, %dma_start3A_25, %dma_start3A_26] : memref<2x256x128xf32, #tpu.memory_space<vmem>> -> memref<1x256x128xf32, #tpu.memory_space<vmem>>
    %dma_start3A_28 = tpu.memref_squeeze %dma_start3A_27 : memref<1x256x128xf32, #tpu.memory_space<vmem>> -> memref<256x128xf32, #tpu.memory_space<vmem>>
    %dma_start3A_29 = arith.constant 0 : i32
    %dma_start3A_30 = tpu.memref_slice %arg5[%dma_start3A_23, %dma_start3A_29] : memref<2x256xi32, #tpu.memory_space<vmem>> -> memref<1x256xi32, #tpu.memory_space<vmem>>
    %dma_start3A_31 = tpu.memref_squeeze %dma_start3A_30 : memref<1x256xi32, #tpu.memory_space<vmem>> -> memref<256xi32, #tpu.memory_space<vmem>>
    %dma_start3A_32 = arith.constant 0 : i32
    %dma_start3A_33 = arith.constant 0 : i32
    %dma_start3A_34 = tpu.memref_slice %arg2[%dma_start3A_32, %dma_start3A_33] : memref<1000000x128xf32, #tpu.memory_space<hbm>> -> memref<1000000x128xf32, #tpu.memory_space<hbm>>
    tpu.enqueue_indirect_dma source(%dma_start3A_34 : memref<1000000x128xf32, #tpu.memory_space<hbm>>) target(%dma_start3A_28 : memref<256x128xf32, #tpu.memory_space<vmem>>) offsets(%dma_start3A_31 : memref<256xi32, #tpu.memory_space<vmem>>) semaphore(%arg8 : memref<!tpu.dma_semaphore, #tpu.memory_space<semaphore_mem>>)
    %dma_wait3A = arith.constant 0 : i32
    %dma_wait3A_35 = arith.constant 0 : i32
    %dma_wait3A_36 = arith.constant 0 : i32
    %dma_wait3A_37 = arith.constant 0 : i32
    %dma_wait3A_38 = tpu.memref_slice %arg6[%dma_wait3A_35, %dma_wait3A_36, %dma_wait3A_37] : memref<2x256x128xf32, #tpu.memory_space<vmem>> -> memref<1x256x128xf32, #tpu.memory_space<vmem>>
    %dma_wait3A_39 = tpu.memref_squeeze %dma_wait3A_38 : memref<1x256x128xf32, #tpu.memory_space<vmem>> -> memref<256x128xf32, #tpu.memory_space<vmem>>
    %dma_wait3A_40 = arith.constant 0 : i32
    %dma_wait3A_41 = tpu.memref_slice %arg5[%dma_wait3A, %dma_wait3A_40] : memref<2x256xi32, #tpu.memory_space<vmem>> -> memref<1x256xi32, #tpu.memory_space<vmem>>
    %dma_wait3A_42 = tpu.memref_squeeze %dma_wait3A_41 : memref<1x256xi32, #tpu.memory_space<vmem>> -> memref<256xi32, #tpu.memory_space<vmem>>
    %dma_wait3A_43 = arith.constant 0 : i32
    %dma_wait3A_44 = arith.constant 0 : i32
    %dma_wait3A_45 = tpu.memref_slice %arg2[%dma_wait3A_43, %dma_wait3A_44] : memref<1000000x128xf32, #tpu.memory_space<hbm>> -> memref<1000000x128xf32, #tpu.memory_space<hbm>>
    tpu.wait_indirect_dma semaphore(%arg7 : memref<!tpu.dma_semaphore, #tpu.memory_space<semaphore_mem>>) src(%dma_wait3A_45 : memref<1000000x128xf32, #tpu.memory_space<hbm>>) dst(%dma_wait3A_39 : memref<256x128xf32, #tpu.memory_space<vmem>>)
    %sub3A = arith.constant 1 : i32
    %sub3A_46 = arith.subi %add3A_19, %sub3A : i32
    %mul3A_47 = arith.constant 256 : i32
    %mul3A_48 = arith.muli %sub3A_46, %mul3A_47 : i32
    %dma_start3A_49 = arith.constant 0 : i32
    %dma_start3A_50 = arith.constant 0 : i32
    %dma_start3A_51 = arith.constant 0 : i32
    %dma_start3A_52 = tpu.memref_slice %arg6[%dma_start3A_49, %dma_start3A_50, %dma_start3A_51] : memref<2x256x128xf32, #tpu.memory_space<vmem>> -> memref<1x256x64xf32, #tpu.memory_space<vmem>>
    %dma_start3A_53 = tpu.memref_squeeze %dma_start3A_52 : memref<1x256x64xf32, #tpu.memory_space<vmem>> -> memref<256x64xf32, #tpu.memory_space<vmem>>
    %dma_start3A_54 = arith.constant 0 : i32
    %dma_start3A_55 = tpu.memref_slice %arg4[%mul3A_48, %dma_start3A_54] : memref<204800x64xf32, #tpu.memory_space<hbm>> -> memref<256x64xf32, #tpu.memory_space<hbm>>
    %dma_start3A_56 = arith.constant 0 : i32
    %dma_start3A_57 = tpu.memref_slice %arg4[%mul3A_48, %dma_start3A_56] : memref<204800x64xf32, #tpu.memory_space<hbm>> -> memref<256x64xf32, #tpu.memory_space<hbm>>
    %dma_start3A_58 = arith.constant 0 : i32
    %dma_start3A_59 = arith.constant 0 : i32
    %dma_start3A_60 = tpu.memref_slice %arg6[%dma_start3A_49, %dma_start3A_58, %dma_start3A_59] : memref<2x256x128xf32, #tpu.memory_space<vmem>> -> memref<1x256x64xf32, #tpu.memory_space<vmem>>
    %dma_start3A_61 = tpu.memref_squeeze %dma_start3A_60 : memref<1x256x64xf32, #tpu.memory_space<vmem>> -> memref<256x64xf32, #tpu.memory_space<vmem>>
    tpu.enqueue_dma source(%dma_start3A_61 : memref<256x64xf32, #tpu.memory_space<vmem>>) target(%dma_start3A_57 : memref<256x64xf32, #tpu.memory_space<hbm>>) target_semaphore(%arg9 : memref<!tpu.dma_semaphore, #tpu.memory_space<semaphore_mem>>)
    %add3A_62 = arith.constant 2 : i32
    %add3A_63 = arith.addi %mul3A_2, %add3A_62 : i32
    %dma_wait3A_64 = arith.constant 0 : i32
    %dma_wait3A_65 = arith.constant 0 : i32
    %dma_wait3A_66 = arith.constant 0 : i32
    %dma_wait3A_67 = tpu.memref_slice %arg6[%dma_wait3A_64, %dma_wait3A_65, %dma_wait3A_66] : memref<2x256x128xf32, #tpu.memory_space<vmem>> -> memref<1x256x64xf32, #tpu.memory_space<vmem>>
    %dma_wait3A_68 = tpu.memref_squeeze %dma_wait3A_67 : memref<1x256x64xf32, #tpu.memory_space<vmem>> -> memref<256x64xf32, #tpu.memory_space<vmem>>
    %dma_wait3A_69 = arith.constant 0 : i32
    %dma_wait3A_70 = tpu.memref_slice %arg4[%mul3A_48, %dma_wait3A_69] : memref<204800x64xf32, #tpu.memory_space<hbm>> -> memref<256x64xf32, #tpu.memory_space<hbm>>
    %dma_wait3A_71 = arith.constant 0 : i32
    %dma_wait3A_72 = tpu.memref_slice %arg4[%mul3A_48, %dma_wait3A_71] : memref<204800x64xf32, #tpu.memory_space<hbm>> -> memref<256x64xf32, #tpu.memory_space<hbm>>
    %dma_wait3A_73 = arith.constant 0 : i32
    %dma_wait3A_74 = arith.constant 0 : i32
    %dma_wait3A_75 = tpu.memref_slice %arg6[%dma_wait3A_64, %dma_wait3A_73, %dma_wait3A_74] : memref<2x256x128xf32, #tpu.memory_space<vmem>> -> memref<1x256x64xf32, #tpu.memory_space<vmem>>
    %dma_wait3A_76 = tpu.memref_squeeze %dma_wait3A_75 : memref<1x256x64xf32, #tpu.memory_space<vmem>> -> memref<256x64xf32, #tpu.memory_space<vmem>>
    tpu.wait_dma2 semaphore(%arg9 : memref<!tpu.dma_semaphore, #tpu.memory_space<semaphore_mem>>) src(%dma_wait3A_76 : memref<256x64xf32, #tpu.memory_space<vmem>>) dst(%dma_wait3A_72 : memref<256x64xf32, #tpu.memory_space<hbm>>)
    %mul3A_77 = arith.constant 256 : i32
    %mul3A_78 = arith.muli %add3A_63, %mul3A_77 : i32
    %run_scoped3A_79 = arith.constant 0 : i32
    "tpu.region"() ({
      %run_scoped3A_1451 = tpu.sem_alloc : memref<!tpu.dma_semaphore, #tpu.memory_space<semaphore_mem>>
      %dma_start3A_1452 = arith.constant 0 : i32
      %dma_start3A_1453 = tpu.memref_slice %arg5[%run_scoped3A_79, %dma_start3A_1452] : memref<2x256xi32, #tpu.memory_space<vmem>> -> memref<1x256xi32, #tpu.memory_space<vmem>>
      %dma_start3A_1454 = tpu.memref_squeeze %dma_start3A_1453 : memref<1x256xi32, #tpu.memory_space<vmem>> -> memref<256xi32, #tpu.memory_space<vmem>>
      %dma_start3A_1455 = tpu.memref_slice %arg3[%mul3A_78] : memref<204800xi32, #tpu.memory_space<hbm>> -> memref<256xi32, #tpu.memory_space<hbm>>
      %dma_start3A_1456 = arith.constant 0 : i32
      %dma_start3A_1457 = tpu.memref_slice %arg5[%run_scoped3A_79, %dma_start3A_1456] : memref<2x256xi32, #tpu.memory_space<vmem>> -> memref<1x256xi32, #tpu.memory_space<vmem>>
      %dma_start3A_1458 = tpu.memref_squeeze %dma_start3A_1457 : memref<1x256xi32, #tpu.memory_space<vmem>> -> memref<256xi32, #tpu.memory_space<vmem>>
      %dma_start3A_1459 = tpu.memref_slice %arg3[%mul3A_78] : memref<204800xi32, #tpu.memory_space<hbm>> -> memref<256xi32, #tpu.memory_space<hbm>>
      tpu.enqueue_dma source(%dma_start3A_1459 : memref<256xi32, #tpu.memory_space<hbm>>) target(%dma_start3A_1458 : memref<256xi32, #tpu.memory_space<vmem>>) target_semaphore(%run_scoped3A_1451 : memref<!tpu.dma_semaphore, #tpu.memory_space<semaphore_mem>>)
      %dma_wait3A_1460 = arith.constant 0 : i32
      %dma_wait3A_1461 = tpu.memref_slice %arg5[%run_scoped3A_79, %dma_wait3A_1460] : memref<2x256xi32, #tpu.memory_space<vmem>> -> memref<1x256xi32, #tpu.memory_space<vmem>>
      %dma_wait3A_1462 = tpu.memref_squeeze %dma_wait3A_1461 : memref<1x256xi32, #tpu.memory_space<vmem>> -> memref<256xi32, #tpu.memory_space<vmem>>
      %dma_wait3A_1463 = tpu.memref_slice %arg3[%mul3A_78] : memref<204800xi32, #tpu.memory_space<hbm>> -> memref<256xi32, #tpu.memory_space<hbm>>
      %dma_wait3A_1464 = arith.constant 0 : i32
      %dma_wait3A_1465 = tpu.memref_slice %arg5[%run_scoped3A_79, %dma_wait3A_1464] : memref<2x256xi32, #tpu.memory_space<vmem>> -> memref<1x256xi32, #tpu.memory_space<vmem>>
      %dma_wait3A_1466 = tpu.memref_squeeze %dma_wait3A_1465 : memref<1x256xi32, #tpu.memory_space<vmem>> -> memref<256xi32, #tpu.memory_space<vmem>>
      %dma_wait3A_1467 = tpu.memref_slice %arg3[%mul3A_78] : memref<204800xi32, #tpu.memory_space<hbm>> -> memref<256xi32, #tpu.memory_space<hbm>>
      tpu.wait_dma2 semaphore(%run_scoped3A_1451 : memref<!tpu.dma_semaphore, #tpu.memory_space<semaphore_mem>>) src(%dma_wait3A_1467 : memref<256xi32, #tpu.memory_space<hbm>>) dst(%dma_wait3A_1466 : memref<256xi32, #tpu.memory_space<vmem>>)
      tpu.yield
    }) : () -> ()
    %dma_start3A_80 = arith.constant 0 : i32
    %dma_start3A_81 = arith.constant 0 : i32
    %dma_start3A_82 = arith.constant 0 : i32
    %dma_start3A_83 = arith.constant 0 : i32
    %dma_start3A_84 = tpu.memref_slice %arg6[%dma_start3A_81, %dma_start3A_82, %dma_start3A_83] : memref<2x256x128xf32, #tpu.memory_space<vmem>> -> memref<1x256x128xf32, #tpu.memory_space<vmem>>
    %dma_start3A_85 = tpu.memref_squeeze %dma_start3A_84 : memref<1x256x128xf32, #tpu.memory_space<vmem>> -> memref<256x128xf32, #tpu.memory_space<vmem>>
    %dma_start3A_86 = arith.constant 0 : i32
    %dma_start3A_87 = tpu.memref_slice %arg5[%dma_start3A_80, %dma_start3A_86] : memref<2x256xi32, #tpu.memory_space<vmem>> -> memref<1x256xi32, #tpu.memory_space<vmem>>
    %dma_start3A_88 = tpu.memref_squeeze %dma_start3A_87 : memref<1x256xi32, #tpu.memory_space<vmem>> -> memref<256xi32, #tpu.memory_space<vmem>>
    %dma_start3A_89 = arith.constant 0 : i32
    %dma_start3A_90 = arith.constant 0 : i32
    %dma_start3A_91 = tpu.memref_slice %arg2[%dma_start3A_89, %dma_start3A_90] : memref<1000000x128xf32, #tpu.memory_space<hbm>> -> memref<1000000x128xf32, #tpu.memory_space<hbm>>
    tpu.enqueue_indirect_dma source(%dma_start3A_91 : memref<1000000x128xf32, #tpu.memory_space<hbm>>) target(%dma_start3A_85 : memref<256x128xf32, #tpu.memory_space<vmem>>) offsets(%dma_start3A_88 : memref<256xi32, #tpu.memory_space<vmem>>) semaphore(%arg7 : memref<!tpu.dma_semaphore, #tpu.memory_space<semaphore_mem>>)
    %dma_wait3A_92 = arith.constant 1 : i32
    %dma_wait3A_93 = arith.constant 1 : i32
    %dma_wait3A_94 = arith.constant 0 : i32
    %dma_wait3A_95 = arith.constant 0 : i32
    %dma_wait3A_96 = tpu.memref_slice %arg6[%dma_wait3A_93, %dma_wait3A_94, %dma_wait3A_95] : memref<2x256x128xf32, #tpu.memory_space<vmem>> -> memref<1x256x128xf32, #tpu.memory_space<vmem>>
    %dma_wait3A_97 = tpu.memref_squeeze %dma_wait3A_96 : memref<1x256x128xf32, #tpu.memory_space<vmem>> -> memref<256x128xf32, #tpu.memory_space<vmem>>
    %dma_wait3A_98 = arith.constant 0 : i32
    %dma_wait3A_99 = tpu.memref_slice %arg5[%dma_wait3A_92, %dma_wait3A_98] : memref<2x256xi32, #tpu.memory_space<vmem>> -> memref<1x256xi32, #tpu.memory_space<vmem>>
    %dma_wait3A_100 = tpu.memref_squeeze %dma_wait3A_99 : memref<1x256xi32, #tpu.memory_space<vmem>> -> memref<256xi32, #tpu.memory_space<vmem>>
    %dma_wait3A_101 = arith.constant 0 : i32
    %dma_wait3A_102 = arith.constant 0 : i32
    %dma_wait3A_103 = tpu.memref_slice %arg2[%dma_wait3A_101, %dma_wait3A_102] : memref<1000000x128xf32, #tpu.memory_space<hbm>> -> memref<1000000x128xf32, #tpu.memory_space<hbm>>
    tpu.wait_indirect_dma semaphore(%arg8 : memref<!tpu.dma_semaphore, #tpu.memory_space<semaphore_mem>>) src(%dma_wait3A_103 : memref<1000000x128xf32, #tpu.memory_space<hbm>>) dst(%dma_wait3A_97 : memref<256x128xf32, #tpu.memory_space<vmem>>)
    %sub3A_104 = arith.constant 1 : i32
    %sub3A_105 = arith.subi %add3A_63, %sub3A_104 : i32
    %mul3A_106 = arith.constant 256 : i32
    %mul3A_107 = arith.muli %sub3A_105, %mul3A_106 : i32
    %dma_start3A_108 = arith.constant 1 : i32
    %dma_start3A_109 = arith.constant 0 : i32
    %dma_start3A_110 = arith.constant 0 : i32
    %dma_start3A_111 = tpu.memref_slice %arg6[%dma_start3A_108, %dma_start3A_109, %dma_start3A_110] : memref<2x256x128xf32, #tpu.memory_space<vmem>> -> memref<1x256x64xf32, #tpu.memory_space<vmem>>
    %dma_start3A_112 = tpu.memref_squeeze %dma_start3A_111 : memref<1x256x64xf32, #tpu.memory_space<vmem>> -> memref<256x64xf32, #tpu.memory_space<vmem>>
    %dma_start3A_113 = arith.constant 0 : i32
    %dma_start3A_114 = tpu.memref_slice %arg4[%mul3A_107, %dma_start3A_113] : memref<204800x64xf32, #tpu.memory_space<hbm>> -> memref<256x64xf32, #tpu.memory_space<hbm>>
    %dma_start3A_115 = arith.constant 0 : i32
    %dma_start3A_116 = tpu.memref_slice %arg4[%mul3A_107, %dma_start3A_115] : memref<204800x64xf32, #tpu.memory_space<hbm>> -> memref<256x64xf32, #tpu.memory_space<hbm>>
    %dma_start3A_117 = arith.constant 0 : i32
    %dma_start3A_118 = arith.constant 0 : i32
    %dma_start3A_119 = tpu.memref_slice %arg6[%dma_start3A_108, %dma_start3A_117, %dma_start3A_118] : memref<2x256x128xf32, #tpu.memory_space<vmem>> -> memref<1x256x64xf32, #tpu.memory_space<vmem>>
    %dma_start3A_120 = tpu.memref_squeeze %dma_start3A_119 : memref<1x256x64xf32, #tpu.memory_space<vmem>> -> memref<256x64xf32, #tpu.memory_space<vmem>>
    tpu.enqueue_dma source(%dma_start3A_120 : memref<256x64xf32, #tpu.memory_space<vmem>>) target(%dma_start3A_116 : memref<256x64xf32, #tpu.memory_space<hbm>>) target_semaphore(%arg10 : memref<!tpu.dma_semaphore, #tpu.memory_space<semaphore_mem>>)
    %add3A_121 = arith.constant 3 : i32
    %add3A_122 = arith.addi %mul3A_2, %add3A_121 : i32
    %dma_wait3A_123 = arith.constant 1 : i32
    %dma_wait3A_124 = arith.constant 0 : i32
    %dma_wait3A_125 = arith.constant 0 : i32
    %dma_wait3A_126 = tpu.memref_slice %arg6[%dma_wait3A_123, %dma_wait3A_124, %dma_wait3A_125] : memref<2x256x128xf32, #tpu.memory_space<vmem>> -> memref<1x256x64xf32, #tpu.memory_space<vmem>>
    %dma_wait3A_127 = tpu.memref_squeeze %dma_wait3A_126 : memref<1x256x64xf32, #tpu.memory_space<vmem>> -> memref<256x64xf32, #tpu.memory_space<vmem>>
    %dma_wait3A_128 = arith.constant 0 : i32
    %dma_wait3A_129 = tpu.memref_slice %arg4[%mul3A_107, %dma_wait3A_128] : memref<204800x64xf32, #tpu.memory_space<hbm>> -> memref<256x64xf32, #tpu.memory_space<hbm>>
    %dma_wait3A_130 = arith.constant 0 : i32
    %dma_wait3A_131 = tpu.memref_slice %arg4[%mul3A_107, %dma_wait3A_130] : memref<204800x64xf32, #tpu.memory_space<hbm>> -> memref<256x64xf32, #tpu.memory_space<hbm>>
    %dma_wait3A_132 = arith.constant 0 : i32
    %dma_wait3A_133 = arith.constant 0 : i32
    %dma_wait3A_134 = tpu.memref_slice %arg6[%dma_wait3A_123, %dma_wait3A_132, %dma_wait3A_133] : memref<2x256x128xf32, #tpu.memory_space<vmem>> -> memref<1x256x64xf32, #tpu.memory_space<vmem>>
    %dma_wait3A_135 = tpu.memref_squeeze %dma_wait3A_134 : memref<1x256x64xf32, #tpu.memory_space<vmem>> -> memref<256x64xf32, #tpu.memory_space<vmem>>
    tpu.wait_dma2 semaphore(%arg10 : memref<!tpu.dma_semaphore, #tpu.memory_space<semaphore_mem>>) src(%dma_wait3A_135 : memref<256x64xf32, #tpu.memory_space<vmem>>) dst(%dma_wait3A_131 : memref<256x64xf32, #tpu.memory_space<hbm>>)
    %mul3A_136 = arith.constant 256 : i32
    %mul3A_137 = arith.muli %add3A_122, %mul3A_136 : i32
    %run_scoped3A_138 = arith.constant 1 : i32
    "tpu.region"() ({
      %run_scoped3A_1451 = tpu.sem_alloc : memref<!tpu.dma_semaphore, #tpu.memory_space<semaphore_mem>>
      %dma_start3A_1452 = arith.constant 0 : i32
      %dma_start3A_1453 = tpu.memref_slice %arg5[%run_scoped3A_138, %dma_start3A_1452] : memref<2x256xi32, #tpu.memory_space<vmem>> -> memref<1x256xi32, #tpu.memory_space<vmem>>
      %dma_start3A_1454 = tpu.memref_squeeze %dma_start3A_1453 : memref<1x256xi32, #tpu.memory_space<vmem>> -> memref<256xi32, #tpu.memory_space<vmem>>
      %dma_start3A_1455 = tpu.memref_slice %arg3[%mul3A_137] : memref<204800xi32, #tpu.memory_space<hbm>> -> memref<256xi32, #tpu.memory_space<hbm>>
      %dma_start3A_1456 = arith.constant 0 : i32
      %dma_start3A_1457 = tpu.memref_slice %arg5[%run_scoped3A_138, %dma_start3A_1456] : memref<2x256xi32, #tpu.memory_space<vmem>> -> memref<1x256xi32, #tpu.memory_space<vmem>>
      %dma_start3A_1458 = tpu.memref_squeeze %dma_start3A_1457 : memref<1x256xi32, #tpu.memory_space<vmem>> -> memref<256xi32, #tpu.memory_space<vmem>>
      %dma_start3A_1459 = tpu.memref_slice %arg3[%mul3A_137] : memref<204800xi32, #tpu.memory_space<hbm>> -> memref<256xi32, #tpu.memory_space<hbm>>
      tpu.enqueue_dma source(%dma_start3A_1459 : memref<256xi32, #tpu.memory_space<hbm>>) target(%dma_start3A_1458 : memref<256xi32, #tpu.memory_space<vmem>>) target_semaphore(%run_scoped3A_1451 : memref<!tpu.dma_semaphore, #tpu.memory_space<semaphore_mem>>)
      %dma_wait3A_1460 = arith.constant 0 : i32
      %dma_wait3A_1461 = tpu.memref_slice %arg5[%run_scoped3A_138, %dma_wait3A_1460] : memref<2x256xi32, #tpu.memory_space<vmem>> -> memref<1x256xi32, #tpu.memory_space<vmem>>
      %dma_wait3A_1462 = tpu.memref_squeeze %dma_wait3A_1461 : memref<1x256xi32, #tpu.memory_space<vmem>> -> memref<256xi32, #tpu.memory_space<vmem>>
      %dma_wait3A_1463 = tpu.memref_slice %arg3[%mul3A_137] : memref<204800xi32, #tpu.memory_space<hbm>> -> memref<256xi32, #tpu.memory_space<hbm>>
      %dma_wait3A_1464 = arith.constant 0 : i32
      %dma_wait3A_1465 = tpu.memref_slice %arg5[%run_scoped3A_138, %dma_wait3A_1464] : memref<2x256xi32, #tpu.memory_space<vmem>> -> memref<1x256xi32, #tpu.memory_space<vmem>>
      %dma_wait3A_1466 = tpu.memref_squeeze %dma_wait3A_1465 : memref<1x256xi32, #tpu.memory_space<vmem>> -> memref<256xi32, #tpu.memory_space<vmem>>
      %dma_wait3A_1467 = tpu.memref_slice %arg3[%mul3A_137] : memref<204800xi32, #tpu.memory_space<hbm>> -> memref<256xi32, #tpu.memory_space<hbm>>
      tpu.wait_dma2 semaphore(%run_scoped3A_1451 : memref<!tpu.dma_semaphore, #tpu.memory_space<semaphore_mem>>) src(%dma_wait3A_1467 : memref<256xi32, #tpu.memory_space<hbm>>) dst(%dma_wait3A_1466 : memref<256xi32, #tpu.memory_space<vmem>>)
      tpu.yield
    }) : () -> ()
    %dma_start3A_139 = arith.constant 1 : i32
    %dma_start3A_140 = arith.constant 1 : i32
    %dma_start3A_141 = arith.constant 0 : i32
    %dma_start3A_142 = arith.constant 0 : i32
    %dma_start3A_143 = tpu.memref_slice %arg6[%dma_start3A_140, %dma_start3A_141, %dma_start3A_142] : memref<2x256x128xf32, #tpu.memory_space<vmem>> -> memref<1x256x128xf32, #tpu.memory_space<vmem>>
    %dma_start3A_144 = tpu.memref_squeeze %dma_start3A_143 : memref<1x256x128xf32, #tpu.memory_space<vmem>> -> memref<256x128xf32, #tpu.memory_space<vmem>>
    %dma_start3A_145 = arith.constant 0 : i32
    %dma_start3A_146 = tpu.memref_slice %arg5[%dma_start3A_139, %dma_start3A_145] : memref<2x256xi32, #tpu.memory_space<vmem>> -> memref<1x256xi32, #tpu.memory_space<vmem>>
    %dma_start3A_147 = tpu.memref_squeeze %dma_start3A_146 : memref<1x256xi32, #tpu.memory_space<vmem>> -> memref<256xi32, #tpu.memory_space<vmem>>
    %dma_start3A_148 = arith.constant 0 : i32
    %dma_start3A_149 = arith.constant 0 : i32
    %dma_start3A_150 = tpu.memref_slice %arg2[%dma_start3A_148, %dma_start3A_149] : memref<1000000x128xf32, #tpu.memory_space<hbm>> -> memref<1000000x128xf32, #tpu.memory_space<hbm>>
    tpu.enqueue_indirect_dma source(%dma_start3A_150 : memref<1000000x128xf32, #tpu.memory_space<hbm>>) target(%dma_start3A_144 : memref<256x128xf32, #tpu.memory_space<vmem>>) offsets(%dma_start3A_147 : memref<256xi32, #tpu.memory_space<vmem>>) semaphore(%arg8 : memref<!tpu.dma_semaphore, #tpu.memory_space<semaphore_mem>>)
    %dma_wait3A_151 = arith.constant 0 : i32
    %dma_wait3A_152 = arith.constant 0 : i32
    %dma_wait3A_153 = arith.constant 0 : i32
    %dma_wait3A_154 = arith.constant 0 : i32
    %dma_wait3A_155 = tpu.memref_slice %arg6[%dma_wait3A_152, %dma_wait3A_153, %dma_wait3A_154] : memref<2x256x128xf32, #tpu.memory_space<vmem>> -> memref<1x256x128xf32, #tpu.memory_space<vmem>>
    %dma_wait3A_156 = tpu.memref_squeeze %dma_wait3A_155 : memref<1x256x128xf32, #tpu.memory_space<vmem>> -> memref<256x128xf32, #tpu.memory_space<vmem>>
    %dma_wait3A_157 = arith.constant 0 : i32
    %dma_wait3A_158 = tpu.memref_slice %arg5[%dma_wait3A_151, %dma_wait3A_157] : memref<2x256xi32, #tpu.memory_space<vmem>> -> memref<1x256xi32, #tpu.memory_space<vmem>>
    %dma_wait3A_159 = tpu.memref_squeeze %dma_wait3A_158 : memref<1x256xi32, #tpu.memory_space<vmem>> -> memref<256xi32, #tpu.memory_space<vmem>>
    %dma_wait3A_160 = arith.constant 0 : i32
    %dma_wait3A_161 = arith.constant 0 : i32
    %dma_wait3A_162 = tpu.memref_slice %arg2[%dma_wait3A_160, %dma_wait3A_161] : memref<1000000x128xf32, #tpu.memory_space<hbm>> -> memref<1000000x128xf32, #tpu.memory_space<hbm>>
    tpu.wait_indirect_dma semaphore(%arg7 : memref<!tpu.dma_semaphore, #tpu.memory_space<semaphore_mem>>) src(%dma_wait3A_162 : memref<1000000x128xf32, #tpu.memory_space<hbm>>) dst(%dma_wait3A_156 : memref<256x128xf32, #tpu.memory_space<vmem>>)
    %sub3A_163 = arith.constant 1 : i32
    %sub3A_164 = arith.subi %add3A_122, %sub3A_163 : i32
    %mul3A_165 = arith.constant 256 : i32
    %mul3A_166 = arith.muli %sub3A_164, %mul3A_165 : i32
    %dma_start3A_167 = arith.constant 0 : i32
    %dma_start3A_168 = arith.constant 0 : i32
    %dma_start3A_169 = arith.constant 0 : i32
    %dma_start3A_170 = tpu.memref_slice %arg6[%dma_start3A_167, %dma_start3A_168, %dma_start3A_169] : memref<2x256x128xf32, #tpu.memory_space<vmem>> -> memref<1x256x64xf32, #tpu.memory_space<vmem>>
    %dma_start3A_171 = tpu.memref_squeeze %dma_start3A_170 : memref<1x256x64xf32, #tpu.memory_space<vmem>> -> memref<256x64xf32, #tpu.memory_space<vmem>>
    %dma_start3A_172 = arith.constant 0 : i32
    %dma_start3A_173 = tpu.memref_slice %arg4[%mul3A_166, %dma_start3A_172] : memref<204800x64xf32, #tpu.memory_space<hbm>> -> memref<256x64xf32, #tpu.memory_space<hbm>>
    %dma_start3A_174 = arith.constant 0 : i32
    %dma_start3A_175 = tpu.memref_slice %arg4[%mul3A_166, %dma_start3A_174] : memref<204800x64xf32, #tpu.memory_space<hbm>> -> memref<256x64xf32, #tpu.memory_space<hbm>>
    %dma_start3A_176 = arith.constant 0 : i32
    %dma_start3A_177 = arith.constant 0 : i32
    %dma_start3A_178 = tpu.memref_slice %arg6[%dma_start3A_167, %dma_start3A_176, %dma_start3A_177] : memref<2x256x128xf32, #tpu.memory_space<vmem>> -> memref<1x256x64xf32, #tpu.memory_space<vmem>>
    %dma_start3A_179 = tpu.memref_squeeze %dma_start3A_178 : memref<1x256x64xf32, #tpu.memory_space<vmem>> -> memref<256x64xf32, #tpu.memory_space<vmem>>
    tpu.enqueue_dma source(%dma_start3A_179 : memref<256x64xf32, #tpu.memory_space<vmem>>) target(%dma_start3A_175 : memref<256x64xf32, #tpu.memory_space<hbm>>) target_semaphore(%arg9 : memref<!tpu.dma_semaphore, #tpu.memory_space<semaphore_mem>>)
    %add3A_180 = arith.constant 4 : i32
    %add3A_181 = arith.addi %mul3A_2, %add3A_180 : i32
    %dma_wait3A_182 = arith.constant 0 : i32
    %dma_wait3A_183 = arith.constant 0 : i32
    %dma_wait3A_184 = arith.constant 0 : i32
    %dma_wait3A_185 = tpu.memref_slice %arg6[%dma_wait3A_182, %dma_wait3A_183, %dma_wait3A_184] : memref<2x256x128xf32, #tpu.memory_space<vmem>> -> memref<1x256x64xf32, #tpu.memory_space<vmem>>
    %dma_wait3A_186 = tpu.memref_squeeze %dma_wait3A_185 : memref<1x256x64xf32, #tpu.memory_space<vmem>> -> memref<256x64xf32, #tpu.memory_space<vmem>>
    %dma_wait3A_187 = arith.constant 0 : i32
    %dma_wait3A_188 = tpu.memref_slice %arg4[%mul3A_166, %dma_wait3A_187] : memref<204800x64xf32, #tpu.memory_space<hbm>> -> memref<256x64xf32, #tpu.memory_space<hbm>>
    %dma_wait3A_189 = arith.constant 0 : i32
    %dma_wait3A_190 = tpu.memref_slice %arg4[%mul3A_166, %dma_wait3A_189] : memref<204800x64xf32, #tpu.memory_space<hbm>> -> memref<256x64xf32, #tpu.memory_space<hbm>>
    %dma_wait3A_191 = arith.constant 0 : i32
    %dma_wait3A_192 = arith.constant 0 : i32
    %dma_wait3A_193 = tpu.memref_slice %arg6[%dma_wait3A_182, %dma_wait3A_191, %dma_wait3A_192] : memref<2x256x128xf32, #tpu.memory_space<vmem>> -> memref<1x256x64xf32, #tpu.memory_space<vmem>>
    %dma_wait3A_194 = tpu.memref_squeeze %dma_wait3A_193 : memref<1x256x64xf32, #tpu.memory_space<vmem>> -> memref<256x64xf32, #tpu.memory_space<vmem>>
    tpu.wait_dma2 semaphore(%arg9 : memref<!tpu.dma_semaphore, #tpu.memory_space<semaphore_mem>>) src(%dma_wait3A_194 : memref<256x64xf32, #tpu.memory_space<vmem>>) dst(%dma_wait3A_190 : memref<256x64xf32, #tpu.memory_space<hbm>>)
    %mul3A_195 = arith.constant 256 : i32
    %mul3A_196 = arith.muli %add3A_181, %mul3A_195 : i32
    %run_scoped3A_197 = arith.constant 0 : i32
    "tpu.region"() ({
      %run_scoped3A_1451 = tpu.sem_alloc : memref<!tpu.dma_semaphore, #tpu.memory_space<semaphore_mem>>
      %dma_start3A_1452 = arith.constant 0 : i32
      %dma_start3A_1453 = tpu.memref_slice %arg5[%run_scoped3A_197, %dma_start3A_1452] : memref<2x256xi32, #tpu.memory_space<vmem>> -> memref<1x256xi32, #tpu.memory_space<vmem>>
      %dma_start3A_1454 = tpu.memref_squeeze %dma_start3A_1453 : memref<1x256xi32, #tpu.memory_space<vmem>> -> memref<256xi32, #tpu.memory_space<vmem>>
      %dma_start3A_1455 = tpu.memref_slice %arg3[%mul3A_196] : memref<204800xi32, #tpu.memory_space<hbm>> -> memref<256xi32, #tpu.memory_space<hbm>>
      %dma_start3A_1456 = arith.constant 0 : i32
      %dma_start3A_1457 = tpu.memref_slice %arg5[%run_scoped3A_197, %dma_start3A_1456] : memref<2x256xi32, #tpu.memory_space<vmem>> -> memref<1x256xi32, #tpu.memory_space<vmem>>
      %dma_start3A_1458 = tpu.memref_squeeze %dma_start3A_1457 : memref<1x256xi32, #tpu.memory_space<vmem>> -> memref<256xi32, #tpu.memory_space<vmem>>
      %dma_start3A_1459 = tpu.memref_slice %arg3[%mul3A_196] : memref<204800xi32, #tpu.memory_space<hbm>> -> memref<256xi32, #tpu.memory_space<hbm>>
      tpu.enqueue_dma source(%dma_start3A_1459 : memref<256xi32, #tpu.memory_space<hbm>>) target(%dma_start3A_1458 : memref<256xi32, #tpu.memory_space<vmem>>) target_semaphore(%run_scoped3A_1451 : memref<!tpu.dma_semaphore, #tpu.memory_space<semaphore_mem>>)
      %dma_wait3A_1460 = arith.constant 0 : i32
      %dma_wait3A_1461 = tpu.memref_slice %arg5[%run_scoped3A_197, %dma_wait3A_1460] : memref<2x256xi32, #tpu.memory_space<vmem>> -> memref<1x256xi32, #tpu.memory_space<vmem>>
      %dma_wait3A_1462 = tpu.memref_squeeze %dma_wait3A_1461 : memref<1x256xi32, #tpu.memory_space<vmem>> -> memref<256xi32, #tpu.memory_space<vmem>>
      %dma_wait3A_1463 = tpu.memref_slice %arg3[%mul3A_196] : memref<204800xi32, #tpu.memory_space<hbm>> -> memref<256xi32, #tpu.memory_space<hbm>>
      %dma_wait3A_1464 = arith.constant 0 : i32
      %dma_wait3A_1465 = tpu.memref_slice %arg5[%run_scoped3A_197, %dma_wait3A_1464] : memref<2x256xi32, #tpu.memory_space<vmem>> -> memref<1x256xi32, #tpu.memory_space<vmem>>
      %dma_wait3A_1466 = tpu.memref_squeeze %dma_wait3A_1465 : memref<1x256xi32, #tpu.memory_space<vmem>> -> memref<256xi32, #tpu.memory_space<vmem>>
      %dma_wait3A_1467 = tpu.memref_slice %arg3[%mul3A_196] : memref<204800xi32, #tpu.memory_space<hbm>> -> memref<256xi32, #tpu.memory_space<hbm>>
      tpu.wait_dma2 semaphore(%run_scoped3A_1451 : memref<!tpu.dma_semaphore, #tpu.memory_space<semaphore_mem>>) src(%dma_wait3A_1467 : memref<256xi32, #tpu.memory_space<hbm>>) dst(%dma_wait3A_1466 : memref<256xi32, #tpu.memory_space<vmem>>)
      tpu.yield
    }) : () -> ()
    %dma_start3A_198 = arith.constant 0 : i32
    %dma_start3A_199 = arith.constant 0 : i32
    %dma_start3A_200 = arith.constant 0 : i32
    %dma_start3A_201 = arith.constant 0 : i32
    %dma_start3A_202 = tpu.memref_slice %arg6[%dma_start3A_199, %dma_start3A_200, %dma_start3A_201] : memref<2x256x128xf32, #tpu.memory_space<vmem>> -> memref<1x256x128xf32, #tpu.memory_space<vmem>>
    %dma_start3A_203 = tpu.memref_squeeze %dma_start3A_202 : memref<1x256x128xf32, #tpu.memory_space<vmem>> -> memref<256x128xf32, #tpu.memory_space<vmem>>
    %dma_start3A_204 = arith.constant 0 : i32
    %dma_start3A_205 = tpu.memref_slice %arg5[%dma_start3A_198, %dma_start3A_204] : memref<2x256xi32, #tpu.memory_space<vmem>> -> memref<1x256xi32, #tpu.memory_space<vmem>>
    %dma_start3A_206 = tpu.memref_squeeze %dma_start3A_205 : memref<1x256xi32, #tpu.memory_space<vmem>> -> memref<256xi32, #tpu.memory_space<vmem>>
    %dma_start3A_207 = arith.constant 0 : i32
    %dma_start3A_208 = arith.constant 0 : i32
    %dma_start3A_209 = tpu.memref_slice %arg2[%dma_start3A_207, %dma_start3A_208] : memref<1000000x128xf32, #tpu.memory_space<hbm>> -> memref<1000000x128xf32, #tpu.memory_space<hbm>>
    tpu.enqueue_indirect_dma source(%dma_start3A_209 : memref<1000000x128xf32, #tpu.memory_space<hbm>>) target(%dma_start3A_203 : memref<256x128xf32, #tpu.memory_space<vmem>>) offsets(%dma_start3A_206 : memref<256xi32, #tpu.memory_space<vmem>>) semaphore(%arg7 : memref<!tpu.dma_semaphore, #tpu.memory_space<semaphore_mem>>)
    %dma_wait3A_210 = arith.constant 1 : i32
    %dma_wait3A_211 = arith.constant 1 : i32
    %dma_wait3A_212 = arith.constant 0 : i32
    %dma_wait3A_213 = arith.constant 0 : i32
    %dma_wait3A_214 = tpu.memref_slice %arg6[%dma_wait3A_211, %dma_wait3A_212, %dma_wait3A_213] : memref<2x256x128xf32, #tpu.memory_space<vmem>> -> memref<1x256x128xf32, #tpu.memory_space<vmem>>
    %dma_wait3A_215 = tpu.memref_squeeze %dma_wait3A_214 : memref<1x256x128xf32, #tpu.memory_space<vmem>> -> memref<256x128xf32, #tpu.memory_space<vmem>>
    %dma_wait3A_216 = arith.constant 0 : i32
    %dma_wait3A_217 = tpu.memref_slice %arg5[%dma_wait3A_210, %dma_wait3A_216] : memref<2x256xi32, #tpu.memory_space<vmem>> -> memref<1x256xi32, #tpu.memory_space<vmem>>
    %dma_wait3A_218 = tpu.memref_squeeze %dma_wait3A_217 : memref<1x256xi32, #tpu.memory_space<vmem>> -> memref<256xi32, #tpu.memory_space<vmem>>
    %dma_wait3A_219 = arith.constant 0 : i32
    %dma_wait3A_220 = arith.constant 0 : i32
    %dma_wait3A_221 = tpu.memref_slice %arg2[%dma_wait3A_219, %dma_wait3A_220] : memref<1000000x128xf32, #tpu.memory_space<hbm>> -> memref<1000000x128xf32, #tpu.memory_space<hbm>>
    tpu.wait_indirect_dma semaphore(%arg8 : memref<!tpu.dma_semaphore, #tpu.memory_space<semaphore_mem>>) src(%dma_wait3A_221 : memref<1000000x128xf32, #tpu.memory_space<hbm>>) dst(%dma_wait3A_215 : memref<256x128xf32, #tpu.memory_space<vmem>>)
    %sub3A_222 = arith.constant 1 : i32
    %sub3A_223 = arith.subi %add3A_181, %sub3A_222 : i32
    %mul3A_224 = arith.constant 256 : i32
    %mul3A_225 = arith.muli %sub3A_223, %mul3A_224 : i32
    %dma_start3A_226 = arith.constant 1 : i32
    %dma_start3A_227 = arith.constant 0 : i32
    %dma_start3A_228 = arith.constant 0 : i32
    %dma_start3A_229 = tpu.memref_slice %arg6[%dma_start3A_226, %dma_start3A_227, %dma_start3A_228] : memref<2x256x128xf32, #tpu.memory_space<vmem>> -> memref<1x256x64xf32, #tpu.memory_space<vmem>>
    %dma_start3A_230 = tpu.memref_squeeze %dma_start3A_229 : memref<1x256x64xf32, #tpu.memory_space<vmem>> -> memref<256x64xf32, #tpu.memory_space<vmem>>
    %dma_start3A_231 = arith.constant 0 : i32
    %dma_start3A_232 = tpu.memref_slice %arg4[%mul3A_225, %dma_start3A_231] : memref<204800x64xf32, #tpu.memory_space<hbm>> -> memref<256x64xf32, #tpu.memory_space<hbm>>
    %dma_start3A_233 = arith.constant 0 : i32
    %dma_start3A_234 = tpu.memref_slice %arg4[%mul3A_225, %dma_start3A_233] : memref<204800x64xf32, #tpu.memory_space<hbm>> -> memref<256x64xf32, #tpu.memory_space<hbm>>
    %dma_start3A_235 = arith.constant 0 : i32
    %dma_start3A_236 = arith.constant 0 : i32
    %dma_start3A_237 = tpu.memref_slice %arg6[%dma_start3A_226, %dma_start3A_235, %dma_start3A_236] : memref<2x256x128xf32, #tpu.memory_space<vmem>> -> memref<1x256x64xf32, #tpu.memory_space<vmem>>
    %dma_start3A_238 = tpu.memref_squeeze %dma_start3A_237 : memref<1x256x64xf32, #tpu.memory_space<vmem>> -> memref<256x64xf32, #tpu.memory_space<vmem>>
    tpu.enqueue_dma source(%dma_start3A_238 : memref<256x64xf32, #tpu.memory_space<vmem>>) target(%dma_start3A_234 : memref<256x64xf32, #tpu.memory_space<hbm>>) target_semaphore(%arg10 : memref<!tpu.dma_semaphore, #tpu.memory_space<semaphore_mem>>)
    %add3A_239 = arith.constant 5 : i32
    %add3A_240 = arith.addi %mul3A_2, %add3A_239 : i32
    %dma_wait3A_241 = arith.constant 1 : i32
    %dma_wait3A_242 = arith.constant 0 : i32
    %dma_wait3A_243 = arith.constant 0 : i32
    %dma_wait3A_244 = tpu.memref_slice %arg6[%dma_wait3A_241, %dma_wait3A_242, %dma_wait3A_243] : memref<2x256x128xf32, #tpu.memory_space<vmem>> -> memref<1x256x64xf32, #tpu.memory_space<vmem>>
    %dma_wait3A_245 = tpu.memref_squeeze %dma_wait3A_244 : memref<1x256x64xf32, #tpu.memory_space<vmem>> -> memref<256x64xf32, #tpu.memory_space<vmem>>
    %dma_wait3A_246 = arith.constant 0 : i32
    %dma_wait3A_247 = tpu.memref_slice %arg4[%mul3A_225, %dma_wait3A_246] : memref<204800x64xf32, #tpu.memory_space<hbm>> -> memref<256x64xf32, #tpu.memory_space<hbm>>
    %dma_wait3A_248 = arith.constant 0 : i32
    %dma_wait3A_249 = tpu.memref_slice %arg4[%mul3A_225, %dma_wait3A_248] : memref<204800x64xf32, #tpu.memory_space<hbm>> -> memref<256x64xf32, #tpu.memory_space<hbm>>
    %dma_wait3A_250 = arith.constant 0 : i32
    %dma_wait3A_251 = arith.constant 0 : i32
    %dma_wait3A_252 = tpu.memref_slice %arg6[%dma_wait3A_241, %dma_wait3A_250, %dma_wait3A_251] : memref<2x256x128xf32, #tpu.memory_space<vmem>> -> memref<1x256x64xf32, #tpu.memory_space<vmem>>
    %dma_wait3A_253 = tpu.memref_squeeze %dma_wait3A_252 : memref<1x256x64xf32, #tpu.memory_space<vmem>> -> memref<256x64xf32, #tpu.memory_space<vmem>>
    tpu.wait_dma2 semaphore(%arg10 : memref<!tpu.dma_semaphore, #tpu.memory_space<semaphore_mem>>) src(%dma_wait3A_253 : memref<256x64xf32, #tpu.memory_space<vmem>>) dst(%dma_wait3A_249 : memref<256x64xf32, #tpu.memory_space<hbm>>)
    %mul3A_254 = arith.constant 256 : i32
    %mul3A_255 = arith.muli %add3A_240, %mul3A_254 : i32
    %run_scoped3A_256 = arith.constant 1 : i32
    "tpu.region"() ({
      %run_scoped3A_1451 = tpu.sem_alloc : memref<!tpu.dma_semaphore, #tpu.memory_space<semaphore_mem>>
      %dma_start3A_1452 = arith.constant 0 : i32
      %dma_start3A_1453 = tpu.memref_slice %arg5[%run_scoped3A_256, %dma_start3A_1452] : memref<2x256xi32, #tpu.memory_space<vmem>> -> memref<1x256xi32, #tpu.memory_space<vmem>>
      %dma_start3A_1454 = tpu.memref_squeeze %dma_start3A_1453 : memref<1x256xi32, #tpu.memory_space<vmem>> -> memref<256xi32, #tpu.memory_space<vmem>>
      %dma_start3A_1455 = tpu.memref_slice %arg3[%mul3A_255] : memref<204800xi32, #tpu.memory_space<hbm>> -> memref<256xi32, #tpu.memory_space<hbm>>
      %dma_start3A_1456 = arith.constant 0 : i32
      %dma_start3A_1457 = tpu.memref_slice %arg5[%run_scoped3A_256, %dma_start3A_1456] : memref<2x256xi32, #tpu.memory_space<vmem>> -> memref<1x256xi32, #tpu.memory_space<vmem>>
      %dma_start3A_1458 = tpu.memref_squeeze %dma_start3A_1457 : memref<1x256xi32, #tpu.memory_space<vmem>> -> memref<256xi32, #tpu.memory_space<vmem>>
      %dma_start3A_1459 = tpu.memref_slice %arg3[%mul3A_255] : memref<204800xi32, #tpu.memory_space<hbm>> -> memref<256xi32, #tpu.memory_space<hbm>>
      tpu.enqueue_dma source(%dma_start3A_1459 : memref<256xi32, #tpu.memory_space<hbm>>) target(%dma_start3A_1458 : memref<256xi32, #tpu.memory_space<vmem>>) target_semaphore(%run_scoped3A_1451 : memref<!tpu.dma_semaphore, #tpu.memory_space<semaphore_mem>>)
      %dma_wait3A_1460 = arith.constant 0 : i32
      %dma_wait3A_1461 = tpu.memref_slice %arg5[%run_scoped3A_256, %dma_wait3A_1460] : memref<2x256xi32, #tpu.memory_space<vmem>> -> memref<1x256xi32, #tpu.memory_space<vmem>>
      %dma_wait3A_1462 = tpu.memref_squeeze %dma_wait3A_1461 : memref<1x256xi32, #tpu.memory_space<vmem>> -> memref<256xi32, #tpu.memory_space<vmem>>
      %dma_wait3A_1463 = tpu.memref_slice %arg3[%mul3A_255] : memref<204800xi32, #tpu.memory_space<hbm>> -> memref<256xi32, #tpu.memory_space<hbm>>
      %dma_wait3A_1464 = arith.constant 0 : i32
      %dma_wait3A_1465 = tpu.memref_slice %arg5[%run_scoped3A_256, %dma_wait3A_1464] : memref<2x256xi32, #tpu.memory_space<vmem>> -> memref<1x256xi32, #tpu.memory_space<vmem>>
      %dma_wait3A_1466 = tpu.memref_squeeze %dma_wait3A_1465 : memref<1x256xi32, #tpu.memory_space<vmem>> -> memref<256xi32, #tpu.memory_space<vmem>>
      %dma_wait3A_1467 = tpu.memref_slice %arg3[%mul3A_255] : memref<204800xi32, #tpu.memory_space<hbm>> -> memref<256xi32, #tpu.memory_space<hbm>>
      tpu.wait_dma2 semaphore(%run_scoped3A_1451 : memref<!tpu.dma_semaphore, #tpu.memory_space<semaphore_mem>>) src(%dma_wait3A_1467 : memref<256xi32, #tpu.memory_space<hbm>>) dst(%dma_wait3A_1466 : memref<256xi32, #tpu.memory_space<vmem>>)
      tpu.yield
    }) : () -> ()
    %dma_start3A_257 = arith.constant 1 : i32
    %dma_start3A_258 = arith.constant 1 : i32
    %dma_start3A_259 = arith.constant 0 : i32
    %dma_start3A_260 = arith.constant 0 : i32
    %dma_start3A_261 = tpu.memref_slice %arg6[%dma_start3A_258, %dma_start3A_259, %dma_start3A_260] : memref<2x256x128xf32, #tpu.memory_space<vmem>> -> memref<1x256x128xf32, #tpu.memory_space<vmem>>
    %dma_start3A_262 = tpu.memref_squeeze %dma_start3A_261 : memref<1x256x128xf32, #tpu.memory_space<vmem>> -> memref<256x128xf32, #tpu.memory_space<vmem>>
    %dma_start3A_263 = arith.constant 0 : i32
    %dma_start3A_264 = tpu.memref_slice %arg5[%dma_start3A_257, %dma_start3A_263] : memref<2x256xi32, #tpu.memory_space<vmem>> -> memref<1x256xi32, #tpu.memory_space<vmem>>
    %dma_start3A_265 = tpu.memref_squeeze %dma_start3A_264 : memref<1x256xi32, #tpu.memory_space<vmem>> -> memref<256xi32, #tpu.memory_space<vmem>>
    %dma_start3A_266 = arith.constant 0 : i32
    %dma_start3A_267 = arith.constant 0 : i32
    %dma_start3A_268 = tpu.memref_slice %arg2[%dma_start3A_266, %dma_start3A_267] : memref<1000000x128xf32, #tpu.memory_space<hbm>> -> memref<1000000x128xf32, #tpu.memory_space<hbm>>
    tpu.enqueue_indirect_dma source(%dma_start3A_268 : memref<1000000x128xf32, #tpu.memory_space<hbm>>) target(%dma_start3A_262 : memref<256x128xf32, #tpu.memory_space<vmem>>) offsets(%dma_start3A_265 : memref<256xi32, #tpu.memory_space<vmem>>) semaphore(%arg8 : memref<!tpu.dma_semaphore, #tpu.memory_space<semaphore_mem>>)
    %dma_wait3A_269 = arith.constant 0 : i32
    %dma_wait3A_270 = arith.constant 0 : i32
    %dma_wait3A_271 = arith.constant 0 : i32
    %dma_wait3A_272 = arith.constant 0 : i32
    %dma_wait3A_273 = tpu.memref_slice %arg6[%dma_wait3A_270, %dma_wait3A_271, %dma_wait3A_272] : memref<2x256x128xf32, #tpu.memory_space<vmem>> -> memref<1x256x128xf32, #tpu.memory_space<vmem>>
    %dma_wait3A_274 = tpu.memref_squeeze %dma_wait3A_273 : memref<1x256x128xf32, #tpu.memory_space<vmem>> -> memref<256x128xf32, #tpu.memory_space<vmem>>
    %dma_wait3A_275 = arith.constant 0 : i32
    %dma_wait3A_276 = tpu.memref_slice %arg5[%dma_wait3A_269, %dma_wait3A_275] : memref<2x256xi32, #tpu.memory_space<vmem>> -> memref<1x256xi32, #tpu.memory_space<vmem>>
    %dma_wait3A_277 = tpu.memref_squeeze %dma_wait3A_276 : memref<1x256xi32, #tpu.memory_space<vmem>> -> memref<256xi32, #tpu.memory_space<vmem>>
    %dma_wait3A_278 = arith.constant 0 : i32
    %dma_wait3A_279 = arith.constant 0 : i32
    %dma_wait3A_280 = tpu.memref_slice %arg2[%dma_wait3A_278, %dma_wait3A_279] : memref<1000000x128xf32, #tpu.memory_space<hbm>> -> memref<1000000x128xf32, #tpu.memory_space<hbm>>
    tpu.wait_indirect_dma semaphore(%arg7 : memref<!tpu.dma_semaphore, #tpu.memory_space<semaphore_mem>>) src(%dma_wait3A_280 : memref<1000000x128xf32, #tpu.memory_space<hbm>>) dst(%dma_wait3A_274 : memref<256x128xf32, #tpu.memory_space<vmem>>)
    %sub3A_281 = arith.constant 1 : i32
    %sub3A_282 = arith.subi %add3A_240, %sub3A_281 : i32
    %mul3A_283 = arith.constant 256 : i32
    %mul3A_284 = arith.muli %sub3A_282, %mul3A_283 : i32
    %dma_start3A_285 = arith.constant 0 : i32
    %dma_start3A_286 = arith.constant 0 : i32
    %dma_start3A_287 = arith.constant 0 : i32
    %dma_start3A_288 = tpu.memref_slice %arg6[%dma_start3A_285, %dma_start3A_286, %dma_start3A_287] : memref<2x256x128xf32, #tpu.memory_space<vmem>> -> memref<1x256x64xf32, #tpu.memory_space<vmem>>
    %dma_start3A_289 = tpu.memref_squeeze %dma_start3A_288 : memref<1x256x64xf32, #tpu.memory_space<vmem>> -> memref<256x64xf32, #tpu.memory_space<vmem>>
    %dma_start3A_290 = arith.constant 0 : i32
    %dma_start3A_291 = tpu.memref_slice %arg4[%mul3A_284, %dma_start3A_290] : memref<204800x64xf32, #tpu.memory_space<hbm>> -> memref<256x64xf32, #tpu.memory_space<hbm>>
    %dma_start3A_292 = arith.constant 0 : i32
    %dma_start3A_293 = tpu.memref_slice %arg4[%mul3A_284, %dma_start3A_292] : memref<204800x64xf32, #tpu.memory_space<hbm>> -> memref<256x64xf32, #tpu.memory_space<hbm>>
    %dma_start3A_294 = arith.constant 0 : i32
    %dma_start3A_295 = arith.constant 0 : i32
    %dma_start3A_296 = tpu.memref_slice %arg6[%dma_start3A_285, %dma_start3A_294, %dma_start3A_295] : memref<2x256x128xf32, #tpu.memory_space<vmem>> -> memref<1x256x64xf32, #tpu.memory_space<vmem>>
    %dma_start3A_297 = tpu.memref_squeeze %dma_start3A_296 : memref<1x256x64xf32, #tpu.memory_space<vmem>> -> memref<256x64xf32, #tpu.memory_space<vmem>>
    tpu.enqueue_dma source(%dma_start3A_297 : memref<256x64xf32, #tpu.memory_space<vmem>>) target(%dma_start3A_293 : memref<256x64xf32, #tpu.memory_space<hbm>>) target_semaphore(%arg9 : memref<!tpu.dma_semaphore, #tpu.memory_space<semaphore_mem>>)
    %add3A_298 = arith.constant 6 : i32
    %add3A_299 = arith.addi %mul3A_2, %add3A_298 : i32
    %dma_wait3A_300 = arith.constant 0 : i32
    %dma_wait3A_301 = arith.constant 0 : i32
    %dma_wait3A_302 = arith.constant 0 : i32
    %dma_wait3A_303 = tpu.memref_slice %arg6[%dma_wait3A_300, %dma_wait3A_301, %dma_wait3A_302] : memref<2x256x128xf32, #tpu.memory_space<vmem>> -> memref<1x256x64xf32, #tpu.memory_space<vmem>>
    %dma_wait3A_304 = tpu.memref_squeeze %dma_wait3A_303 : memref<1x256x64xf32, #tpu.memory_space<vmem>> -> memref<256x64xf32, #tpu.memory_space<vmem>>
    %dma_wait3A_305 = arith.constant 0 : i32
    %dma_wait3A_306 = tpu.memref_slice %arg4[%mul3A_284, %dma_wait3A_305] : memref<204800x64xf32, #tpu.memory_space<hbm>> -> memref<256x64xf32, #tpu.memory_space<hbm>>
    %dma_wait3A_307 = arith.constant 0 : i32
    %dma_wait3A_308 = tpu.memref_slice %arg4[%mul3A_284, %dma_wait3A_307] : memref<204800x64xf32, #tpu.memory_space<hbm>> -> memref<256x64xf32, #tpu.memory_space<hbm>>
    %dma_wait3A_309 = arith.constant 0 : i32
    %dma_wait3A_310 = arith.constant 0 : i32
    %dma_wait3A_311 = tpu.memref_slice %arg6[%dma_wait3A_300, %dma_wait3A_309, %dma_wait3A_310] : memref<2x256x128xf32, #tpu.memory_space<vmem>> -> memref<1x256x64xf32, #tpu.memory_space<vmem>>
    %dma_wait3A_312 = tpu.memref_squeeze %dma_wait3A_311 : memref<1x256x64xf32, #tpu.memory_space<vmem>> -> memref<256x64xf32, #tpu.memory_space<vmem>>
    tpu.wait_dma2 semaphore(%arg9 : memref<!tpu.dma_semaphore, #tpu.memory_space<semaphore_mem>>) src(%dma_wait3A_312 : memref<256x64xf32, #tpu.memory_space<vmem>>) dst(%dma_wait3A_308 : memref<256x64xf32, #tpu.memory_space<hbm>>)
    %mul3A_313 = arith.constant 256 : i32
    %mul3A_314 = arith.muli %add3A_299, %mul3A_313 : i32
    %run_scoped3A_315 = arith.constant 0 : i32
    "tpu.region"() ({
      %run_scoped3A_1451 = tpu.sem_alloc : memref<!tpu.dma_semaphore, #tpu.memory_space<semaphore_mem>>
      %dma_start3A_1452 = arith.constant 0 : i32
      %dma_start3A_1453 = tpu.memref_slice %arg5[%run_scoped3A_315, %dma_start3A_1452] : memref<2x256xi32, #tpu.memory_space<vmem>> -> memref<1x256xi32, #tpu.memory_space<vmem>>
      %dma_start3A_1454 = tpu.memref_squeeze %dma_start3A_1453 : memref<1x256xi32, #tpu.memory_space<vmem>> -> memref<256xi32, #tpu.memory_space<vmem>>
      %dma_start3A_1455 = tpu.memref_slice %arg3[%mul3A_314] : memref<204800xi32, #tpu.memory_space<hbm>> -> memref<256xi32, #tpu.memory_space<hbm>>
      %dma_start3A_1456 = arith.constant 0 : i32
      %dma_start3A_1457 = tpu.memref_slice %arg5[%run_scoped3A_315, %dma_start3A_1456] : memref<2x256xi32, #tpu.memory_space<vmem>> -> memref<1x256xi32, #tpu.memory_space<vmem>>
      %dma_start3A_1458 = tpu.memref_squeeze %dma_start3A_1457 : memref<1x256xi32, #tpu.memory_space<vmem>> -> memref<256xi32, #tpu.memory_space<vmem>>
      %dma_start3A_1459 = tpu.memref_slice %arg3[%mul3A_314] : memref<204800xi32, #tpu.memory_space<hbm>> -> memref<256xi32, #tpu.memory_space<hbm>>
      tpu.enqueue_dma source(%dma_start3A_1459 : memref<256xi32, #tpu.memory_space<hbm>>) target(%dma_start3A_1458 : memref<256xi32, #tpu.memory_space<vmem>>) target_semaphore(%run_scoped3A_1451 : memref<!tpu.dma_semaphore, #tpu.memory_space<semaphore_mem>>)
      %dma_wait3A_1460 = arith.constant 0 : i32
      %dma_wait3A_1461 = tpu.memref_slice %arg5[%run_scoped3A_315, %dma_wait3A_1460] : memref<2x256xi32, #tpu.memory_space<vmem>> -> memref<1x256xi32, #tpu.memory_space<vmem>>
      %dma_wait3A_1462 = tpu.memref_squeeze %dma_wait3A_1461 : memref<1x256xi32, #tpu.memory_space<vmem>> -> memref<256xi32, #tpu.memory_space<vmem>>
      %dma_wait3A_1463 = tpu.memref_slice %arg3[%mul3A_314] : memref<204800xi32, #tpu.memory_space<hbm>> -> memref<256xi32, #tpu.memory_space<hbm>>
      %dma_wait3A_1464 = arith.constant 0 : i32
      %dma_wait3A_1465 = tpu.memref_slice %arg5[%run_scoped3A_315, %dma_wait3A_1464] : memref<2x256xi32, #tpu.memory_space<vmem>> -> memref<1x256xi32, #tpu.memory_space<vmem>>
      %dma_wait3A_1466 = tpu.memref_squeeze %dma_wait3A_1465 : memref<1x256xi32, #tpu.memory_space<vmem>> -> memref<256xi32, #tpu.memory_space<vmem>>
      %dma_wait3A_1467 = tpu.memref_slice %arg3[%mul3A_314] : memref<204800xi32, #tpu.memory_space<hbm>> -> memref<256xi32, #tpu.memory_space<hbm>>
      tpu.wait_dma2 semaphore(%run_scoped3A_1451 : memref<!tpu.dma_semaphore, #tpu.memory_space<semaphore_mem>>) src(%dma_wait3A_1467 : memref<256xi32, #tpu.memory_space<hbm>>) dst(%dma_wait3A_1466 : memref<256xi32, #tpu.memory_space<vmem>>)
      tpu.yield
    }) : () -> ()
    %dma_start3A_316 = arith.constant 0 : i32
    %dma_start3A_317 = arith.constant 0 : i32
    %dma_start3A_318 = arith.constant 0 : i32
    %dma_start3A_319 = arith.constant 0 : i32
    %dma_start3A_320 = tpu.memref_slice %arg6[%dma_start3A_317, %dma_start3A_318, %dma_start3A_319] : memref<2x256x128xf32, #tpu.memory_space<vmem>> -> memref<1x256x128xf32, #tpu.memory_space<vmem>>
    %dma_start3A_321 = tpu.memref_squeeze %dma_start3A_320 : memref<1x256x128xf32, #tpu.memory_space<vmem>> -> memref<256x128xf32, #tpu.memory_space<vmem>>
    %dma_start3A_322 = arith.constant 0 : i32
    %dma_start3A_323 = tpu.memref_slice %arg5[%dma_start3A_316, %dma_start3A_322] : memref<2x256xi32, #tpu.memory_space<vmem>> -> memref<1x256xi32, #tpu.memory_space<vmem>>
    %dma_start3A_324 = tpu.memref_squeeze %dma_start3A_323 : memref<1x256xi32, #tpu.memory_space<vmem>> -> memref<256xi32, #tpu.memory_space<vmem>>
    %dma_start3A_325 = arith.constant 0 : i32
    %dma_start3A_326 = arith.constant 0 : i32
    %dma_start3A_327 = tpu.memref_slice %arg2[%dma_start3A_325, %dma_start3A_326] : memref<1000000x128xf32, #tpu.memory_space<hbm>> -> memref<1000000x128xf32, #tpu.memory_space<hbm>>
    tpu.enqueue_indirect_dma source(%dma_start3A_327 : memref<1000000x128xf32, #tpu.memory_space<hbm>>) target(%dma_start3A_321 : memref<256x128xf32, #tpu.memory_space<vmem>>) offsets(%dma_start3A_324 : memref<256xi32, #tpu.memory_space<vmem>>) semaphore(%arg7 : memref<!tpu.dma_semaphore, #tpu.memory_space<semaphore_mem>>)
    %dma_wait3A_328 = arith.constant 1 : i32
    %dma_wait3A_329 = arith.constant 1 : i32
    %dma_wait3A_330 = arith.constant 0 : i32
    %dma_wait3A_331 = arith.constant 0 : i32
    %dma_wait3A_332 = tpu.memref_slice %arg6[%dma_wait3A_329, %dma_wait3A_330, %dma_wait3A_331] : memref<2x256x128xf32, #tpu.memory_space<vmem>> -> memref<1x256x128xf32, #tpu.memory_space<vmem>>
    %dma_wait3A_333 = tpu.memref_squeeze %dma_wait3A_332 : memref<1x256x128xf32, #tpu.memory_space<vmem>> -> memref<256x128xf32, #tpu.memory_space<vmem>>
    %dma_wait3A_334 = arith.constant 0 : i32
    %dma_wait3A_335 = tpu.memref_slice %arg5[%dma_wait3A_328, %dma_wait3A_334] : memref<2x256xi32, #tpu.memory_space<vmem>> -> memref<1x256xi32, #tpu.memory_space<vmem>>
    %dma_wait3A_336 = tpu.memref_squeeze %dma_wait3A_335 : memref<1x256xi32, #tpu.memory_space<vmem>> -> memref<256xi32, #tpu.memory_space<vmem>>
    %dma_wait3A_337 = arith.constant 0 : i32
    %dma_wait3A_338 = arith.constant 0 : i32
    %dma_wait3A_339 = tpu.memref_slice %arg2[%dma_wait3A_337, %dma_wait3A_338] : memref<1000000x128xf32, #tpu.memory_space<hbm>> -> memref<1000000x128xf32, #tpu.memory_space<hbm>>
    tpu.wait_indirect_dma semaphore(%arg8 : memref<!tpu.dma_semaphore, #tpu.memory_space<semaphore_mem>>) src(%dma_wait3A_339 : memref<1000000x128xf32, #tpu.memory_space<hbm>>) dst(%dma_wait3A_333 : memref<256x128xf32, #tpu.memory_space<vmem>>)
    %sub3A_340 = arith.constant 1 : i32
    %sub3A_341 = arith.subi %add3A_299, %sub3A_340 : i32
    %mul3A_342 = arith.constant 256 : i32
    %mul3A_343 = arith.muli %sub3A_341, %mul3A_342 : i32
    %dma_start3A_344 = arith.constant 1 : i32
    %dma_start3A_345 = arith.constant 0 : i32
    %dma_start3A_346 = arith.constant 0 : i32
    %dma_start3A_347 = tpu.memref_slice %arg6[%dma_start3A_344, %dma_start3A_345, %dma_start3A_346] : memref<2x256x128xf32, #tpu.memory_space<vmem>> -> memref<1x256x64xf32, #tpu.memory_space<vmem>>
    %dma_start3A_348 = tpu.memref_squeeze %dma_start3A_347 : memref<1x256x64xf32, #tpu.memory_space<vmem>> -> memref<256x64xf32, #tpu.memory_space<vmem>>
    %dma_start3A_349 = arith.constant 0 : i32
    %dma_start3A_350 = tpu.memref_slice %arg4[%mul3A_343, %dma_start3A_349] : memref<204800x64xf32, #tpu.memory_space<hbm>> -> memref<256x64xf32, #tpu.memory_space<hbm>>
    %dma_start3A_351 = arith.constant 0 : i32
    %dma_start3A_352 = tpu.memref_slice %arg4[%mul3A_343, %dma_start3A_351] : memref<204800x64xf32, #tpu.memory_space<hbm>> -> memref<256x64xf32, #tpu.memory_space<hbm>>
    %dma_start3A_353 = arith.constant 0 : i32
    %dma_start3A_354 = arith.constant 0 : i32
    %dma_start3A_355 = tpu.memref_slice %arg6[%dma_start3A_344, %dma_start3A_353, %dma_start3A_354] : memref<2x256x128xf32, #tpu.memory_space<vmem>> -> memref<1x256x64xf32, #tpu.memory_space<vmem>>
    %dma_start3A_356 = tpu.memref_squeeze %dma_start3A_355 : memref<1x256x64xf32, #tpu.memory_space<vmem>> -> memref<256x64xf32, #tpu.memory_space<vmem>>
    tpu.enqueue_dma source(%dma_start3A_356 : memref<256x64xf32, #tpu.memory_space<vmem>>) target(%dma_start3A_352 : memref<256x64xf32, #tpu.memory_space<hbm>>) target_semaphore(%arg10 : memref<!tpu.dma_semaphore, #tpu.memory_space<semaphore_mem>>)
    %add3A_357 = arith.constant 7 : i32
    %add3A_358 = arith.addi %mul3A_2, %add3A_357 : i32
    %dma_wait3A_359 = arith.constant 1 : i32
    %dma_wait3A_360 = arith.constant 0 : i32
    %dma_wait3A_361 = arith.constant 0 : i32
    %dma_wait3A_362 = tpu.memref_slice %arg6[%dma_wait3A_359, %dma_wait3A_360, %dma_wait3A_361] : memref<2x256x128xf32, #tpu.memory_space<vmem>> -> memref<1x256x64xf32, #tpu.memory_space<vmem>>
    %dma_wait3A_363 = tpu.memref_squeeze %dma_wait3A_362 : memref<1x256x64xf32, #tpu.memory_space<vmem>> -> memref<256x64xf32, #tpu.memory_space<vmem>>
    %dma_wait3A_364 = arith.constant 0 : i32
    %dma_wait3A_365 = tpu.memref_slice %arg4[%mul3A_343, %dma_wait3A_364] : memref<204800x64xf32, #tpu.memory_space<hbm>> -> memref<256x64xf32, #tpu.memory_space<hbm>>
    %dma_wait3A_366 = arith.constant 0 : i32
    %dma_wait3A_367 = tpu.memref_slice %arg4[%mul3A_343, %dma_wait3A_366] : memref<204800x64xf32, #tpu.memory_space<hbm>> -> memref<256x64xf32, #tpu.memory_space<hbm>>
    %dma_wait3A_368 = arith.constant 0 : i32
    %dma_wait3A_369 = arith.constant 0 : i32
    %dma_wait3A_370 = tpu.memref_slice %arg6[%dma_wait3A_359, %dma_wait3A_368, %dma_wait3A_369] : memref<2x256x128xf32, #tpu.memory_space<vmem>> -> memref<1x256x64xf32, #tpu.memory_space<vmem>>
    %dma_wait3A_371 = tpu.memref_squeeze %dma_wait3A_370 : memref<1x256x64xf32, #tpu.memory_space<vmem>> -> memref<256x64xf32, #tpu.memory_space<vmem>>
    tpu.wait_dma2 semaphore(%arg10 : memref<!tpu.dma_semaphore, #tpu.memory_space<semaphore_mem>>) src(%dma_wait3A_371 : memref<256x64xf32, #tpu.memory_space<vmem>>) dst(%dma_wait3A_367 : memref<256x64xf32, #tpu.memory_space<hbm>>)
    %mul3A_372 = arith.constant 256 : i32
    %mul3A_373 = arith.muli %add3A_358, %mul3A_372 : i32
    %run_scoped3A_374 = arith.constant 1 : i32
    "tpu.region"() ({
      %run_scoped3A_1451 = tpu.sem_alloc : memref<!tpu.dma_semaphore, #tpu.memory_space<semaphore_mem>>
      %dma_start3A_1452 = arith.constant 0 : i32
      %dma_start3A_1453 = tpu.memref_slice %arg5[%run_scoped3A_374, %dma_start3A_1452] : memref<2x256xi32, #tpu.memory_space<vmem>> -> memref<1x256xi32, #tpu.memory_space<vmem>>
      %dma_start3A_1454 = tpu.memref_squeeze %dma_start3A_1453 : memref<1x256xi32, #tpu.memory_space<vmem>> -> memref<256xi32, #tpu.memory_space<vmem>>
      %dma_start3A_1455 = tpu.memref_slice %arg3[%mul3A_373] : memref<204800xi32, #tpu.memory_space<hbm>> -> memref<256xi32, #tpu.memory_space<hbm>>
      %dma_start3A_1456 = arith.constant 0 : i32
      %dma_start3A_1457 = tpu.memref_slice %arg5[%run_scoped3A_374, %dma_start3A_1456] : memref<2x256xi32, #tpu.memory_space<vmem>> -> memref<1x256xi32, #tpu.memory_space<vmem>>
      %dma_start3A_1458 = tpu.memref_squeeze %dma_start3A_1457 : memref<1x256xi32, #tpu.memory_space<vmem>> -> memref<256xi32, #tpu.memory_space<vmem>>
      %dma_start3A_1459 = tpu.memref_slice %arg3[%mul3A_373] : memref<204800xi32, #tpu.memory_space<hbm>> -> memref<256xi32, #tpu.memory_space<hbm>>
      tpu.enqueue_dma source(%dma_start3A_1459 : memref<256xi32, #tpu.memory_space<hbm>>) target(%dma_start3A_1458 : memref<256xi32, #tpu.memory_space<vmem>>) target_semaphore(%run_scoped3A_1451 : memref<!tpu.dma_semaphore, #tpu.memory_space<semaphore_mem>>)
      %dma_wait3A_1460 = arith.constant 0 : i32
      %dma_wait3A_1461 = tpu.memref_slice %arg5[%run_scoped3A_374, %dma_wait3A_1460] : memref<2x256xi32, #tpu.memory_space<vmem>> -> memref<1x256xi32, #tpu.memory_space<vmem>>
      %dma_wait3A_1462 = tpu.memref_squeeze %dma_wait3A_1461 : memref<1x256xi32, #tpu.memory_space<vmem>> -> memref<256xi32, #tpu.memory_space<vmem>>
      %dma_wait3A_1463 = tpu.memref_slice %arg3[%mul3A_373] : memref<204800xi32, #tpu.memory_space<hbm>> -> memref<256xi32, #tpu.memory_space<hbm>>
      %dma_wait3A_1464 = arith.constant 0 : i32
      %dma_wait3A_1465 = tpu.memref_slice %arg5[%run_scoped3A_374, %dma_wait3A_1464] : memref<2x256xi32, #tpu.memory_space<vmem>> -> memref<1x256xi32, #tpu.memory_space<vmem>>
      %dma_wait3A_1466 = tpu.memref_squeeze %dma_wait3A_1465 : memref<1x256xi32, #tpu.memory_space<vmem>> -> memref<256xi32, #tpu.memory_space<vmem>>
      %dma_wait3A_1467 = tpu.memref_slice %arg3[%mul3A_373] : memref<204800xi32, #tpu.memory_space<hbm>> -> memref<256xi32, #tpu.memory_space<hbm>>
      tpu.wait_dma2 semaphore(%run_scoped3A_1451 : memref<!tpu.dma_semaphore, #tpu.memory_space<semaphore_mem>>) src(%dma_wait3A_1467 : memref<256xi32, #tpu.memory_space<hbm>>) dst(%dma_wait3A_1466 : memref<256xi32, #tpu.memory_space<vmem>>)
      tpu.yield
    }) : () -> ()
    %dma_start3A_375 = arith.constant 1 : i32
    %dma_start3A_376 = arith.constant 1 : i32
    %dma_start3A_377 = arith.constant 0 : i32
    %dma_start3A_378 = arith.constant 0 : i32
    %dma_start3A_379 = tpu.memref_slice %arg6[%dma_start3A_376, %dma_start3A_377, %dma_start3A_378] : memref<2x256x128xf32, #tpu.memory_space<vmem>> -> memref<1x256x128xf32, #tpu.memory_space<vmem>>
    %dma_start3A_380 = tpu.memref_squeeze %dma_start3A_379 : memref<1x256x128xf32, #tpu.memory_space<vmem>> -> memref<256x128xf32, #tpu.memory_space<vmem>>
    %dma_start3A_381 = arith.constant 0 : i32
    %dma_start3A_382 = tpu.memref_slice %arg5[%dma_start3A_375, %dma_start3A_381] : memref<2x256xi32, #tpu.memory_space<vmem>> -> memref<1x256xi32, #tpu.memory_space<vmem>>
    %dma_start3A_383 = tpu.memref_squeeze %dma_start3A_382 : memref<1x256xi32, #tpu.memory_space<vmem>> -> memref<256xi32, #tpu.memory_space<vmem>>
    %dma_start3A_384 = arith.constant 0 : i32
    %dma_start3A_385 = arith.constant 0 : i32
    %dma_start3A_386 = tpu.memref_slice %arg2[%dma_start3A_384, %dma_start3A_385] : memref<1000000x128xf32, #tpu.memory_space<hbm>> -> memref<1000000x128xf32, #tpu.memory_space<hbm>>
    tpu.enqueue_indirect_dma source(%dma_start3A_386 : memref<1000000x128xf32, #tpu.memory_space<hbm>>) target(%dma_start3A_380 : memref<256x128xf32, #tpu.memory_space<vmem>>) offsets(%dma_start3A_383 : memref<256xi32, #tpu.memory_space<vmem>>) semaphore(%arg8 : memref<!tpu.dma_semaphore, #tpu.memory_space<semaphore_mem>>)
    %dma_wait3A_387 = arith.constant 0 : i32
    %dma_wait3A_388 = arith.constant 0 : i32
    %dma_wait3A_389 = arith.constant 0 : i32
    %dma_wait3A_390 = arith.constant 0 : i32
    %dma_wait3A_391 = tpu.memref_slice %arg6[%dma_wait3A_388, %dma_wait3A_389, %dma_wait3A_390] : memref<2x256x128xf32, #tpu.memory_space<vmem>> -> memref<1x256x128xf32, #tpu.memory_space<vmem>>
    %dma_wait3A_392 = tpu.memref_squeeze %dma_wait3A_391 : memref<1x256x128xf32, #tpu.memory_space<vmem>> -> memref<256x128xf32, #tpu.memory_space<vmem>>
    %dma_wait3A_393 = arith.constant 0 : i32
    %dma_wait3A_394 = tpu.memref_slice %arg5[%dma_wait3A_387, %dma_wait3A_393] : memref<2x256xi32, #tpu.memory_space<vmem>> -> memref<1x256xi32, #tpu.memory_space<vmem>>
    %dma_wait3A_395 = tpu.memref_squeeze %dma_wait3A_394 : memref<1x256xi32, #tpu.memory_space<vmem>> -> memref<256xi32, #tpu.memory_space<vmem>>
    %dma_wait3A_396 = arith.constant 0 : i32
    %dma_wait3A_397 = arith.constant 0 : i32
    %dma_wait3A_398 = tpu.memref_slice %arg2[%dma_wait3A_396, %dma_wait3A_397] : memref<1000000x128xf32, #tpu.memory_space<hbm>> -> memref<1000000x128xf32, #tpu.memory_space<hbm>>
    tpu.wait_indirect_dma semaphore(%arg7 : memref<!tpu.dma_semaphore, #tpu.memory_space<semaphore_mem>>) src(%dma_wait3A_398 : memref<1000000x128xf32, #tpu.memory_space<hbm>>) dst(%dma_wait3A_392 : memref<256x128xf32, #tpu.memory_space<vmem>>)
    %sub3A_399 = arith.constant 1 : i32
    %sub3A_400 = arith.subi %add3A_358, %sub3A_399 : i32
    %mul3A_401 = arith.constant 256 : i32
    %mul3A_402 = arith.muli %sub3A_400, %mul3A_401 : i32
    %dma_start3A_403 = arith.constant 0 : i32
    %dma_start3A_404 = arith.constant 0 : i32
    %dma_start3A_405 = arith.constant 0 : i32
    %dma_start3A_406 = tpu.memref_slice %arg6[%dma_start3A_403, %dma_start3A_404, %dma_start3A_405] : memref<2x256x128xf32, #tpu.memory_space<vmem>> -> memref<1x256x64xf32, #tpu.memory_space<vmem>>
    %dma_start3A_407 = tpu.memref_squeeze %dma_start3A_406 : memref<1x256x64xf32, #tpu.memory_space<vmem>> -> memref<256x64xf32, #tpu.memory_space<vmem>>
    %dma_start3A_408 = arith.constant 0 : i32
    %dma_start3A_409 = tpu.memref_slice %arg4[%mul3A_402, %dma_start3A_408] : memref<204800x64xf32, #tpu.memory_space<hbm>> -> memref<256x64xf32, #tpu.memory_space<hbm>>
    %dma_start3A_410 = arith.constant 0 : i32
    %dma_start3A_411 = tpu.memref_slice %arg4[%mul3A_402, %dma_start3A_410] : memref<204800x64xf32, #tpu.memory_space<hbm>> -> memref<256x64xf32, #tpu.memory_space<hbm>>
    %dma_start3A_412 = arith.constant 0 : i32
    %dma_start3A_413 = arith.constant 0 : i32
    %dma_start3A_414 = tpu.memref_slice %arg6[%dma_start3A_403, %dma_start3A_412, %dma_start3A_413] : memref<2x256x128xf32, #tpu.memory_space<vmem>> -> memref<1x256x64xf32, #tpu.memory_space<vmem>>
    %dma_start3A_415 = tpu.memref_squeeze %dma_start3A_414 : memref<1x256x64xf32, #tpu.memory_space<vmem>> -> memref<256x64xf32, #tpu.memory_space<vmem>>
    tpu.enqueue_dma source(%dma_start3A_415 : memref<256x64xf32, #tpu.memory_space<vmem>>) target(%dma_start3A_411 : memref<256x64xf32, #tpu.memory_space<hbm>>) target_semaphore(%arg9 : memref<!tpu.dma_semaphore, #tpu.memory_space<semaphore_mem>>)
    %add3A_416 = arith.constant 8 : i32
    %add3A_417 = arith.addi %mul3A_2, %add3A_416 : i32
    %dma_wait3A_418 = arith.constant 0 : i32
    %dma_wait3A_419 = arith.constant 0 : i32
    %dma_wait3A_420 = arith.constant 0 : i32
    %dma_wait3A_421 = tpu.memref_slice %arg6[%dma_wait3A_418, %dma_wait3A_419, %dma_wait3A_420] : memref<2x256x128xf32, #tpu.memory_space<vmem>> -> memref<1x256x64xf32, #tpu.memory_space<vmem>>
    %dma_wait3A_422 = tpu.memref_squeeze %dma_wait3A_421 : memref<1x256x64xf32, #tpu.memory_space<vmem>> -> memref<256x64xf32, #tpu.memory_space<vmem>>
    %dma_wait3A_423 = arith.constant 0 : i32
    %dma_wait3A_424 = tpu.memref_slice %arg4[%mul3A_402, %dma_wait3A_423] : memref<204800x64xf32, #tpu.memory_space<hbm>> -> memref<256x64xf32, #tpu.memory_space<hbm>>
    %dma_wait3A_425 = arith.constant 0 : i32
    %dma_wait3A_426 = tpu.memref_slice %arg4[%mul3A_402, %dma_wait3A_425] : memref<204800x64xf32, #tpu.memory_space<hbm>> -> memref<256x64xf32, #tpu.memory_space<hbm>>
    %dma_wait3A_427 = arith.constant 0 : i32
    %dma_wait3A_428 = arith.constant 0 : i32
    %dma_wait3A_429 = tpu.memref_slice %arg6[%dma_wait3A_418, %dma_wait3A_427, %dma_wait3A_428] : memref<2x256x128xf32, #tpu.memory_space<vmem>> -> memref<1x256x64xf32, #tpu.memory_space<vmem>>
    %dma_wait3A_430 = tpu.memref_squeeze %dma_wait3A_429 : memref<1x256x64xf32, #tpu.memory_space<vmem>> -> memref<256x64xf32, #tpu.memory_space<vmem>>
    tpu.wait_dma2 semaphore(%arg9 : memref<!tpu.dma_semaphore, #tpu.memory_space<semaphore_mem>>) src(%dma_wait3A_430 : memref<256x64xf32, #tpu.memory_space<vmem>>) dst(%dma_wait3A_426 : memref<256x64xf32, #tpu.memory_space<hbm>>)
    %mul3A_431 = arith.constant 256 : i32
    %mul3A_432 = arith.muli %add3A_417, %mul3A_431 : i32
    %run_scoped3A_433 = arith.constant 0 : i32
    "tpu.region"() ({
      %run_scoped3A_1451 = tpu.sem_alloc : memref<!tpu.dma_semaphore, #tpu.memory_space<semaphore_mem>>
      %dma_start3A_1452 = arith.constant 0 : i32
      %dma_start3A_1453 = tpu.memref_slice %arg5[%run_scoped3A_433, %dma_start3A_1452] : memref<2x256xi32, #tpu.memory_space<vmem>> -> memref<1x256xi32, #tpu.memory_space<vmem>>
      %dma_start3A_1454 = tpu.memref_squeeze %dma_start3A_1453 : memref<1x256xi32, #tpu.memory_space<vmem>> -> memref<256xi32, #tpu.memory_space<vmem>>
      %dma_start3A_1455 = tpu.memref_slice %arg3[%mul3A_432] : memref<204800xi32, #tpu.memory_space<hbm>> -> memref<256xi32, #tpu.memory_space<hbm>>
      %dma_start3A_1456 = arith.constant 0 : i32
      %dma_start3A_1457 = tpu.memref_slice %arg5[%run_scoped3A_433, %dma_start3A_1456] : memref<2x256xi32, #tpu.memory_space<vmem>> -> memref<1x256xi32, #tpu.memory_space<vmem>>
      %dma_start3A_1458 = tpu.memref_squeeze %dma_start3A_1457 : memref<1x256xi32, #tpu.memory_space<vmem>> -> memref<256xi32, #tpu.memory_space<vmem>>
      %dma_start3A_1459 = tpu.memref_slice %arg3[%mul3A_432] : memref<204800xi32, #tpu.memory_space<hbm>> -> memref<256xi32, #tpu.memory_space<hbm>>
      tpu.enqueue_dma source(%dma_start3A_1459 : memref<256xi32, #tpu.memory_space<hbm>>) target(%dma_start3A_1458 : memref<256xi32, #tpu.memory_space<vmem>>) target_semaphore(%run_scoped3A_1451 : memref<!tpu.dma_semaphore, #tpu.memory_space<semaphore_mem>>)
      %dma_wait3A_1460 = arith.constant 0 : i32
      %dma_wait3A_1461 = tpu.memref_slice %arg5[%run_scoped3A_433, %dma_wait3A_1460] : memref<2x256xi32, #tpu.memory_space<vmem>> -> memref<1x256xi32, #tpu.memory_space<vmem>>
      %dma_wait3A_1462 = tpu.memref_squeeze %dma_wait3A_1461 : memref<1x256xi32, #tpu.memory_space<vmem>> -> memref<256xi32, #tpu.memory_space<vmem>>
      %dma_wait3A_1463 = tpu.memref_slice %arg3[%mul3A_432] : memref<204800xi32, #tpu.memory_space<hbm>> -> memref<256xi32, #tpu.memory_space<hbm>>
      %dma_wait3A_1464 = arith.constant 0 : i32
      %dma_wait3A_1465 = tpu.memref_slice %arg5[%run_scoped3A_433, %dma_wait3A_1464] : memref<2x256xi32, #tpu.memory_space<vmem>> -> memref<1x256xi32, #tpu.memory_space<vmem>>
      %dma_wait3A_1466 = tpu.memref_squeeze %dma_wait3A_1465 : memref<1x256xi32, #tpu.memory_space<vmem>> -> memref<256xi32, #tpu.memory_space<vmem>>
      %dma_wait3A_1467 = tpu.memref_slice %arg3[%mul3A_432] : memref<204800xi32, #tpu.memory_space<hbm>> -> memref<256xi32, #tpu.memory_space<hbm>>
      tpu.wait_dma2 semaphore(%run_scoped3A_1451 : memref<!tpu.dma_semaphore, #tpu.memory_space<semaphore_mem>>) src(%dma_wait3A_1467 : memref<256xi32, #tpu.memory_space<hbm>>) dst(%dma_wait3A_1466 : memref<256xi32, #tpu.memory_space<vmem>>)
      tpu.yield
    }) : () -> ()
    %dma_start3A_434 = arith.constant 0 : i32
    %dma_start3A_435 = arith.constant 0 : i32
    %dma_start3A_436 = arith.constant 0 : i32
    %dma_start3A_437 = arith.constant 0 : i32
    %dma_start3A_438 = tpu.memref_slice %arg6[%dma_start3A_435, %dma_start3A_436, %dma_start3A_437] : memref<2x256x128xf32, #tpu.memory_space<vmem>> -> memref<1x256x128xf32, #tpu.memory_space<vmem>>
    %dma_start3A_439 = tpu.memref_squeeze %dma_start3A_438 : memref<1x256x128xf32, #tpu.memory_space<vmem>> -> memref<256x128xf32, #tpu.memory_space<vmem>>
    %dma_start3A_440 = arith.constant 0 : i32
    %dma_start3A_441 = tpu.memref_slice %arg5[%dma_start3A_434, %dma_start3A_440] : memref<2x256xi32, #tpu.memory_space<vmem>> -> memref<1x256xi32, #tpu.memory_space<vmem>>
    %dma_start3A_442 = tpu.memref_squeeze %dma_start3A_441 : memref<1x256xi32, #tpu.memory_space<vmem>> -> memref<256xi32, #tpu.memory_space<vmem>>
    %dma_start3A_443 = arith.constant 0 : i32
    %dma_start3A_444 = arith.constant 0 : i32
    %dma_start3A_445 = tpu.memref_slice %arg2[%dma_start3A_443, %dma_start3A_444] : memref<1000000x128xf32, #tpu.memory_space<hbm>> -> memref<1000000x128xf32, #tpu.memory_space<hbm>>
    tpu.enqueue_indirect_dma source(%dma_start3A_445 : memref<1000000x128xf32, #tpu.memory_space<hbm>>) target(%dma_start3A_439 : memref<256x128xf32, #tpu.memory_space<vmem>>) offsets(%dma_start3A_442 : memref<256xi32, #tpu.memory_space<vmem>>) semaphore(%arg7 : memref<!tpu.dma_semaphore, #tpu.memory_space<semaphore_mem>>)
    %dma_wait3A_446 = arith.constant 1 : i32
    %dma_wait3A_447 = arith.constant 1 : i32
    %dma_wait3A_448 = arith.constant 0 : i32
    %dma_wait3A_449 = arith.constant 0 : i32
    %dma_wait3A_450 = tpu.memref_slice %arg6[%dma_wait3A_447, %dma_wait3A_448, %dma_wait3A_449] : memref<2x256x128xf32, #tpu.memory_space<vmem>> -> memref<1x256x128xf32, #tpu.memory_space<vmem>>
    %dma_wait3A_451 = tpu.memref_squeeze %dma_wait3A_450 : memref<1x256x128xf32, #tpu.memory_space<vmem>> -> memref<256x128xf32, #tpu.memory_space<vmem>>
    %dma_wait3A_452 = arith.constant 0 : i32
    %dma_wait3A_453 = tpu.memref_slice %arg5[%dma_wait3A_446, %dma_wait3A_452] : memref<2x256xi32, #tpu.memory_space<vmem>> -> memref<1x256xi32, #tpu.memory_space<vmem>>
    %dma_wait3A_454 = tpu.memref_squeeze %dma_wait3A_453 : memref<1x256xi32, #tpu.memory_space<vmem>> -> memref<256xi32, #tpu.memory_space<vmem>>
    %dma_wait3A_455 = arith.constant 0 : i32
    %dma_wait3A_456 = arith.constant 0 : i32
    %dma_wait3A_457 = tpu.memref_slice %arg2[%dma_wait3A_455, %dma_wait3A_456] : memref<1000000x128xf32, #tpu.memory_space<hbm>> -> memref<1000000x128xf32, #tpu.memory_space<hbm>>
    tpu.wait_indirect_dma semaphore(%arg8 : memref<!tpu.dma_semaphore, #tpu.memory_space<semaphore_mem>>) src(%dma_wait3A_457 : memref<1000000x128xf32, #tpu.memory_space<hbm>>) dst(%dma_wait3A_451 : memref<256x128xf32, #tpu.memory_space<vmem>>)
    %sub3A_458 = arith.constant 1 : i32
    %sub3A_459 = arith.subi %add3A_417, %sub3A_458 : i32
    %mul3A_460 = arith.constant 256 : i32
    %mul3A_461 = arith.muli %sub3A_459, %mul3A_460 : i32
    %dma_start3A_462 = arith.constant 1 : i32
    %dma_start3A_463 = arith.constant 0 : i32
    %dma_start3A_464 = arith.constant 0 : i32
    %dma_start3A_465 = tpu.memref_slice %arg6[%dma_start3A_462, %dma_start3A_463, %dma_start3A_464] : memref<2x256x128xf32, #tpu.memory_space<vmem>> -> memref<1x256x64xf32, #tpu.memory_space<vmem>>
    %dma_start3A_466 = tpu.memref_squeeze %dma_start3A_465 : memref<1x256x64xf32, #tpu.memory_space<vmem>> -> memref<256x64xf32, #tpu.memory_space<vmem>>
    %dma_start3A_467 = arith.constant 0 : i32
    %dma_start3A_468 = tpu.memref_slice %arg4[%mul3A_461, %dma_start3A_467] : memref<204800x64xf32, #tpu.memory_space<hbm>> -> memref<256x64xf32, #tpu.memory_space<hbm>>
    %dma_start3A_469 = arith.constant 0 : i32
    %dma_start3A_470 = tpu.memref_slice %arg4[%mul3A_461, %dma_start3A_469] : memref<204800x64xf32, #tpu.memory_space<hbm>> -> memref<256x64xf32, #tpu.memory_space<hbm>>
    %dma_start3A_471 = arith.constant 0 : i32
    %dma_start3A_472 = arith.constant 0 : i32
    %dma_start3A_473 = tpu.memref_slice %arg6[%dma_start3A_462, %dma_start3A_471, %dma_start3A_472] : memref<2x256x128xf32, #tpu.memory_space<vmem>> -> memref<1x256x64xf32, #tpu.memory_space<vmem>>
    %dma_start3A_474 = tpu.memref_squeeze %dma_start3A_473 : memref<1x256x64xf32, #tpu.memory_space<vmem>> -> memref<256x64xf32, #tpu.memory_space<vmem>>
    tpu.enqueue_dma source(%dma_start3A_474 : memref<256x64xf32, #tpu.memory_space<vmem>>) target(%dma_start3A_470 : memref<256x64xf32, #tpu.memory_space<hbm>>) target_semaphore(%arg10 : memref<!tpu.dma_semaphore, #tpu.memory_space<semaphore_mem>>)
    %add3A_475 = arith.constant 9 : i32
    %add3A_476 = arith.addi %mul3A_2, %add3A_475 : i32
    %dma_wait3A_477 = arith.constant 1 : i32
    %dma_wait3A_478 = arith.constant 0 : i32
    %dma_wait3A_479 = arith.constant 0 : i32
    %dma_wait3A_480 = tpu.memref_slice %arg6[%dma_wait3A_477, %dma_wait3A_478, %dma_wait3A_479] : memref<2x256x128xf32, #tpu.memory_space<vmem>> -> memref<1x256x64xf32, #tpu.memory_space<vmem>>
    %dma_wait3A_481 = tpu.memref_squeeze %dma_wait3A_480 : memref<1x256x64xf32, #tpu.memory_space<vmem>> -> memref<256x64xf32, #tpu.memory_space<vmem>>
    %dma_wait3A_482 = arith.constant 0 : i32
    %dma_wait3A_483 = tpu.memref_slice %arg4[%mul3A_461, %dma_wait3A_482] : memref<204800x64xf32, #tpu.memory_space<hbm>> -> memref<256x64xf32, #tpu.memory_space<hbm>>
    %dma_wait3A_484 = arith.constant 0 : i32
    %dma_wait3A_485 = tpu.memref_slice %arg4[%mul3A_461, %dma_wait3A_484] : memref<204800x64xf32, #tpu.memory_space<hbm>> -> memref<256x64xf32, #tpu.memory_space<hbm>>
    %dma_wait3A_486 = arith.constant 0 : i32
    %dma_wait3A_487 = arith.constant 0 : i32
    %dma_wait3A_488 = tpu.memref_slice %arg6[%dma_wait3A_477, %dma_wait3A_486, %dma_wait3A_487] : memref<2x256x128xf32, #tpu.memory_space<vmem>> -> memref<1x256x64xf32, #tpu.memory_space<vmem>>
    %dma_wait3A_489 = tpu.memref_squeeze %dma_wait3A_488 : memref<1x256x64xf32, #tpu.memory_space<vmem>> -> memref<256x64xf32, #tpu.memory_space<vmem>>
    tpu.wait_dma2 semaphore(%arg10 : memref<!tpu.dma_semaphore, #tpu.memory_space<semaphore_mem>>) src(%dma_wait3A_489 : memref<256x64xf32, #tpu.memory_space<vmem>>) dst(%dma_wait3A_485 : memref<256x64xf32, #tpu.memory_space<hbm>>)
    %mul3A_490 = arith.constant 256 : i32
    %mul3A_491 = arith.muli %add3A_476, %mul3A_490 : i32
    %run_scoped3A_492 = arith.constant 1 : i32
    "tpu.region"() ({
      %run_scoped3A_1451 = tpu.sem_alloc : memref<!tpu.dma_semaphore, #tpu.memory_space<semaphore_mem>>
      %dma_start3A_1452 = arith.constant 0 : i32
      %dma_start3A_1453 = tpu.memref_slice %arg5[%run_scoped3A_492, %dma_start3A_1452] : memref<2x256xi32, #tpu.memory_space<vmem>> -> memref<1x256xi32, #tpu.memory_space<vmem>>
      %dma_start3A_1454 = tpu.memref_squeeze %dma_start3A_1453 : memref<1x256xi32, #tpu.memory_space<vmem>> -> memref<256xi32, #tpu.memory_space<vmem>>
      %dma_start3A_1455 = tpu.memref_slice %arg3[%mul3A_491] : memref<204800xi32, #tpu.memory_space<hbm>> -> memref<256xi32, #tpu.memory_space<hbm>>
      %dma_start3A_1456 = arith.constant 0 : i32
      %dma_start3A_1457 = tpu.memref_slice %arg5[%run_scoped3A_492, %dma_start3A_1456] : memref<2x256xi32, #tpu.memory_space<vmem>> -> memref<1x256xi32, #tpu.memory_space<vmem>>
      %dma_start3A_1458 = tpu.memref_squeeze %dma_start3A_1457 : memref<1x256xi32, #tpu.memory_space<vmem>> -> memref<256xi32, #tpu.memory_space<vmem>>
      %dma_start3A_1459 = tpu.memref_slice %arg3[%mul3A_491] : memref<204800xi32, #tpu.memory_space<hbm>> -> memref<256xi32, #tpu.memory_space<hbm>>
      tpu.enqueue_dma source(%dma_start3A_1459 : memref<256xi32, #tpu.memory_space<hbm>>) target(%dma_start3A_1458 : memref<256xi32, #tpu.memory_space<vmem>>) target_semaphore(%run_scoped3A_1451 : memref<!tpu.dma_semaphore, #tpu.memory_space<semaphore_mem>>)
      %dma_wait3A_1460 = arith.constant 0 : i32
      %dma_wait3A_1461 = tpu.memref_slice %arg5[%run_scoped3A_492, %dma_wait3A_1460] : memref<2x256xi32, #tpu.memory_space<vmem>> -> memref<1x256xi32, #tpu.memory_space<vmem>>
      %dma_wait3A_1462 = tpu.memref_squeeze %dma_wait3A_1461 : memref<1x256xi32, #tpu.memory_space<vmem>> -> memref<256xi32, #tpu.memory_space<vmem>>
      %dma_wait3A_1463 = tpu.memref_slice %arg3[%mul3A_491] : memref<204800xi32, #tpu.memory_space<hbm>> -> memref<256xi32, #tpu.memory_space<hbm>>
      %dma_wait3A_1464 = arith.constant 0 : i32
      %dma_wait3A_1465 = tpu.memref_slice %arg5[%run_scoped3A_492, %dma_wait3A_1464] : memref<2x256xi32, #tpu.memory_space<vmem>> -> memref<1x256xi32, #tpu.memory_space<vmem>>
      %dma_wait3A_1466 = tpu.memref_squeeze %dma_wait3A_1465 : memref<1x256xi32, #tpu.memory_space<vmem>> -> memref<256xi32, #tpu.memory_space<vmem>>
      %dma_wait3A_1467 = tpu.memref_slice %arg3[%mul3A_491] : memref<204800xi32, #tpu.memory_space<hbm>> -> memref<256xi32, #tpu.memory_space<hbm>>
      tpu.wait_dma2 semaphore(%run_scoped3A_1451 : memref<!tpu.dma_semaphore, #tpu.memory_space<semaphore_mem>>) src(%dma_wait3A_1467 : memref<256xi32, #tpu.memory_space<hbm>>) dst(%dma_wait3A_1466 : memref<256xi32, #tpu.memory_space<vmem>>)
      tpu.yield
    }) : () -> ()
    %dma_start3A_493 = arith.constant 1 : i32
    %dma_start3A_494 = arith.constant 1 : i32
    %dma_start3A_495 = arith.constant 0 : i32
    %dma_start3A_496 = arith.constant 0 : i32
    %dma_start3A_497 = tpu.memref_slice %arg6[%dma_start3A_494, %dma_start3A_495, %dma_start3A_496] : memref<2x256x128xf32, #tpu.memory_space<vmem>> -> memref<1x256x128xf32, #tpu.memory_space<vmem>>
    %dma_start3A_498 = tpu.memref_squeeze %dma_start3A_497 : memref<1x256x128xf32, #tpu.memory_space<vmem>> -> memref<256x128xf32, #tpu.memory_space<vmem>>
    %dma_start3A_499 = arith.constant 0 : i32
    %dma_start3A_500 = tpu.memref_slice %arg5[%dma_start3A_493, %dma_start3A_499] : memref<2x256xi32, #tpu.memory_space<vmem>> -> memref<1x256xi32, #tpu.memory_space<vmem>>
    %dma_start3A_501 = tpu.memref_squeeze %dma_start3A_500 : memref<1x256xi32, #tpu.memory_space<vmem>> -> memref<256xi32, #tpu.memory_space<vmem>>
    %dma_start3A_502 = arith.constant 0 : i32
    %dma_start3A_503 = arith.constant 0 : i32
    %dma_start3A_504 = tpu.memref_slice %arg2[%dma_start3A_502, %dma_start3A_503] : memref<1000000x128xf32, #tpu.memory_space<hbm>> -> memref<1000000x128xf32, #tpu.memory_space<hbm>>
    tpu.enqueue_indirect_dma source(%dma_start3A_504 : memref<1000000x128xf32, #tpu.memory_space<hbm>>) target(%dma_start3A_498 : memref<256x128xf32, #tpu.memory_space<vmem>>) offsets(%dma_start3A_501 : memref<256xi32, #tpu.memory_space<vmem>>) semaphore(%arg8 : memref<!tpu.dma_semaphore, #tpu.memory_space<semaphore_mem>>)
    %dma_wait3A_505 = arith.constant 0 : i32
    %dma_wait3A_506 = arith.constant 0 : i32
    %dma_wait3A_507 = arith.constant 0 : i32
    %dma_wait3A_508 = arith.constant 0 : i32
    %dma_wait3A_509 = tpu.memref_slice %arg6[%dma_wait3A_506, %dma_wait3A_507, %dma_wait3A_508] : memref<2x256x128xf32, #tpu.memory_space<vmem>> -> memref<1x256x128xf32, #tpu.memory_space<vmem>>
    %dma_wait3A_510 = tpu.memref_squeeze %dma_wait3A_509 : memref<1x256x128xf32, #tpu.memory_space<vmem>> -> memref<256x128xf32, #tpu.memory_space<vmem>>
    %dma_wait3A_511 = arith.constant 0 : i32
    %dma_wait3A_512 = tpu.memref_slice %arg5[%dma_wait3A_505, %dma_wait3A_511] : memref<2x256xi32, #tpu.memory_space<vmem>> -> memref<1x256xi32, #tpu.memory_space<vmem>>
    %dma_wait3A_513 = tpu.memref_squeeze %dma_wait3A_512 : memref<1x256xi32, #tpu.memory_space<vmem>> -> memref<256xi32, #tpu.memory_space<vmem>>
    %dma_wait3A_514 = arith.constant 0 : i32
    %dma_wait3A_515 = arith.constant 0 : i32
    %dma_wait3A_516 = tpu.memref_slice %arg2[%dma_wait3A_514, %dma_wait3A_515] : memref<1000000x128xf32, #tpu.memory_space<hbm>> -> memref<1000000x128xf32, #tpu.memory_space<hbm>>
    tpu.wait_indirect_dma semaphore(%arg7 : memref<!tpu.dma_semaphore, #tpu.memory_space<semaphore_mem>>) src(%dma_wait3A_516 : memref<1000000x128xf32, #tpu.memory_space<hbm>>) dst(%dma_wait3A_510 : memref<256x128xf32, #tpu.memory_space<vmem>>)
    %sub3A_517 = arith.constant 1 : i32
    %sub3A_518 = arith.subi %add3A_476, %sub3A_517 : i32
    %mul3A_519 = arith.constant 256 : i32
    %mul3A_520 = arith.muli %sub3A_518, %mul3A_519 : i32
    %dma_start3A_521 = arith.constant 0 : i32
    %dma_start3A_522 = arith.constant 0 : i32
    %dma_start3A_523 = arith.constant 0 : i32
    %dma_start3A_524 = tpu.memref_slice %arg6[%dma_start3A_521, %dma_start3A_522, %dma_start3A_523] : memref<2x256x128xf32, #tpu.memory_space<vmem>> -> memref<1x256x64xf32, #tpu.memory_space<vmem>>
    %dma_start3A_525 = tpu.memref_squeeze %dma_start3A_524 : memref<1x256x64xf32, #tpu.memory_space<vmem>> -> memref<256x64xf32, #tpu.memory_space<vmem>>
    %dma_start3A_526 = arith.constant 0 : i32
    %dma_start3A_527 = tpu.memref_slice %arg4[%mul3A_520, %dma_start3A_526] : memref<204800x64xf32, #tpu.memory_space<hbm>> -> memref<256x64xf32, #tpu.memory_space<hbm>>
    %dma_start3A_528 = arith.constant 0 : i32
    %dma_start3A_529 = tpu.memref_slice %arg4[%mul3A_520, %dma_start3A_528] : memref<204800x64xf32, #tpu.memory_space<hbm>> -> memref<256x64xf32, #tpu.memory_space<hbm>>
    %dma_start3A_530 = arith.constant 0 : i32
    %dma_start3A_531 = arith.constant 0 : i32
    %dma_start3A_532 = tpu.memref_slice %arg6[%dma_start3A_521, %dma_start3A_530, %dma_start3A_531] : memref<2x256x128xf32, #tpu.memory_space<vmem>> -> memref<1x256x64xf32, #tpu.memory_space<vmem>>
    %dma_start3A_533 = tpu.memref_squeeze %dma_start3A_532 : memref<1x256x64xf32, #tpu.memory_space<vmem>> -> memref<256x64xf32, #tpu.memory_space<vmem>>
    tpu.enqueue_dma source(%dma_start3A_533 : memref<256x64xf32, #tpu.memory_space<vmem>>) target(%dma_start3A_529 : memref<256x64xf32, #tpu.memory_space<hbm>>) target_semaphore(%arg9 : memref<!tpu.dma_semaphore, #tpu.memory_space<semaphore_mem>>)
    %add3A_534 = arith.constant 10 : i32
    %add3A_535 = arith.addi %mul3A_2, %add3A_534 : i32
    %dma_wait3A_536 = arith.constant 0 : i32
    %dma_wait3A_537 = arith.constant 0 : i32
    %dma_wait3A_538 = arith.constant 0 : i32
    %dma_wait3A_539 = tpu.memref_slice %arg6[%dma_wait3A_536, %dma_wait3A_537, %dma_wait3A_538] : memref<2x256x128xf32, #tpu.memory_space<vmem>> -> memref<1x256x64xf32, #tpu.memory_space<vmem>>
    %dma_wait3A_540 = tpu.memref_squeeze %dma_wait3A_539 : memref<1x256x64xf32, #tpu.memory_space<vmem>> -> memref<256x64xf32, #tpu.memory_space<vmem>>
    %dma_wait3A_541 = arith.constant 0 : i32
    %dma_wait3A_542 = tpu.memref_slice %arg4[%mul3A_520, %dma_wait3A_541] : memref<204800x64xf32, #tpu.memory_space<hbm>> -> memref<256x64xf32, #tpu.memory_space<hbm>>
    %dma_wait3A_543 = arith.constant 0 : i32
    %dma_wait3A_544 = tpu.memref_slice %arg4[%mul3A_520, %dma_wait3A_543] : memref<204800x64xf32, #tpu.memory_space<hbm>> -> memref<256x64xf32, #tpu.memory_space<hbm>>
    %dma_wait3A_545 = arith.constant 0 : i32
    %dma_wait3A_546 = arith.constant 0 : i32
    %dma_wait3A_547 = tpu.memref_slice %arg6[%dma_wait3A_536, %dma_wait3A_545, %dma_wait3A_546] : memref<2x256x128xf32, #tpu.memory_space<vmem>> -> memref<1x256x64xf32, #tpu.memory_space<vmem>>
    %dma_wait3A_548 = tpu.memref_squeeze %dma_wait3A_547 : memref<1x256x64xf32, #tpu.memory_space<vmem>> -> memref<256x64xf32, #tpu.memory_space<vmem>>
    tpu.wait_dma2 semaphore(%arg9 : memref<!tpu.dma_semaphore, #tpu.memory_space<semaphore_mem>>) src(%dma_wait3A_548 : memref<256x64xf32, #tpu.memory_space<vmem>>) dst(%dma_wait3A_544 : memref<256x64xf32, #tpu.memory_space<hbm>>)
    %mul3A_549 = arith.constant 256 : i32
    %mul3A_550 = arith.muli %add3A_535, %mul3A_549 : i32
    %run_scoped3A_551 = arith.constant 0 : i32
    "tpu.region"() ({
      %run_scoped3A_1451 = tpu.sem_alloc : memref<!tpu.dma_semaphore, #tpu.memory_space<semaphore_mem>>
      %dma_start3A_1452 = arith.constant 0 : i32
      %dma_start3A_1453 = tpu.memref_slice %arg5[%run_scoped3A_551, %dma_start3A_1452] : memref<2x256xi32, #tpu.memory_space<vmem>> -> memref<1x256xi32, #tpu.memory_space<vmem>>
      %dma_start3A_1454 = tpu.memref_squeeze %dma_start3A_1453 : memref<1x256xi32, #tpu.memory_space<vmem>> -> memref<256xi32, #tpu.memory_space<vmem>>
      %dma_start3A_1455 = tpu.memref_slice %arg3[%mul3A_550] : memref<204800xi32, #tpu.memory_space<hbm>> -> memref<256xi32, #tpu.memory_space<hbm>>
      %dma_start3A_1456 = arith.constant 0 : i32
      %dma_start3A_1457 = tpu.memref_slice %arg5[%run_scoped3A_551, %dma_start3A_1456] : memref<2x256xi32, #tpu.memory_space<vmem>> -> memref<1x256xi32, #tpu.memory_space<vmem>>
      %dma_start3A_1458 = tpu.memref_squeeze %dma_start3A_1457 : memref<1x256xi32, #tpu.memory_space<vmem>> -> memref<256xi32, #tpu.memory_space<vmem>>
      %dma_start3A_1459 = tpu.memref_slice %arg3[%mul3A_550] : memref<204800xi32, #tpu.memory_space<hbm>> -> memref<256xi32, #tpu.memory_space<hbm>>
      tpu.enqueue_dma source(%dma_start3A_1459 : memref<256xi32, #tpu.memory_space<hbm>>) target(%dma_start3A_1458 : memref<256xi32, #tpu.memory_space<vmem>>) target_semaphore(%run_scoped3A_1451 : memref<!tpu.dma_semaphore, #tpu.memory_space<semaphore_mem>>)
      %dma_wait3A_1460 = arith.constant 0 : i32
      %dma_wait3A_1461 = tpu.memref_slice %arg5[%run_scoped3A_551, %dma_wait3A_1460] : memref<2x256xi32, #tpu.memory_space<vmem>> -> memref<1x256xi32, #tpu.memory_space<vmem>>
      %dma_wait3A_1462 = tpu.memref_squeeze %dma_wait3A_1461 : memref<1x256xi32, #tpu.memory_space<vmem>> -> memref<256xi32, #tpu.memory_space<vmem>>
      %dma_wait3A_1463 = tpu.memref_slice %arg3[%mul3A_550] : memref<204800xi32, #tpu.memory_space<hbm>> -> memref<256xi32, #tpu.memory_space<hbm>>
      %dma_wait3A_1464 = arith.constant 0 : i32
      %dma_wait3A_1465 = tpu.memref_slice %arg5[%run_scoped3A_551, %dma_wait3A_1464] : memref<2x256xi32, #tpu.memory_space<vmem>> -> memref<1x256xi32, #tpu.memory_space<vmem>>
      %dma_wait3A_1466 = tpu.memref_squeeze %dma_wait3A_1465 : memref<1x256xi32, #tpu.memory_space<vmem>> -> memref<256xi32, #tpu.memory_space<vmem>>
      %dma_wait3A_1467 = tpu.memref_slice %arg3[%mul3A_550] : memref<204800xi32, #tpu.memory_space<hbm>> -> memref<256xi32, #tpu.memory_space<hbm>>
      tpu.wait_dma2 semaphore(%run_scoped3A_1451 : memref<!tpu.dma_semaphore, #tpu.memory_space<semaphore_mem>>) src(%dma_wait3A_1467 : memref<256xi32, #tpu.memory_space<hbm>>) dst(%dma_wait3A_1466 : memref<256xi32, #tpu.memory_space<vmem>>)
      tpu.yield
    }) : () -> ()
    %dma_start3A_552 = arith.constant 0 : i32
    %dma_start3A_553 = arith.constant 0 : i32
    %dma_start3A_554 = arith.constant 0 : i32
    %dma_start3A_555 = arith.constant 0 : i32
    %dma_start3A_556 = tpu.memref_slice %arg6[%dma_start3A_553, %dma_start3A_554, %dma_start3A_555] : memref<2x256x128xf32, #tpu.memory_space<vmem>> -> memref<1x256x128xf32, #tpu.memory_space<vmem>>
    %dma_start3A_557 = tpu.memref_squeeze %dma_start3A_556 : memref<1x256x128xf32, #tpu.memory_space<vmem>> -> memref<256x128xf32, #tpu.memory_space<vmem>>
    %dma_start3A_558 = arith.constant 0 : i32
    %dma_start3A_559 = tpu.memref_slice %arg5[%dma_start3A_552, %dma_start3A_558] : memref<2x256xi32, #tpu.memory_space<vmem>> -> memref<1x256xi32, #tpu.memory_space<vmem>>
    %dma_start3A_560 = tpu.memref_squeeze %dma_start3A_559 : memref<1x256xi32, #tpu.memory_space<vmem>> -> memref<256xi32, #tpu.memory_space<vmem>>
    %dma_start3A_561 = arith.constant 0 : i32
    %dma_start3A_562 = arith.constant 0 : i32
    %dma_start3A_563 = tpu.memref_slice %arg2[%dma_start3A_561, %dma_start3A_562] : memref<1000000x128xf32, #tpu.memory_space<hbm>> -> memref<1000000x128xf32, #tpu.memory_space<hbm>>
    tpu.enqueue_indirect_dma source(%dma_start3A_563 : memref<1000000x128xf32, #tpu.memory_space<hbm>>) target(%dma_start3A_557 : memref<256x128xf32, #tpu.memory_space<vmem>>) offsets(%dma_start3A_560 : memref<256xi32, #tpu.memory_space<vmem>>) semaphore(%arg7 : memref<!tpu.dma_semaphore, #tpu.memory_space<semaphore_mem>>)
    %dma_wait3A_564 = arith.constant 1 : i32
    %dma_wait3A_565 = arith.constant 1 : i32
    %dma_wait3A_566 = arith.constant 0 : i32
    %dma_wait3A_567 = arith.constant 0 : i32
    %dma_wait3A_568 = tpu.memref_slice %arg6[%dma_wait3A_565, %dma_wait3A_566, %dma_wait3A_567] : memref<2x256x128xf32, #tpu.memory_space<vmem>> -> memref<1x256x128xf32, #tpu.memory_space<vmem>>
    %dma_wait3A_569 = tpu.memref_squeeze %dma_wait3A_568 : memref<1x256x128xf32, #tpu.memory_space<vmem>> -> memref<256x128xf32, #tpu.memory_space<vmem>>
    %dma_wait3A_570 = arith.constant 0 : i32
    %dma_wait3A_571 = tpu.memref_slice %arg5[%dma_wait3A_564, %dma_wait3A_570] : memref<2x256xi32, #tpu.memory_space<vmem>> -> memref<1x256xi32, #tpu.memory_space<vmem>>
    %dma_wait3A_572 = tpu.memref_squeeze %dma_wait3A_571 : memref<1x256xi32, #tpu.memory_space<vmem>> -> memref<256xi32, #tpu.memory_space<vmem>>
    %dma_wait3A_573 = arith.constant 0 : i32
    %dma_wait3A_574 = arith.constant 0 : i32
    %dma_wait3A_575 = tpu.memref_slice %arg2[%dma_wait3A_573, %dma_wait3A_574] : memref<1000000x128xf32, #tpu.memory_space<hbm>> -> memref<1000000x128xf32, #tpu.memory_space<hbm>>
    tpu.wait_indirect_dma semaphore(%arg8 : memref<!tpu.dma_semaphore, #tpu.memory_space<semaphore_mem>>) src(%dma_wait3A_575 : memref<1000000x128xf32, #tpu.memory_space<hbm>>) dst(%dma_wait3A_569 : memref<256x128xf32, #tpu.memory_space<vmem>>)
    %sub3A_576 = arith.constant 1 : i32
    %sub3A_577 = arith.subi %add3A_535, %sub3A_576 : i32
    %mul3A_578 = arith.constant 256 : i32
    %mul3A_579 = arith.muli %sub3A_577, %mul3A_578 : i32
    %dma_start3A_580 = arith.constant 1 : i32
    %dma_start3A_581 = arith.constant 0 : i32
    %dma_start3A_582 = arith.constant 0 : i32
    %dma_start3A_583 = tpu.memref_slice %arg6[%dma_start3A_580, %dma_start3A_581, %dma_start3A_582] : memref<2x256x128xf32, #tpu.memory_space<vmem>> -> memref<1x256x64xf32, #tpu.memory_space<vmem>>
    %dma_start3A_584 = tpu.memref_squeeze %dma_start3A_583 : memref<1x256x64xf32, #tpu.memory_space<vmem>> -> memref<256x64xf32, #tpu.memory_space<vmem>>
    %dma_start3A_585 = arith.constant 0 : i32
    %dma_start3A_586 = tpu.memref_slice %arg4[%mul3A_579, %dma_start3A_585] : memref<204800x64xf32, #tpu.memory_space<hbm>> -> memref<256x64xf32, #tpu.memory_space<hbm>>
    %dma_start3A_587 = arith.constant 0 : i32
    %dma_start3A_588 = tpu.memref_slice %arg4[%mul3A_579, %dma_start3A_587] : memref<204800x64xf32, #tpu.memory_space<hbm>> -> memref<256x64xf32, #tpu.memory_space<hbm>>
    %dma_start3A_589 = arith.constant 0 : i32
    %dma_start3A_590 = arith.constant 0 : i32
    %dma_start3A_591 = tpu.memref_slice %arg6[%dma_start3A_580, %dma_start3A_589, %dma_start3A_590] : memref<2x256x128xf32, #tpu.memory_space<vmem>> -> memref<1x256x64xf32, #tpu.memory_space<vmem>>
    %dma_start3A_592 = tpu.memref_squeeze %dma_start3A_591 : memref<1x256x64xf32, #tpu.memory_space<vmem>> -> memref<256x64xf32, #tpu.memory_space<vmem>>
    tpu.enqueue_dma source(%dma_start3A_592 : memref<256x64xf32, #tpu.memory_space<vmem>>) target(%dma_start3A_588 : memref<256x64xf32, #tpu.memory_space<hbm>>) target_semaphore(%arg10 : memref<!tpu.dma_semaphore, #tpu.memory_space<semaphore_mem>>)
    %add3A_593 = arith.constant 11 : i32
    %add3A_594 = arith.addi %mul3A_2, %add3A_593 : i32
    %dma_wait3A_595 = arith.constant 1 : i32
    %dma_wait3A_596 = arith.constant 0 : i32
    %dma_wait3A_597 = arith.constant 0 : i32
    %dma_wait3A_598 = tpu.memref_slice %arg6[%dma_wait3A_595, %dma_wait3A_596, %dma_wait3A_597] : memref<2x256x128xf32, #tpu.memory_space<vmem>> -> memref<1x256x64xf32, #tpu.memory_space<vmem>>
    %dma_wait3A_599 = tpu.memref_squeeze %dma_wait3A_598 : memref<1x256x64xf32, #tpu.memory_space<vmem>> -> memref<256x64xf32, #tpu.memory_space<vmem>>
    %dma_wait3A_600 = arith.constant 0 : i32
    %dma_wait3A_601 = tpu.memref_slice %arg4[%mul3A_579, %dma_wait3A_600] : memref<204800x64xf32, #tpu.memory_space<hbm>> -> memref<256x64xf32, #tpu.memory_space<hbm>>
    %dma_wait3A_602 = arith.constant 0 : i32
    %dma_wait3A_603 = tpu.memref_slice %arg4[%mul3A_579, %dma_wait3A_602] : memref<204800x64xf32, #tpu.memory_space<hbm>> -> memref<256x64xf32, #tpu.memory_space<hbm>>
    %dma_wait3A_604 = arith.constant 0 : i32
    %dma_wait3A_605 = arith.constant 0 : i32
    %dma_wait3A_606 = tpu.memref_slice %arg6[%dma_wait3A_595, %dma_wait3A_604, %dma_wait3A_605] : memref<2x256x128xf32, #tpu.memory_space<vmem>> -> memref<1x256x64xf32, #tpu.memory_space<vmem>>
    %dma_wait3A_607 = tpu.memref_squeeze %dma_wait3A_606 : memref<1x256x64xf32, #tpu.memory_space<vmem>> -> memref<256x64xf32, #tpu.memory_space<vmem>>
    tpu.wait_dma2 semaphore(%arg10 : memref<!tpu.dma_semaphore, #tpu.memory_space<semaphore_mem>>) src(%dma_wait3A_607 : memref<256x64xf32, #tpu.memory_space<vmem>>) dst(%dma_wait3A_603 : memref<256x64xf32, #tpu.memory_space<hbm>>)
    %mul3A_608 = arith.constant 256 : i32
    %mul3A_609 = arith.muli %add3A_594, %mul3A_608 : i32
    %run_scoped3A_610 = arith.constant 1 : i32
    "tpu.region"() ({
      %run_scoped3A_1451 = tpu.sem_alloc : memref<!tpu.dma_semaphore, #tpu.memory_space<semaphore_mem>>
      %dma_start3A_1452 = arith.constant 0 : i32
      %dma_start3A_1453 = tpu.memref_slice %arg5[%run_scoped3A_610, %dma_start3A_1452] : memref<2x256xi32, #tpu.memory_space<vmem>> -> memref<1x256xi32, #tpu.memory_space<vmem>>
      %dma_start3A_1454 = tpu.memref_squeeze %dma_start3A_1453 : memref<1x256xi32, #tpu.memory_space<vmem>> -> memref<256xi32, #tpu.memory_space<vmem>>
      %dma_start3A_1455 = tpu.memref_slice %arg3[%mul3A_609] : memref<204800xi32, #tpu.memory_space<hbm>> -> memref<256xi32, #tpu.memory_space<hbm>>
      %dma_start3A_1456 = arith.constant 0 : i32
      %dma_start3A_1457 = tpu.memref_slice %arg5[%run_scoped3A_610, %dma_start3A_1456] : memref<2x256xi32, #tpu.memory_space<vmem>> -> memref<1x256xi32, #tpu.memory_space<vmem>>
      %dma_start3A_1458 = tpu.memref_squeeze %dma_start3A_1457 : memref<1x256xi32, #tpu.memory_space<vmem>> -> memref<256xi32, #tpu.memory_space<vmem>>
      %dma_start3A_1459 = tpu.memref_slice %arg3[%mul3A_609] : memref<204800xi32, #tpu.memory_space<hbm>> -> memref<256xi32, #tpu.memory_space<hbm>>
      tpu.enqueue_dma source(%dma_start3A_1459 : memref<256xi32, #tpu.memory_space<hbm>>) target(%dma_start3A_1458 : memref<256xi32, #tpu.memory_space<vmem>>) target_semaphore(%run_scoped3A_1451 : memref<!tpu.dma_semaphore, #tpu.memory_space<semaphore_mem>>)
      %dma_wait3A_1460 = arith.constant 0 : i32
      %dma_wait3A_1461 = tpu.memref_slice %arg5[%run_scoped3A_610, %dma_wait3A_1460] : memref<2x256xi32, #tpu.memory_space<vmem>> -> memref<1x256xi32, #tpu.memory_space<vmem>>
      %dma_wait3A_1462 = tpu.memref_squeeze %dma_wait3A_1461 : memref<1x256xi32, #tpu.memory_space<vmem>> -> memref<256xi32, #tpu.memory_space<vmem>>
      %dma_wait3A_1463 = tpu.memref_slice %arg3[%mul3A_609] : memref<204800xi32, #tpu.memory_space<hbm>> -> memref<256xi32, #tpu.memory_space<hbm>>
      %dma_wait3A_1464 = arith.constant 0 : i32
      %dma_wait3A_1465 = tpu.memref_slice %arg5[%run_scoped3A_610, %dma_wait3A_1464] : memref<2x256xi32, #tpu.memory_space<vmem>> -> memref<1x256xi32, #tpu.memory_space<vmem>>
      %dma_wait3A_1466 = tpu.memref_squeeze %dma_wait3A_1465 : memref<1x256xi32, #tpu.memory_space<vmem>> -> memref<256xi32, #tpu.memory_space<vmem>>
      %dma_wait3A_1467 = tpu.memref_slice %arg3[%mul3A_609] : memref<204800xi32, #tpu.memory_space<hbm>> -> memref<256xi32, #tpu.memory_space<hbm>>
      tpu.wait_dma2 semaphore(%run_scoped3A_1451 : memref<!tpu.dma_semaphore, #tpu.memory_space<semaphore_mem>>) src(%dma_wait3A_1467 : memref<256xi32, #tpu.memory_space<hbm>>) dst(%dma_wait3A_1466 : memref<256xi32, #tpu.memory_space<vmem>>)
      tpu.yield
    }) : () -> ()
    %dma_start3A_611 = arith.constant 1 : i32
    %dma_start3A_612 = arith.constant 1 : i32
    %dma_start3A_613 = arith.constant 0 : i32
    %dma_start3A_614 = arith.constant 0 : i32
    %dma_start3A_615 = tpu.memref_slice %arg6[%dma_start3A_612, %dma_start3A_613, %dma_start3A_614] : memref<2x256x128xf32, #tpu.memory_space<vmem>> -> memref<1x256x128xf32, #tpu.memory_space<vmem>>
    %dma_start3A_616 = tpu.memref_squeeze %dma_start3A_615 : memref<1x256x128xf32, #tpu.memory_space<vmem>> -> memref<256x128xf32, #tpu.memory_space<vmem>>
    %dma_start3A_617 = arith.constant 0 : i32
    %dma_start3A_618 = tpu.memref_slice %arg5[%dma_start3A_611, %dma_start3A_617] : memref<2x256xi32, #tpu.memory_space<vmem>> -> memref<1x256xi32, #tpu.memory_space<vmem>>
    %dma_start3A_619 = tpu.memref_squeeze %dma_start3A_618 : memref<1x256xi32, #tpu.memory_space<vmem>> -> memref<256xi32, #tpu.memory_space<vmem>>
    %dma_start3A_620 = arith.constant 0 : i32
    %dma_start3A_621 = arith.constant 0 : i32
    %dma_start3A_622 = tpu.memref_slice %arg2[%dma_start3A_620, %dma_start3A_621] : memref<1000000x128xf32, #tpu.memory_space<hbm>> -> memref<1000000x128xf32, #tpu.memory_space<hbm>>
    tpu.enqueue_indirect_dma source(%dma_start3A_622 : memref<1000000x128xf32, #tpu.memory_space<hbm>>) target(%dma_start3A_616 : memref<256x128xf32, #tpu.memory_space<vmem>>) offsets(%dma_start3A_619 : memref<256xi32, #tpu.memory_space<vmem>>) semaphore(%arg8 : memref<!tpu.dma_semaphore, #tpu.memory_space<semaphore_mem>>)
    %dma_wait3A_623 = arith.constant 0 : i32
    %dma_wait3A_624 = arith.constant 0 : i32
    %dma_wait3A_625 = arith.constant 0 : i32
    %dma_wait3A_626 = arith.constant 0 : i32
    %dma_wait3A_627 = tpu.memref_slice %arg6[%dma_wait3A_624, %dma_wait3A_625, %dma_wait3A_626] : memref<2x256x128xf32, #tpu.memory_space<vmem>> -> memref<1x256x128xf32, #tpu.memory_space<vmem>>
    %dma_wait3A_628 = tpu.memref_squeeze %dma_wait3A_627 : memref<1x256x128xf32, #tpu.memory_space<vmem>> -> memref<256x128xf32, #tpu.memory_space<vmem>>
    %dma_wait3A_629 = arith.constant 0 : i32
    %dma_wait3A_630 = tpu.memref_slice %arg5[%dma_wait3A_623, %dma_wait3A_629] : memref<2x256xi32, #tpu.memory_space<vmem>> -> memref<1x256xi32, #tpu.memory_space<vmem>>
    %dma_wait3A_631 = tpu.memref_squeeze %dma_wait3A_630 : memref<1x256xi32, #tpu.memory_space<vmem>> -> memref<256xi32, #tpu.memory_space<vmem>>
    %dma_wait3A_632 = arith.constant 0 : i32
    %dma_wait3A_633 = arith.constant 0 : i32
    %dma_wait3A_634 = tpu.memref_slice %arg2[%dma_wait3A_632, %dma_wait3A_633] : memref<1000000x128xf32, #tpu.memory_space<hbm>> -> memref<1000000x128xf32, #tpu.memory_space<hbm>>
    tpu.wait_indirect_dma semaphore(%arg7 : memref<!tpu.dma_semaphore, #tpu.memory_space<semaphore_mem>>) src(%dma_wait3A_634 : memref<1000000x128xf32, #tpu.memory_space<hbm>>) dst(%dma_wait3A_628 : memref<256x128xf32, #tpu.memory_space<vmem>>)
    %sub3A_635 = arith.constant 1 : i32
    %sub3A_636 = arith.subi %add3A_594, %sub3A_635 : i32
    %mul3A_637 = arith.constant 256 : i32
    %mul3A_638 = arith.muli %sub3A_636, %mul3A_637 : i32
    %dma_start3A_639 = arith.constant 0 : i32
    %dma_start3A_640 = arith.constant 0 : i32
    %dma_start3A_641 = arith.constant 0 : i32
    %dma_start3A_642 = tpu.memref_slice %arg6[%dma_start3A_639, %dma_start3A_640, %dma_start3A_641] : memref<2x256x128xf32, #tpu.memory_space<vmem>> -> memref<1x256x64xf32, #tpu.memory_space<vmem>>
    %dma_start3A_643 = tpu.memref_squeeze %dma_start3A_642 : memref<1x256x64xf32, #tpu.memory_space<vmem>> -> memref<256x64xf32, #tpu.memory_space<vmem>>
    %dma_start3A_644 = arith.constant 0 : i32
    %dma_start3A_645 = tpu.memref_slice %arg4[%mul3A_638, %dma_start3A_644] : memref<204800x64xf32, #tpu.memory_space<hbm>> -> memref<256x64xf32, #tpu.memory_space<hbm>>
    %dma_start3A_646 = arith.constant 0 : i32
    %dma_start3A_647 = tpu.memref_slice %arg4[%mul3A_638, %dma_start3A_646] : memref<204800x64xf32, #tpu.memory_space<hbm>> -> memref<256x64xf32, #tpu.memory_space<hbm>>
    %dma_start3A_648 = arith.constant 0 : i32
    %dma_start3A_649 = arith.constant 0 : i32
    %dma_start3A_650 = tpu.memref_slice %arg6[%dma_start3A_639, %dma_start3A_648, %dma_start3A_649] : memref<2x256x128xf32, #tpu.memory_space<vmem>> -> memref<1x256x64xf32, #tpu.memory_space<vmem>>
    %dma_start3A_651 = tpu.memref_squeeze %dma_start3A_650 : memref<1x256x64xf32, #tpu.memory_space<vmem>> -> memref<256x64xf32, #tpu.memory_space<vmem>>
    tpu.enqueue_dma source(%dma_start3A_651 : memref<256x64xf32, #tpu.memory_space<vmem>>) target(%dma_start3A_647 : memref<256x64xf32, #tpu.memory_space<hbm>>) target_semaphore(%arg9 : memref<!tpu.dma_semaphore, #tpu.memory_space<semaphore_mem>>)
    %add3A_652 = arith.constant 12 : i32
    %add3A_653 = arith.addi %mul3A_2, %add3A_652 : i32
    %dma_wait3A_654 = arith.constant 0 : i32
    %dma_wait3A_655 = arith.constant 0 : i32
    %dma_wait3A_656 = arith.constant 0 : i32
    %dma_wait3A_657 = tpu.memref_slice %arg6[%dma_wait3A_654, %dma_wait3A_655, %dma_wait3A_656] : memref<2x256x128xf32, #tpu.memory_space<vmem>> -> memref<1x256x64xf32, #tpu.memory_space<vmem>>
    %dma_wait3A_658 = tpu.memref_squeeze %dma_wait3A_657 : memref<1x256x64xf32, #tpu.memory_space<vmem>> -> memref<256x64xf32, #tpu.memory_space<vmem>>
    %dma_wait3A_659 = arith.constant 0 : i32
    %dma_wait3A_660 = tpu.memref_slice %arg4[%mul3A_638, %dma_wait3A_659] : memref<204800x64xf32, #tpu.memory_space<hbm>> -> memref<256x64xf32, #tpu.memory_space<hbm>>
    %dma_wait3A_661 = arith.constant 0 : i32
    %dma_wait3A_662 = tpu.memref_slice %arg4[%mul3A_638, %dma_wait3A_661] : memref<204800x64xf32, #tpu.memory_space<hbm>> -> memref<256x64xf32, #tpu.memory_space<hbm>>
    %dma_wait3A_663 = arith.constant 0 : i32
    %dma_wait3A_664 = arith.constant 0 : i32
    %dma_wait3A_665 = tpu.memref_slice %arg6[%dma_wait3A_654, %dma_wait3A_663, %dma_wait3A_664] : memref<2x256x128xf32, #tpu.memory_space<vmem>> -> memref<1x256x64xf32, #tpu.memory_space<vmem>>
    %dma_wait3A_666 = tpu.memref_squeeze %dma_wait3A_665 : memref<1x256x64xf32, #tpu.memory_space<vmem>> -> memref<256x64xf32, #tpu.memory_space<vmem>>
    tpu.wait_dma2 semaphore(%arg9 : memref<!tpu.dma_semaphore, #tpu.memory_space<semaphore_mem>>) src(%dma_wait3A_666 : memref<256x64xf32, #tpu.memory_space<vmem>>) dst(%dma_wait3A_662 : memref<256x64xf32, #tpu.memory_space<hbm>>)
    %mul3A_667 = arith.constant 256 : i32
    %mul3A_668 = arith.muli %add3A_653, %mul3A_667 : i32
    %run_scoped3A_669 = arith.constant 0 : i32
    "tpu.region"() ({
      %run_scoped3A_1451 = tpu.sem_alloc : memref<!tpu.dma_semaphore, #tpu.memory_space<semaphore_mem>>
      %dma_start3A_1452 = arith.constant 0 : i32
      %dma_start3A_1453 = tpu.memref_slice %arg5[%run_scoped3A_669, %dma_start3A_1452] : memref<2x256xi32, #tpu.memory_space<vmem>> -> memref<1x256xi32, #tpu.memory_space<vmem>>
      %dma_start3A_1454 = tpu.memref_squeeze %dma_start3A_1453 : memref<1x256xi32, #tpu.memory_space<vmem>> -> memref<256xi32, #tpu.memory_space<vmem>>
      %dma_start3A_1455 = tpu.memref_slice %arg3[%mul3A_668] : memref<204800xi32, #tpu.memory_space<hbm>> -> memref<256xi32, #tpu.memory_space<hbm>>
      %dma_start3A_1456 = arith.constant 0 : i32
      %dma_start3A_1457 = tpu.memref_slice %arg5[%run_scoped3A_669, %dma_start3A_1456] : memref<2x256xi32, #tpu.memory_space<vmem>> -> memref<1x256xi32, #tpu.memory_space<vmem>>
      %dma_start3A_1458 = tpu.memref_squeeze %dma_start3A_1457 : memref<1x256xi32, #tpu.memory_space<vmem>> -> memref<256xi32, #tpu.memory_space<vmem>>
      %dma_start3A_1459 = tpu.memref_slice %arg3[%mul3A_668] : memref<204800xi32, #tpu.memory_space<hbm>> -> memref<256xi32, #tpu.memory_space<hbm>>
      tpu.enqueue_dma source(%dma_start3A_1459 : memref<256xi32, #tpu.memory_space<hbm>>) target(%dma_start3A_1458 : memref<256xi32, #tpu.memory_space<vmem>>) target_semaphore(%run_scoped3A_1451 : memref<!tpu.dma_semaphore, #tpu.memory_space<semaphore_mem>>)
      %dma_wait3A_1460 = arith.constant 0 : i32
      %dma_wait3A_1461 = tpu.memref_slice %arg5[%run_scoped3A_669, %dma_wait3A_1460] : memref<2x256xi32, #tpu.memory_space<vmem>> -> memref<1x256xi32, #tpu.memory_space<vmem>>
      %dma_wait3A_1462 = tpu.memref_squeeze %dma_wait3A_1461 : memref<1x256xi32, #tpu.memory_space<vmem>> -> memref<256xi32, #tpu.memory_space<vmem>>
      %dma_wait3A_1463 = tpu.memref_slice %arg3[%mul3A_668] : memref<204800xi32, #tpu.memory_space<hbm>> -> memref<256xi32, #tpu.memory_space<hbm>>
      %dma_wait3A_1464 = arith.constant 0 : i32
      %dma_wait3A_1465 = tpu.memref_slice %arg5[%run_scoped3A_669, %dma_wait3A_1464] : memref<2x256xi32, #tpu.memory_space<vmem>> -> memref<1x256xi32, #tpu.memory_space<vmem>>
      %dma_wait3A_1466 = tpu.memref_squeeze %dma_wait3A_1465 : memref<1x256xi32, #tpu.memory_space<vmem>> -> memref<256xi32, #tpu.memory_space<vmem>>
      %dma_wait3A_1467 = tpu.memref_slice %arg3[%mul3A_668] : memref<204800xi32, #tpu.memory_space<hbm>> -> memref<256xi32, #tpu.memory_space<hbm>>
      tpu.wait_dma2 semaphore(%run_scoped3A_1451 : memref<!tpu.dma_semaphore, #tpu.memory_space<semaphore_mem>>) src(%dma_wait3A_1467 : memref<256xi32, #tpu.memory_space<hbm>>) dst(%dma_wait3A_1466 : memref<256xi32, #tpu.memory_space<vmem>>)
      tpu.yield
    }) : () -> ()
    %dma_start3A_670 = arith.constant 0 : i32
    %dma_start3A_671 = arith.constant 0 : i32
    %dma_start3A_672 = arith.constant 0 : i32
    %dma_start3A_673 = arith.constant 0 : i32
    %dma_start3A_674 = tpu.memref_slice %arg6[%dma_start3A_671, %dma_start3A_672, %dma_start3A_673] : memref<2x256x128xf32, #tpu.memory_space<vmem>> -> memref<1x256x128xf32, #tpu.memory_space<vmem>>
    %dma_start3A_675 = tpu.memref_squeeze %dma_start3A_674 : memref<1x256x128xf32, #tpu.memory_space<vmem>> -> memref<256x128xf32, #tpu.memory_space<vmem>>
    %dma_start3A_676 = arith.constant 0 : i32
    %dma_start3A_677 = tpu.memref_slice %arg5[%dma_start3A_670, %dma_start3A_676] : memref<2x256xi32, #tpu.memory_space<vmem>> -> memref<1x256xi32, #tpu.memory_space<vmem>>
    %dma_start3A_678 = tpu.memref_squeeze %dma_start3A_677 : memref<1x256xi32, #tpu.memory_space<vmem>> -> memref<256xi32, #tpu.memory_space<vmem>>
    %dma_start3A_679 = arith.constant 0 : i32
    %dma_start3A_680 = arith.constant 0 : i32
    %dma_start3A_681 = tpu.memref_slice %arg2[%dma_start3A_679, %dma_start3A_680] : memref<1000000x128xf32, #tpu.memory_space<hbm>> -> memref<1000000x128xf32, #tpu.memory_space<hbm>>
    tpu.enqueue_indirect_dma source(%dma_start3A_681 : memref<1000000x128xf32, #tpu.memory_space<hbm>>) target(%dma_start3A_675 : memref<256x128xf32, #tpu.memory_space<vmem>>) offsets(%dma_start3A_678 : memref<256xi32, #tpu.memory_space<vmem>>) semaphore(%arg7 : memref<!tpu.dma_semaphore, #tpu.memory_space<semaphore_mem>>)
    %dma_wait3A_682 = arith.constant 1 : i32
    %dma_wait3A_683 = arith.constant 1 : i32
    %dma_wait3A_684 = arith.constant 0 : i32
    %dma_wait3A_685 = arith.constant 0 : i32
    %dma_wait3A_686 = tpu.memref_slice %arg6[%dma_wait3A_683, %dma_wait3A_684, %dma_wait3A_685] : memref<2x256x128xf32, #tpu.memory_space<vmem>> -> memref<1x256x128xf32, #tpu.memory_space<vmem>>
    %dma_wait3A_687 = tpu.memref_squeeze %dma_wait3A_686 : memref<1x256x128xf32, #tpu.memory_space<vmem>> -> memref<256x128xf32, #tpu.memory_space<vmem>>
    %dma_wait3A_688 = arith.constant 0 : i32
    %dma_wait3A_689 = tpu.memref_slice %arg5[%dma_wait3A_682, %dma_wait3A_688] : memref<2x256xi32, #tpu.memory_space<vmem>> -> memref<1x256xi32, #tpu.memory_space<vmem>>
    %dma_wait3A_690 = tpu.memref_squeeze %dma_wait3A_689 : memref<1x256xi32, #tpu.memory_space<vmem>> -> memref<256xi32, #tpu.memory_space<vmem>>
    %dma_wait3A_691 = arith.constant 0 : i32
    %dma_wait3A_692 = arith.constant 0 : i32
    %dma_wait3A_693 = tpu.memref_slice %arg2[%dma_wait3A_691, %dma_wait3A_692] : memref<1000000x128xf32, #tpu.memory_space<hbm>> -> memref<1000000x128xf32, #tpu.memory_space<hbm>>
    tpu.wait_indirect_dma semaphore(%arg8 : memref<!tpu.dma_semaphore, #tpu.memory_space<semaphore_mem>>) src(%dma_wait3A_693 : memref<1000000x128xf32, #tpu.memory_space<hbm>>) dst(%dma_wait3A_687 : memref<256x128xf32, #tpu.memory_space<vmem>>)
    %sub3A_694 = arith.constant 1 : i32
    %sub3A_695 = arith.subi %add3A_653, %sub3A_694 : i32
    %mul3A_696 = arith.constant 256 : i32
    %mul3A_697 = arith.muli %sub3A_695, %mul3A_696 : i32
    %dma_start3A_698 = arith.constant 1 : i32
    %dma_start3A_699 = arith.constant 0 : i32
    %dma_start3A_700 = arith.constant 0 : i32
    %dma_start3A_701 = tpu.memref_slice %arg6[%dma_start3A_698, %dma_start3A_699, %dma_start3A_700] : memref<2x256x128xf32, #tpu.memory_space<vmem>> -> memref<1x256x64xf32, #tpu.memory_space<vmem>>
    %dma_start3A_702 = tpu.memref_squeeze %dma_start3A_701 : memref<1x256x64xf32, #tpu.memory_space<vmem>> -> memref<256x64xf32, #tpu.memory_space<vmem>>
    %dma_start3A_703 = arith.constant 0 : i32
    %dma_start3A_704 = tpu.memref_slice %arg4[%mul3A_697, %dma_start3A_703] : memref<204800x64xf32, #tpu.memory_space<hbm>> -> memref<256x64xf32, #tpu.memory_space<hbm>>
    %dma_start3A_705 = arith.constant 0 : i32
    %dma_start3A_706 = tpu.memref_slice %arg4[%mul3A_697, %dma_start3A_705] : memref<204800x64xf32, #tpu.memory_space<hbm>> -> memref<256x64xf32, #tpu.memory_space<hbm>>
    %dma_start3A_707 = arith.constant 0 : i32
    %dma_start3A_708 = arith.constant 0 : i32
    %dma_start3A_709 = tpu.memref_slice %arg6[%dma_start3A_698, %dma_start3A_707, %dma_start3A_708] : memref<2x256x128xf32, #tpu.memory_space<vmem>> -> memref<1x256x64xf32, #tpu.memory_space<vmem>>
    %dma_start3A_710 = tpu.memref_squeeze %dma_start3A_709 : memref<1x256x64xf32, #tpu.memory_space<vmem>> -> memref<256x64xf32, #tpu.memory_space<vmem>>
    tpu.enqueue_dma source(%dma_start3A_710 : memref<256x64xf32, #tpu.memory_space<vmem>>) target(%dma_start3A_706 : memref<256x64xf32, #tpu.memory_space<hbm>>) target_semaphore(%arg10 : memref<!tpu.dma_semaphore, #tpu.memory_space<semaphore_mem>>)
    %add3A_711 = arith.constant 13 : i32
    %add3A_712 = arith.addi %mul3A_2, %add3A_711 : i32
    %dma_wait3A_713 = arith.constant 1 : i32
    %dma_wait3A_714 = arith.constant 0 : i32
    %dma_wait3A_715 = arith.constant 0 : i32
    %dma_wait3A_716 = tpu.memref_slice %arg6[%dma_wait3A_713, %dma_wait3A_714, %dma_wait3A_715] : memref<2x256x128xf32, #tpu.memory_space<vmem>> -> memref<1x256x64xf32, #tpu.memory_space<vmem>>
    %dma_wait3A_717 = tpu.memref_squeeze %dma_wait3A_716 : memref<1x256x64xf32, #tpu.memory_space<vmem>> -> memref<256x64xf32, #tpu.memory_space<vmem>>
    %dma_wait3A_718 = arith.constant 0 : i32
    %dma_wait3A_719 = tpu.memref_slice %arg4[%mul3A_697, %dma_wait3A_718] : memref<204800x64xf32, #tpu.memory_space<hbm>> -> memref<256x64xf32, #tpu.memory_space<hbm>>
    %dma_wait3A_720 = arith.constant 0 : i32
    %dma_wait3A_721 = tpu.memref_slice %arg4[%mul3A_697, %dma_wait3A_720] : memref<204800x64xf32, #tpu.memory_space<hbm>> -> memref<256x64xf32, #tpu.memory_space<hbm>>
    %dma_wait3A_722 = arith.constant 0 : i32
    %dma_wait3A_723 = arith.constant 0 : i32
    %dma_wait3A_724 = tpu.memref_slice %arg6[%dma_wait3A_713, %dma_wait3A_722, %dma_wait3A_723] : memref<2x256x128xf32, #tpu.memory_space<vmem>> -> memref<1x256x64xf32, #tpu.memory_space<vmem>>
    %dma_wait3A_725 = tpu.memref_squeeze %dma_wait3A_724 : memref<1x256x64xf32, #tpu.memory_space<vmem>> -> memref<256x64xf32, #tpu.memory_space<vmem>>
    tpu.wait_dma2 semaphore(%arg10 : memref<!tpu.dma_semaphore, #tpu.memory_space<semaphore_mem>>) src(%dma_wait3A_725 : memref<256x64xf32, #tpu.memory_space<vmem>>) dst(%dma_wait3A_721 : memref<256x64xf32, #tpu.memory_space<hbm>>)
    %mul3A_726 = arith.constant 256 : i32
    %mul3A_727 = arith.muli %add3A_712, %mul3A_726 : i32
    %run_scoped3A_728 = arith.constant 1 : i32
    "tpu.region"() ({
      %run_scoped3A_1451 = tpu.sem_alloc : memref<!tpu.dma_semaphore, #tpu.memory_space<semaphore_mem>>
      %dma_start3A_1452 = arith.constant 0 : i32
      %dma_start3A_1453 = tpu.memref_slice %arg5[%run_scoped3A_728, %dma_start3A_1452] : memref<2x256xi32, #tpu.memory_space<vmem>> -> memref<1x256xi32, #tpu.memory_space<vmem>>
      %dma_start3A_1454 = tpu.memref_squeeze %dma_start3A_1453 : memref<1x256xi32, #tpu.memory_space<vmem>> -> memref<256xi32, #tpu.memory_space<vmem>>
      %dma_start3A_1455 = tpu.memref_slice %arg3[%mul3A_727] : memref<204800xi32, #tpu.memory_space<hbm>> -> memref<256xi32, #tpu.memory_space<hbm>>
      %dma_start3A_1456 = arith.constant 0 : i32
      %dma_start3A_1457 = tpu.memref_slice %arg5[%run_scoped3A_728, %dma_start3A_1456] : memref<2x256xi32, #tpu.memory_space<vmem>> -> memref<1x256xi32, #tpu.memory_space<vmem>>
      %dma_start3A_1458 = tpu.memref_squeeze %dma_start3A_1457 : memref<1x256xi32, #tpu.memory_space<vmem>> -> memref<256xi32, #tpu.memory_space<vmem>>
      %dma_start3A_1459 = tpu.memref_slice %arg3[%mul3A_727] : memref<204800xi32, #tpu.memory_space<hbm>> -> memref<256xi32, #tpu.memory_space<hbm>>
      tpu.enqueue_dma source(%dma_start3A_1459 : memref<256xi32, #tpu.memory_space<hbm>>) target(%dma_start3A_1458 : memref<256xi32, #tpu.memory_space<vmem>>) target_semaphore(%run_scoped3A_1451 : memref<!tpu.dma_semaphore, #tpu.memory_space<semaphore_mem>>)
      %dma_wait3A_1460 = arith.constant 0 : i32
      %dma_wait3A_1461 = tpu.memref_slice %arg5[%run_scoped3A_728, %dma_wait3A_1460] : memref<2x256xi32, #tpu.memory_space<vmem>> -> memref<1x256xi32, #tpu.memory_space<vmem>>
      %dma_wait3A_1462 = tpu.memref_squeeze %dma_wait3A_1461 : memref<1x256xi32, #tpu.memory_space<vmem>> -> memref<256xi32, #tpu.memory_space<vmem>>
      %dma_wait3A_1463 = tpu.memref_slice %arg3[%mul3A_727] : memref<204800xi32, #tpu.memory_space<hbm>> -> memref<256xi32, #tpu.memory_space<hbm>>
      %dma_wait3A_1464 = arith.constant 0 : i32
      %dma_wait3A_1465 = tpu.memref_slice %arg5[%run_scoped3A_728, %dma_wait3A_1464] : memref<2x256xi32, #tpu.memory_space<vmem>> -> memref<1x256xi32, #tpu.memory_space<vmem>>
      %dma_wait3A_1466 = tpu.memref_squeeze %dma_wait3A_1465 : memref<1x256xi32, #tpu.memory_space<vmem>> -> memref<256xi32, #tpu.memory_space<vmem>>
      %dma_wait3A_1467 = tpu.memref_slice %arg3[%mul3A_727] : memref<204800xi32, #tpu.memory_space<hbm>> -> memref<256xi32, #tpu.memory_space<hbm>>
      tpu.wait_dma2 semaphore(%run_scoped3A_1451 : memref<!tpu.dma_semaphore, #tpu.memory_space<semaphore_mem>>) src(%dma_wait3A_1467 : memref<256xi32, #tpu.memory_space<hbm>>) dst(%dma_wait3A_1466 : memref<256xi32, #tpu.memory_space<vmem>>)
      tpu.yield
    }) : () -> ()
    %dma_start3A_729 = arith.constant 1 : i32
    %dma_start3A_730 = arith.constant 1 : i32
    %dma_start3A_731 = arith.constant 0 : i32
    %dma_start3A_732 = arith.constant 0 : i32
    %dma_start3A_733 = tpu.memref_slice %arg6[%dma_start3A_730, %dma_start3A_731, %dma_start3A_732] : memref<2x256x128xf32, #tpu.memory_space<vmem>> -> memref<1x256x128xf32, #tpu.memory_space<vmem>>
    %dma_start3A_734 = tpu.memref_squeeze %dma_start3A_733 : memref<1x256x128xf32, #tpu.memory_space<vmem>> -> memref<256x128xf32, #tpu.memory_space<vmem>>
    %dma_start3A_735 = arith.constant 0 : i32
    %dma_start3A_736 = tpu.memref_slice %arg5[%dma_start3A_729, %dma_start3A_735] : memref<2x256xi32, #tpu.memory_space<vmem>> -> memref<1x256xi32, #tpu.memory_space<vmem>>
    %dma_start3A_737 = tpu.memref_squeeze %dma_start3A_736 : memref<1x256xi32, #tpu.memory_space<vmem>> -> memref<256xi32, #tpu.memory_space<vmem>>
    %dma_start3A_738 = arith.constant 0 : i32
    %dma_start3A_739 = arith.constant 0 : i32
    %dma_start3A_740 = tpu.memref_slice %arg2[%dma_start3A_738, %dma_start3A_739] : memref<1000000x128xf32, #tpu.memory_space<hbm>> -> memref<1000000x128xf32, #tpu.memory_space<hbm>>
    tpu.enqueue_indirect_dma source(%dma_start3A_740 : memref<1000000x128xf32, #tpu.memory_space<hbm>>) target(%dma_start3A_734 : memref<256x128xf32, #tpu.memory_space<vmem>>) offsets(%dma_start3A_737 : memref<256xi32, #tpu.memory_space<vmem>>) semaphore(%arg8 : memref<!tpu.dma_semaphore, #tpu.memory_space<semaphore_mem>>)
    %dma_wait3A_741 = arith.constant 0 : i32
    %dma_wait3A_742 = arith.constant 0 : i32
    %dma_wait3A_743 = arith.constant 0 : i32
    %dma_wait3A_744 = arith.constant 0 : i32
    %dma_wait3A_745 = tpu.memref_slice %arg6[%dma_wait3A_742, %dma_wait3A_743, %dma_wait3A_744] : memref<2x256x128xf32, #tpu.memory_space<vmem>> -> memref<1x256x128xf32, #tpu.memory_space<vmem>>
    %dma_wait3A_746 = tpu.memref_squeeze %dma_wait3A_745 : memref<1x256x128xf32, #tpu.memory_space<vmem>> -> memref<256x128xf32, #tpu.memory_space<vmem>>
    %dma_wait3A_747 = arith.constant 0 : i32
    %dma_wait3A_748 = tpu.memref_slice %arg5[%dma_wait3A_741, %dma_wait3A_747] : memref<2x256xi32, #tpu.memory_space<vmem>> -> memref<1x256xi32, #tpu.memory_space<vmem>>
    %dma_wait3A_749 = tpu.memref_squeeze %dma_wait3A_748 : memref<1x256xi32, #tpu.memory_space<vmem>> -> memref<256xi32, #tpu.memory_space<vmem>>
    %dma_wait3A_750 = arith.constant 0 : i32
    %dma_wait3A_751 = arith.constant 0 : i32
    %dma_wait3A_752 = tpu.memref_slice %arg2[%dma_wait3A_750, %dma_wait3A_751] : memref<1000000x128xf32, #tpu.memory_space<hbm>> -> memref<1000000x128xf32, #tpu.memory_space<hbm>>
    tpu.wait_indirect_dma semaphore(%arg7 : memref<!tpu.dma_semaphore, #tpu.memory_space<semaphore_mem>>) src(%dma_wait3A_752 : memref<1000000x128xf32, #tpu.memory_space<hbm>>) dst(%dma_wait3A_746 : memref<256x128xf32, #tpu.memory_space<vmem>>)
    %sub3A_753 = arith.constant 1 : i32
    %sub3A_754 = arith.subi %add3A_712, %sub3A_753 : i32
    %mul3A_755 = arith.constant 256 : i32
    %mul3A_756 = arith.muli %sub3A_754, %mul3A_755 : i32
    %dma_start3A_757 = arith.constant 0 : i32
    %dma_start3A_758 = arith.constant 0 : i32
    %dma_start3A_759 = arith.constant 0 : i32
    %dma_start3A_760 = tpu.memref_slice %arg6[%dma_start3A_757, %dma_start3A_758, %dma_start3A_759] : memref<2x256x128xf32, #tpu.memory_space<vmem>> -> memref<1x256x64xf32, #tpu.memory_space<vmem>>
    %dma_start3A_761 = tpu.memref_squeeze %dma_start3A_760 : memref<1x256x64xf32, #tpu.memory_space<vmem>> -> memref<256x64xf32, #tpu.memory_space<vmem>>
    %dma_start3A_762 = arith.constant 0 : i32
    %dma_start3A_763 = tpu.memref_slice %arg4[%mul3A_756, %dma_start3A_762] : memref<204800x64xf32, #tpu.memory_space<hbm>> -> memref<256x64xf32, #tpu.memory_space<hbm>>
    %dma_start3A_764 = arith.constant 0 : i32
    %dma_start3A_765 = tpu.memref_slice %arg4[%mul3A_756, %dma_start3A_764] : memref<204800x64xf32, #tpu.memory_space<hbm>> -> memref<256x64xf32, #tpu.memory_space<hbm>>
    %dma_start3A_766 = arith.constant 0 : i32
    %dma_start3A_767 = arith.constant 0 : i32
    %dma_start3A_768 = tpu.memref_slice %arg6[%dma_start3A_757, %dma_start3A_766, %dma_start3A_767] : memref<2x256x128xf32, #tpu.memory_space<vmem>> -> memref<1x256x64xf32, #tpu.memory_space<vmem>>
    %dma_start3A_769 = tpu.memref_squeeze %dma_start3A_768 : memref<1x256x64xf32, #tpu.memory_space<vmem>> -> memref<256x64xf32, #tpu.memory_space<vmem>>
    tpu.enqueue_dma source(%dma_start3A_769 : memref<256x64xf32, #tpu.memory_space<vmem>>) target(%dma_start3A_765 : memref<256x64xf32, #tpu.memory_space<hbm>>) target_semaphore(%arg9 : memref<!tpu.dma_semaphore, #tpu.memory_space<semaphore_mem>>)
    %add3A_770 = arith.constant 14 : i32
    %add3A_771 = arith.addi %mul3A_2, %add3A_770 : i32
    %dma_wait3A_772 = arith.constant 0 : i32
    %dma_wait3A_773 = arith.constant 0 : i32
    %dma_wait3A_774 = arith.constant 0 : i32
    %dma_wait3A_775 = tpu.memref_slice %arg6[%dma_wait3A_772, %dma_wait3A_773, %dma_wait3A_774] : memref<2x256x128xf32, #tpu.memory_space<vmem>> -> memref<1x256x64xf32, #tpu.memory_space<vmem>>
    %dma_wait3A_776 = tpu.memref_squeeze %dma_wait3A_775 : memref<1x256x64xf32, #tpu.memory_space<vmem>> -> memref<256x64xf32, #tpu.memory_space<vmem>>
    %dma_wait3A_777 = arith.constant 0 : i32
    %dma_wait3A_778 = tpu.memref_slice %arg4[%mul3A_756, %dma_wait3A_777] : memref<204800x64xf32, #tpu.memory_space<hbm>> -> memref<256x64xf32, #tpu.memory_space<hbm>>
    %dma_wait3A_779 = arith.constant 0 : i32
    %dma_wait3A_780 = tpu.memref_slice %arg4[%mul3A_756, %dma_wait3A_779] : memref<204800x64xf32, #tpu.memory_space<hbm>> -> memref<256x64xf32, #tpu.memory_space<hbm>>
    %dma_wait3A_781 = arith.constant 0 : i32
    %dma_wait3A_782 = arith.constant 0 : i32
    %dma_wait3A_783 = tpu.memref_slice %arg6[%dma_wait3A_772, %dma_wait3A_781, %dma_wait3A_782] : memref<2x256x128xf32, #tpu.memory_space<vmem>> -> memref<1x256x64xf32, #tpu.memory_space<vmem>>
    %dma_wait3A_784 = tpu.memref_squeeze %dma_wait3A_783 : memref<1x256x64xf32, #tpu.memory_space<vmem>> -> memref<256x64xf32, #tpu.memory_space<vmem>>
    tpu.wait_dma2 semaphore(%arg9 : memref<!tpu.dma_semaphore, #tpu.memory_space<semaphore_mem>>) src(%dma_wait3A_784 : memref<256x64xf32, #tpu.memory_space<vmem>>) dst(%dma_wait3A_780 : memref<256x64xf32, #tpu.memory_space<hbm>>)
    %mul3A_785 = arith.constant 256 : i32
    %mul3A_786 = arith.muli %add3A_771, %mul3A_785 : i32
    %run_scoped3A_787 = arith.constant 0 : i32
    "tpu.region"() ({
      %run_scoped3A_1451 = tpu.sem_alloc : memref<!tpu.dma_semaphore, #tpu.memory_space<semaphore_mem>>
      %dma_start3A_1452 = arith.constant 0 : i32
      %dma_start3A_1453 = tpu.memref_slice %arg5[%run_scoped3A_787, %dma_start3A_1452] : memref<2x256xi32, #tpu.memory_space<vmem>> -> memref<1x256xi32, #tpu.memory_space<vmem>>
      %dma_start3A_1454 = tpu.memref_squeeze %dma_start3A_1453 : memref<1x256xi32, #tpu.memory_space<vmem>> -> memref<256xi32, #tpu.memory_space<vmem>>
      %dma_start3A_1455 = tpu.memref_slice %arg3[%mul3A_786] : memref<204800xi32, #tpu.memory_space<hbm>> -> memref<256xi32, #tpu.memory_space<hbm>>
      %dma_start3A_1456 = arith.constant 0 : i32
      %dma_start3A_1457 = tpu.memref_slice %arg5[%run_scoped3A_787, %dma_start3A_1456] : memref<2x256xi32, #tpu.memory_space<vmem>> -> memref<1x256xi32, #tpu.memory_space<vmem>>
      %dma_start3A_1458 = tpu.memref_squeeze %dma_start3A_1457 : memref<1x256xi32, #tpu.memory_space<vmem>> -> memref<256xi32, #tpu.memory_space<vmem>>
      %dma_start3A_1459 = tpu.memref_slice %arg3[%mul3A_786] : memref<204800xi32, #tpu.memory_space<hbm>> -> memref<256xi32, #tpu.memory_space<hbm>>
      tpu.enqueue_dma source(%dma_start3A_1459 : memref<256xi32, #tpu.memory_space<hbm>>) target(%dma_start3A_1458 : memref<256xi32, #tpu.memory_space<vmem>>) target_semaphore(%run_scoped3A_1451 : memref<!tpu.dma_semaphore, #tpu.memory_space<semaphore_mem>>)
      %dma_wait3A_1460 = arith.constant 0 : i32
      %dma_wait3A_1461 = tpu.memref_slice %arg5[%run_scoped3A_787, %dma_wait3A_1460] : memref<2x256xi32, #tpu.memory_space<vmem>> -> memref<1x256xi32, #tpu.memory_space<vmem>>
      %dma_wait3A_1462 = tpu.memref_squeeze %dma_wait3A_1461 : memref<1x256xi32, #tpu.memory_space<vmem>> -> memref<256xi32, #tpu.memory_space<vmem>>
      %dma_wait3A_1463 = tpu.memref_slice %arg3[%mul3A_786] : memref<204800xi32, #tpu.memory_space<hbm>> -> memref<256xi32, #tpu.memory_space<hbm>>
      %dma_wait3A_1464 = arith.constant 0 : i32
      %dma_wait3A_1465 = tpu.memref_slice %arg5[%run_scoped3A_787, %dma_wait3A_1464] : memref<2x256xi32, #tpu.memory_space<vmem>> -> memref<1x256xi32, #tpu.memory_space<vmem>>
      %dma_wait3A_1466 = tpu.memref_squeeze %dma_wait3A_1465 : memref<1x256xi32, #tpu.memory_space<vmem>> -> memref<256xi32, #tpu.memory_space<vmem>>
      %dma_wait3A_1467 = tpu.memref_slice %arg3[%mul3A_786] : memref<204800xi32, #tpu.memory_space<hbm>> -> memref<256xi32, #tpu.memory_space<hbm>>
      tpu.wait_dma2 semaphore(%run_scoped3A_1451 : memref<!tpu.dma_semaphore, #tpu.memory_space<semaphore_mem>>) src(%dma_wait3A_1467 : memref<256xi32, #tpu.memory_space<hbm>>) dst(%dma_wait3A_1466 : memref<256xi32, #tpu.memory_space<vmem>>)
      tpu.yield
    }) : () -> ()
    %dma_start3A_788 = arith.constant 0 : i32
    %dma_start3A_789 = arith.constant 0 : i32
    %dma_start3A_790 = arith.constant 0 : i32
    %dma_start3A_791 = arith.constant 0 : i32
    %dma_start3A_792 = tpu.memref_slice %arg6[%dma_start3A_789, %dma_start3A_790, %dma_start3A_791] : memref<2x256x128xf32, #tpu.memory_space<vmem>> -> memref<1x256x128xf32, #tpu.memory_space<vmem>>
    %dma_start3A_793 = tpu.memref_squeeze %dma_start3A_792 : memref<1x256x128xf32, #tpu.memory_space<vmem>> -> memref<256x128xf32, #tpu.memory_space<vmem>>
    %dma_start3A_794 = arith.constant 0 : i32
    %dma_start3A_795 = tpu.memref_slice %arg5[%dma_start3A_788, %dma_start3A_794] : memref<2x256xi32, #tpu.memory_space<vmem>> -> memref<1x256xi32, #tpu.memory_space<vmem>>
    %dma_start3A_796 = tpu.memref_squeeze %dma_start3A_795 : memref<1x256xi32, #tpu.memory_space<vmem>> -> memref<256xi32, #tpu.memory_space<vmem>>
    %dma_start3A_797 = arith.constant 0 : i32
    %dma_start3A_798 = arith.constant 0 : i32
    %dma_start3A_799 = tpu.memref_slice %arg2[%dma_start3A_797, %dma_start3A_798] : memref<1000000x128xf32, #tpu.memory_space<hbm>> -> memref<1000000x128xf32, #tpu.memory_space<hbm>>
    tpu.enqueue_indirect_dma source(%dma_start3A_799 : memref<1000000x128xf32, #tpu.memory_space<hbm>>) target(%dma_start3A_793 : memref<256x128xf32, #tpu.memory_space<vmem>>) offsets(%dma_start3A_796 : memref<256xi32, #tpu.memory_space<vmem>>) semaphore(%arg7 : memref<!tpu.dma_semaphore, #tpu.memory_space<semaphore_mem>>)
    %dma_wait3A_800 = arith.constant 1 : i32
    %dma_wait3A_801 = arith.constant 1 : i32
    %dma_wait3A_802 = arith.constant 0 : i32
    %dma_wait3A_803 = arith.constant 0 : i32
    %dma_wait3A_804 = tpu.memref_slice %arg6[%dma_wait3A_801, %dma_wait3A_802, %dma_wait3A_803] : memref<2x256x128xf32, #tpu.memory_space<vmem>> -> memref<1x256x128xf32, #tpu.memory_space<vmem>>
    %dma_wait3A_805 = tpu.memref_squeeze %dma_wait3A_804 : memref<1x256x128xf32, #tpu.memory_space<vmem>> -> memref<256x128xf32, #tpu.memory_space<vmem>>
    %dma_wait3A_806 = arith.constant 0 : i32
    %dma_wait3A_807 = tpu.memref_slice %arg5[%dma_wait3A_800, %dma_wait3A_806] : memref<2x256xi32, #tpu.memory_space<vmem>> -> memref<1x256xi32, #tpu.memory_space<vmem>>
    %dma_wait3A_808 = tpu.memref_squeeze %dma_wait3A_807 : memref<1x256xi32, #tpu.memory_space<vmem>> -> memref<256xi32, #tpu.memory_space<vmem>>
    %dma_wait3A_809 = arith.constant 0 : i32
    %dma_wait3A_810 = arith.constant 0 : i32
    %dma_wait3A_811 = tpu.memref_slice %arg2[%dma_wait3A_809, %dma_wait3A_810] : memref<1000000x128xf32, #tpu.memory_space<hbm>> -> memref<1000000x128xf32, #tpu.memory_space<hbm>>
    tpu.wait_indirect_dma semaphore(%arg8 : memref<!tpu.dma_semaphore, #tpu.memory_space<semaphore_mem>>) src(%dma_wait3A_811 : memref<1000000x128xf32, #tpu.memory_space<hbm>>) dst(%dma_wait3A_805 : memref<256x128xf32, #tpu.memory_space<vmem>>)
    %sub3A_812 = arith.constant 1 : i32
    %sub3A_813 = arith.subi %add3A_771, %sub3A_812 : i32
    %mul3A_814 = arith.constant 256 : i32
    %mul3A_815 = arith.muli %sub3A_813, %mul3A_814 : i32
    %dma_start3A_816 = arith.constant 1 : i32
    %dma_start3A_817 = arith.constant 0 : i32
    %dma_start3A_818 = arith.constant 0 : i32
    %dma_start3A_819 = tpu.memref_slice %arg6[%dma_start3A_816, %dma_start3A_817, %dma_start3A_818] : memref<2x256x128xf32, #tpu.memory_space<vmem>> -> memref<1x256x64xf32, #tpu.memory_space<vmem>>
    %dma_start3A_820 = tpu.memref_squeeze %dma_start3A_819 : memref<1x256x64xf32, #tpu.memory_space<vmem>> -> memref<256x64xf32, #tpu.memory_space<vmem>>
    %dma_start3A_821 = arith.constant 0 : i32
    %dma_start3A_822 = tpu.memref_slice %arg4[%mul3A_815, %dma_start3A_821] : memref<204800x64xf32, #tpu.memory_space<hbm>> -> memref<256x64xf32, #tpu.memory_space<hbm>>
    %dma_start3A_823 = arith.constant 0 : i32
    %dma_start3A_824 = tpu.memref_slice %arg4[%mul3A_815, %dma_start3A_823] : memref<204800x64xf32, #tpu.memory_space<hbm>> -> memref<256x64xf32, #tpu.memory_space<hbm>>
    %dma_start3A_825 = arith.constant 0 : i32
    %dma_start3A_826 = arith.constant 0 : i32
    %dma_start3A_827 = tpu.memref_slice %arg6[%dma_start3A_816, %dma_start3A_825, %dma_start3A_826] : memref<2x256x128xf32, #tpu.memory_space<vmem>> -> memref<1x256x64xf32, #tpu.memory_space<vmem>>
    %dma_start3A_828 = tpu.memref_squeeze %dma_start3A_827 : memref<1x256x64xf32, #tpu.memory_space<vmem>> -> memref<256x64xf32, #tpu.memory_space<vmem>>
    tpu.enqueue_dma source(%dma_start3A_828 : memref<256x64xf32, #tpu.memory_space<vmem>>) target(%dma_start3A_824 : memref<256x64xf32, #tpu.memory_space<hbm>>) target_semaphore(%arg10 : memref<!tpu.dma_semaphore, #tpu.memory_space<semaphore_mem>>)
    %add3A_829 = arith.constant 15 : i32
    %add3A_830 = arith.addi %mul3A_2, %add3A_829 : i32
    %dma_wait3A_831 = arith.constant 1 : i32
    %dma_wait3A_832 = arith.constant 0 : i32
    %dma_wait3A_833 = arith.constant 0 : i32
    %dma_wait3A_834 = tpu.memref_slice %arg6[%dma_wait3A_831, %dma_wait3A_832, %dma_wait3A_833] : memref<2x256x128xf32, #tpu.memory_space<vmem>> -> memref<1x256x64xf32, #tpu.memory_space<vmem>>
    %dma_wait3A_835 = tpu.memref_squeeze %dma_wait3A_834 : memref<1x256x64xf32, #tpu.memory_space<vmem>> -> memref<256x64xf32, #tpu.memory_space<vmem>>
    %dma_wait3A_836 = arith.constant 0 : i32
    %dma_wait3A_837 = tpu.memref_slice %arg4[%mul3A_815, %dma_wait3A_836] : memref<204800x64xf32, #tpu.memory_space<hbm>> -> memref<256x64xf32, #tpu.memory_space<hbm>>
    %dma_wait3A_838 = arith.constant 0 : i32
    %dma_wait3A_839 = tpu.memref_slice %arg4[%mul3A_815, %dma_wait3A_838] : memref<204800x64xf32, #tpu.memory_space<hbm>> -> memref<256x64xf32, #tpu.memory_space<hbm>>
    %dma_wait3A_840 = arith.constant 0 : i32
    %dma_wait3A_841 = arith.constant 0 : i32
    %dma_wait3A_842 = tpu.memref_slice %arg6[%dma_wait3A_831, %dma_wait3A_840, %dma_wait3A_841] : memref<2x256x128xf32, #tpu.memory_space<vmem>> -> memref<1x256x64xf32, #tpu.memory_space<vmem>>
    %dma_wait3A_843 = tpu.memref_squeeze %dma_wait3A_842 : memref<1x256x64xf32, #tpu.memory_space<vmem>> -> memref<256x64xf32, #tpu.memory_space<vmem>>
    tpu.wait_dma2 semaphore(%arg10 : memref<!tpu.dma_semaphore, #tpu.memory_space<semaphore_mem>>) src(%dma_wait3A_843 : memref<256x64xf32, #tpu.memory_space<vmem>>) dst(%dma_wait3A_839 : memref<256x64xf32, #tpu.memory_space<hbm>>)
    %mul3A_844 = arith.constant 256 : i32
    %mul3A_845 = arith.muli %add3A_830, %mul3A_844 : i32
    %run_scoped3A_846 = arith.constant 1 : i32
    "tpu.region"() ({
      %run_scoped3A_1451 = tpu.sem_alloc : memref<!tpu.dma_semaphore, #tpu.memory_space<semaphore_mem>>
      %dma_start3A_1452 = arith.constant 0 : i32
      %dma_start3A_1453 = tpu.memref_slice %arg5[%run_scoped3A_846, %dma_start3A_1452] : memref<2x256xi32, #tpu.memory_space<vmem>> -> memref<1x256xi32, #tpu.memory_space<vmem>>
      %dma_start3A_1454 = tpu.memref_squeeze %dma_start3A_1453 : memref<1x256xi32, #tpu.memory_space<vmem>> -> memref<256xi32, #tpu.memory_space<vmem>>
      %dma_start3A_1455 = tpu.memref_slice %arg3[%mul3A_845] : memref<204800xi32, #tpu.memory_space<hbm>> -> memref<256xi32, #tpu.memory_space<hbm>>
      %dma_start3A_1456 = arith.constant 0 : i32
      %dma_start3A_1457 = tpu.memref_slice %arg5[%run_scoped3A_846, %dma_start3A_1456] : memref<2x256xi32, #tpu.memory_space<vmem>> -> memref<1x256xi32, #tpu.memory_space<vmem>>
      %dma_start3A_1458 = tpu.memref_squeeze %dma_start3A_1457 : memref<1x256xi32, #tpu.memory_space<vmem>> -> memref<256xi32, #tpu.memory_space<vmem>>
      %dma_start3A_1459 = tpu.memref_slice %arg3[%mul3A_845] : memref<204800xi32, #tpu.memory_space<hbm>> -> memref<256xi32, #tpu.memory_space<hbm>>
      tpu.enqueue_dma source(%dma_start3A_1459 : memref<256xi32, #tpu.memory_space<hbm>>) target(%dma_start3A_1458 : memref<256xi32, #tpu.memory_space<vmem>>) target_semaphore(%run_scoped3A_1451 : memref<!tpu.dma_semaphore, #tpu.memory_space<semaphore_mem>>)
      %dma_wait3A_1460 = arith.constant 0 : i32
      %dma_wait3A_1461 = tpu.memref_slice %arg5[%run_scoped3A_846, %dma_wait3A_1460] : memref<2x256xi32, #tpu.memory_space<vmem>> -> memref<1x256xi32, #tpu.memory_space<vmem>>
      %dma_wait3A_1462 = tpu.memref_squeeze %dma_wait3A_1461 : memref<1x256xi32, #tpu.memory_space<vmem>> -> memref<256xi32, #tpu.memory_space<vmem>>
      %dma_wait3A_1463 = tpu.memref_slice %arg3[%mul3A_845] : memref<204800xi32, #tpu.memory_space<hbm>> -> memref<256xi32, #tpu.memory_space<hbm>>
      %dma_wait3A_1464 = arith.constant 0 : i32
      %dma_wait3A_1465 = tpu.memref_slice %arg5[%run_scoped3A_846, %dma_wait3A_1464] : memref<2x256xi32, #tpu.memory_space<vmem>> -> memref<1x256xi32, #tpu.memory_space<vmem>>
      %dma_wait3A_1466 = tpu.memref_squeeze %dma_wait3A_1465 : memref<1x256xi32, #tpu.memory_space<vmem>> -> memref<256xi32, #tpu.memory_space<vmem>>
      %dma_wait3A_1467 = tpu.memref_slice %arg3[%mul3A_845] : memref<204800xi32, #tpu.memory_space<hbm>> -> memref<256xi32, #tpu.memory_space<hbm>>
      tpu.wait_dma2 semaphore(%run_scoped3A_1451 : memref<!tpu.dma_semaphore, #tpu.memory_space<semaphore_mem>>) src(%dma_wait3A_1467 : memref<256xi32, #tpu.memory_space<hbm>>) dst(%dma_wait3A_1466 : memref<256xi32, #tpu.memory_space<vmem>>)
      tpu.yield
    }) : () -> ()
    %dma_start3A_847 = arith.constant 1 : i32
    %dma_start3A_848 = arith.constant 1 : i32
    %dma_start3A_849 = arith.constant 0 : i32
    %dma_start3A_850 = arith.constant 0 : i32
    %dma_start3A_851 = tpu.memref_slice %arg6[%dma_start3A_848, %dma_start3A_849, %dma_start3A_850] : memref<2x256x128xf32, #tpu.memory_space<vmem>> -> memref<1x256x128xf32, #tpu.memory_space<vmem>>
    %dma_start3A_852 = tpu.memref_squeeze %dma_start3A_851 : memref<1x256x128xf32, #tpu.memory_space<vmem>> -> memref<256x128xf32, #tpu.memory_space<vmem>>
    %dma_start3A_853 = arith.constant 0 : i32
    %dma_start3A_854 = tpu.memref_slice %arg5[%dma_start3A_847, %dma_start3A_853] : memref<2x256xi32, #tpu.memory_space<vmem>> -> memref<1x256xi32, #tpu.memory_space<vmem>>
    %dma_start3A_855 = tpu.memref_squeeze %dma_start3A_854 : memref<1x256xi32, #tpu.memory_space<vmem>> -> memref<256xi32, #tpu.memory_space<vmem>>
    %dma_start3A_856 = arith.constant 0 : i32
    %dma_start3A_857 = arith.constant 0 : i32
    %dma_start3A_858 = tpu.memref_slice %arg2[%dma_start3A_856, %dma_start3A_857] : memref<1000000x128xf32, #tpu.memory_space<hbm>> -> memref<1000000x128xf32, #tpu.memory_space<hbm>>
    tpu.enqueue_indirect_dma source(%dma_start3A_858 : memref<1000000x128xf32, #tpu.memory_space<hbm>>) target(%dma_start3A_852 : memref<256x128xf32, #tpu.memory_space<vmem>>) offsets(%dma_start3A_855 : memref<256xi32, #tpu.memory_space<vmem>>) semaphore(%arg8 : memref<!tpu.dma_semaphore, #tpu.memory_space<semaphore_mem>>)
    %dma_wait3A_859 = arith.constant 0 : i32
    %dma_wait3A_860 = arith.constant 0 : i32
    %dma_wait3A_861 = arith.constant 0 : i32
    %dma_wait3A_862 = arith.constant 0 : i32
    %dma_wait3A_863 = tpu.memref_slice %arg6[%dma_wait3A_860, %dma_wait3A_861, %dma_wait3A_862] : memref<2x256x128xf32, #tpu.memory_space<vmem>> -> memref<1x256x128xf32, #tpu.memory_space<vmem>>
    %dma_wait3A_864 = tpu.memref_squeeze %dma_wait3A_863 : memref<1x256x128xf32, #tpu.memory_space<vmem>> -> memref<256x128xf32, #tpu.memory_space<vmem>>
    %dma_wait3A_865 = arith.constant 0 : i32
    %dma_wait3A_866 = tpu.memref_slice %arg5[%dma_wait3A_859, %dma_wait3A_865] : memref<2x256xi32, #tpu.memory_space<vmem>> -> memref<1x256xi32, #tpu.memory_space<vmem>>
    %dma_wait3A_867 = tpu.memref_squeeze %dma_wait3A_866 : memref<1x256xi32, #tpu.memory_space<vmem>> -> memref<256xi32, #tpu.memory_space<vmem>>
    %dma_wait3A_868 = arith.constant 0 : i32
    %dma_wait3A_869 = arith.constant 0 : i32
    %dma_wait3A_870 = tpu.memref_slice %arg2[%dma_wait3A_868, %dma_wait3A_869] : memref<1000000x128xf32, #tpu.memory_space<hbm>> -> memref<1000000x128xf32, #tpu.memory_space<hbm>>
    tpu.wait_indirect_dma semaphore(%arg7 : memref<!tpu.dma_semaphore, #tpu.memory_space<semaphore_mem>>) src(%dma_wait3A_870 : memref<1000000x128xf32, #tpu.memory_space<hbm>>) dst(%dma_wait3A_864 : memref<256x128xf32, #tpu.memory_space<vmem>>)
    %sub3A_871 = arith.constant 1 : i32
    %sub3A_872 = arith.subi %add3A_830, %sub3A_871 : i32
    %mul3A_873 = arith.constant 256 : i32
    %mul3A_874 = arith.muli %sub3A_872, %mul3A_873 : i32
    %dma_start3A_875 = arith.constant 0 : i32
    %dma_start3A_876 = arith.constant 0 : i32
    %dma_start3A_877 = arith.constant 0 : i32
    %dma_start3A_878 = tpu.memref_slice %arg6[%dma_start3A_875, %dma_start3A_876, %dma_start3A_877] : memref<2x256x128xf32, #tpu.memory_space<vmem>> -> memref<1x256x64xf32, #tpu.memory_space<vmem>>
    %dma_start3A_879 = tpu.memref_squeeze %dma_start3A_878 : memref<1x256x64xf32, #tpu.memory_space<vmem>> -> memref<256x64xf32, #tpu.memory_space<vmem>>
    %dma_start3A_880 = arith.constant 0 : i32
    %dma_start3A_881 = tpu.memref_slice %arg4[%mul3A_874, %dma_start3A_880] : memref<204800x64xf32, #tpu.memory_space<hbm>> -> memref<256x64xf32, #tpu.memory_space<hbm>>
    %dma_start3A_882 = arith.constant 0 : i32
    %dma_start3A_883 = tpu.memref_slice %arg4[%mul3A_874, %dma_start3A_882] : memref<204800x64xf32, #tpu.memory_space<hbm>> -> memref<256x64xf32, #tpu.memory_space<hbm>>
    %dma_start3A_884 = arith.constant 0 : i32
    %dma_start3A_885 = arith.constant 0 : i32
    %dma_start3A_886 = tpu.memref_slice %arg6[%dma_start3A_875, %dma_start3A_884, %dma_start3A_885] : memref<2x256x128xf32, #tpu.memory_space<vmem>> -> memref<1x256x64xf32, #tpu.memory_space<vmem>>
    %dma_start3A_887 = tpu.memref_squeeze %dma_start3A_886 : memref<1x256x64xf32, #tpu.memory_space<vmem>> -> memref<256x64xf32, #tpu.memory_space<vmem>>
    tpu.enqueue_dma source(%dma_start3A_887 : memref<256x64xf32, #tpu.memory_space<vmem>>) target(%dma_start3A_883 : memref<256x64xf32, #tpu.memory_space<hbm>>) target_semaphore(%arg9 : memref<!tpu.dma_semaphore, #tpu.memory_space<semaphore_mem>>)
    %add3A_888 = arith.constant 16 : i32
    %add3A_889 = arith.addi %mul3A_2, %add3A_888 : i32
    %dma_wait3A_890 = arith.constant 0 : i32
    %dma_wait3A_891 = arith.constant 0 : i32
    %dma_wait3A_892 = arith.constant 0 : i32
    %dma_wait3A_893 = tpu.memref_slice %arg6[%dma_wait3A_890, %dma_wait3A_891, %dma_wait3A_892] : memref<2x256x128xf32, #tpu.memory_space<vmem>> -> memref<1x256x64xf32, #tpu.memory_space<vmem>>
    %dma_wait3A_894 = tpu.memref_squeeze %dma_wait3A_893 : memref<1x256x64xf32, #tpu.memory_space<vmem>> -> memref<256x64xf32, #tpu.memory_space<vmem>>
    %dma_wait3A_895 = arith.constant 0 : i32
    %dma_wait3A_896 = tpu.memref_slice %arg4[%mul3A_874, %dma_wait3A_895] : memref<204800x64xf32, #tpu.memory_space<hbm>> -> memref<256x64xf32, #tpu.memory_space<hbm>>
    %dma_wait3A_897 = arith.constant 0 : i32
    %dma_wait3A_898 = tpu.memref_slice %arg4[%mul3A_874, %dma_wait3A_897] : memref<204800x64xf32, #tpu.memory_space<hbm>> -> memref<256x64xf32, #tpu.memory_space<hbm>>
    %dma_wait3A_899 = arith.constant 0 : i32
    %dma_wait3A_900 = arith.constant 0 : i32
    %dma_wait3A_901 = tpu.memref_slice %arg6[%dma_wait3A_890, %dma_wait3A_899, %dma_wait3A_900] : memref<2x256x128xf32, #tpu.memory_space<vmem>> -> memref<1x256x64xf32, #tpu.memory_space<vmem>>
    %dma_wait3A_902 = tpu.memref_squeeze %dma_wait3A_901 : memref<1x256x64xf32, #tpu.memory_space<vmem>> -> memref<256x64xf32, #tpu.memory_space<vmem>>
    tpu.wait_dma2 semaphore(%arg9 : memref<!tpu.dma_semaphore, #tpu.memory_space<semaphore_mem>>) src(%dma_wait3A_902 : memref<256x64xf32, #tpu.memory_space<vmem>>) dst(%dma_wait3A_898 : memref<256x64xf32, #tpu.memory_space<hbm>>)
    %mul3A_903 = arith.constant 256 : i32
    %mul3A_904 = arith.muli %add3A_889, %mul3A_903 : i32
    %run_scoped3A_905 = arith.constant 0 : i32
    "tpu.region"() ({
      %run_scoped3A_1451 = tpu.sem_alloc : memref<!tpu.dma_semaphore, #tpu.memory_space<semaphore_mem>>
      %dma_start3A_1452 = arith.constant 0 : i32
      %dma_start3A_1453 = tpu.memref_slice %arg5[%run_scoped3A_905, %dma_start3A_1452] : memref<2x256xi32, #tpu.memory_space<vmem>> -> memref<1x256xi32, #tpu.memory_space<vmem>>
      %dma_start3A_1454 = tpu.memref_squeeze %dma_start3A_1453 : memref<1x256xi32, #tpu.memory_space<vmem>> -> memref<256xi32, #tpu.memory_space<vmem>>
      %dma_start3A_1455 = tpu.memref_slice %arg3[%mul3A_904] : memref<204800xi32, #tpu.memory_space<hbm>> -> memref<256xi32, #tpu.memory_space<hbm>>
      %dma_start3A_1456 = arith.constant 0 : i32
      %dma_start3A_1457 = tpu.memref_slice %arg5[%run_scoped3A_905, %dma_start3A_1456] : memref<2x256xi32, #tpu.memory_space<vmem>> -> memref<1x256xi32, #tpu.memory_space<vmem>>
      %dma_start3A_1458 = tpu.memref_squeeze %dma_start3A_1457 : memref<1x256xi32, #tpu.memory_space<vmem>> -> memref<256xi32, #tpu.memory_space<vmem>>
      %dma_start3A_1459 = tpu.memref_slice %arg3[%mul3A_904] : memref<204800xi32, #tpu.memory_space<hbm>> -> memref<256xi32, #tpu.memory_space<hbm>>
      tpu.enqueue_dma source(%dma_start3A_1459 : memref<256xi32, #tpu.memory_space<hbm>>) target(%dma_start3A_1458 : memref<256xi32, #tpu.memory_space<vmem>>) target_semaphore(%run_scoped3A_1451 : memref<!tpu.dma_semaphore, #tpu.memory_space<semaphore_mem>>)
      %dma_wait3A_1460 = arith.constant 0 : i32
      %dma_wait3A_1461 = tpu.memref_slice %arg5[%run_scoped3A_905, %dma_wait3A_1460] : memref<2x256xi32, #tpu.memory_space<vmem>> -> memref<1x256xi32, #tpu.memory_space<vmem>>
      %dma_wait3A_1462 = tpu.memref_squeeze %dma_wait3A_1461 : memref<1x256xi32, #tpu.memory_space<vmem>> -> memref<256xi32, #tpu.memory_space<vmem>>
      %dma_wait3A_1463 = tpu.memref_slice %arg3[%mul3A_904] : memref<204800xi32, #tpu.memory_space<hbm>> -> memref<256xi32, #tpu.memory_space<hbm>>
      %dma_wait3A_1464 = arith.constant 0 : i32
      %dma_wait3A_1465 = tpu.memref_slice %arg5[%run_scoped3A_905, %dma_wait3A_1464] : memref<2x256xi32, #tpu.memory_space<vmem>> -> memref<1x256xi32, #tpu.memory_space<vmem>>
      %dma_wait3A_1466 = tpu.memref_squeeze %dma_wait3A_1465 : memref<1x256xi32, #tpu.memory_space<vmem>> -> memref<256xi32, #tpu.memory_space<vmem>>
      %dma_wait3A_1467 = tpu.memref_slice %arg3[%mul3A_904] : memref<204800xi32, #tpu.memory_space<hbm>> -> memref<256xi32, #tpu.memory_space<hbm>>
      tpu.wait_dma2 semaphore(%run_scoped3A_1451 : memref<!tpu.dma_semaphore, #tpu.memory_space<semaphore_mem>>) src(%dma_wait3A_1467 : memref<256xi32, #tpu.memory_space<hbm>>) dst(%dma_wait3A_1466 : memref<256xi32, #tpu.memory_space<vmem>>)
      tpu.yield
    }) : () -> ()
    %dma_start3A_906 = arith.constant 0 : i32
    %dma_start3A_907 = arith.constant 0 : i32
    %dma_start3A_908 = arith.constant 0 : i32
    %dma_start3A_909 = arith.constant 0 : i32
    %dma_start3A_910 = tpu.memref_slice %arg6[%dma_start3A_907, %dma_start3A_908, %dma_start3A_909] : memref<2x256x128xf32, #tpu.memory_space<vmem>> -> memref<1x256x128xf32, #tpu.memory_space<vmem>>
    %dma_start3A_911 = tpu.memref_squeeze %dma_start3A_910 : memref<1x256x128xf32, #tpu.memory_space<vmem>> -> memref<256x128xf32, #tpu.memory_space<vmem>>
    %dma_start3A_912 = arith.constant 0 : i32
    %dma_start3A_913 = tpu.memref_slice %arg5[%dma_start3A_906, %dma_start3A_912] : memref<2x256xi32, #tpu.memory_space<vmem>> -> memref<1x256xi32, #tpu.memory_space<vmem>>
    %dma_start3A_914 = tpu.memref_squeeze %dma_start3A_913 : memref<1x256xi32, #tpu.memory_space<vmem>> -> memref<256xi32, #tpu.memory_space<vmem>>
    %dma_start3A_915 = arith.constant 0 : i32
    %dma_start3A_916 = arith.constant 0 : i32
    %dma_start3A_917 = tpu.memref_slice %arg2[%dma_start3A_915, %dma_start3A_916] : memref<1000000x128xf32, #tpu.memory_space<hbm>> -> memref<1000000x128xf32, #tpu.memory_space<hbm>>
    tpu.enqueue_indirect_dma source(%dma_start3A_917 : memref<1000000x128xf32, #tpu.memory_space<hbm>>) target(%dma_start3A_911 : memref<256x128xf32, #tpu.memory_space<vmem>>) offsets(%dma_start3A_914 : memref<256xi32, #tpu.memory_space<vmem>>) semaphore(%arg7 : memref<!tpu.dma_semaphore, #tpu.memory_space<semaphore_mem>>)
    %dma_wait3A_918 = arith.constant 1 : i32
    %dma_wait3A_919 = arith.constant 1 : i32
    %dma_wait3A_920 = arith.constant 0 : i32
    %dma_wait3A_921 = arith.constant 0 : i32
    %dma_wait3A_922 = tpu.memref_slice %arg6[%dma_wait3A_919, %dma_wait3A_920, %dma_wait3A_921] : memref<2x256x128xf32, #tpu.memory_space<vmem>> -> memref<1x256x128xf32, #tpu.memory_space<vmem>>
    %dma_wait3A_923 = tpu.memref_squeeze %dma_wait3A_922 : memref<1x256x128xf32, #tpu.memory_space<vmem>> -> memref<256x128xf32, #tpu.memory_space<vmem>>
    %dma_wait3A_924 = arith.constant 0 : i32
    %dma_wait3A_925 = tpu.memref_slice %arg5[%dma_wait3A_918, %dma_wait3A_924] : memref<2x256xi32, #tpu.memory_space<vmem>> -> memref<1x256xi32, #tpu.memory_space<vmem>>
    %dma_wait3A_926 = tpu.memref_squeeze %dma_wait3A_925 : memref<1x256xi32, #tpu.memory_space<vmem>> -> memref<256xi32, #tpu.memory_space<vmem>>
    %dma_wait3A_927 = arith.constant 0 : i32
    %dma_wait3A_928 = arith.constant 0 : i32
    %dma_wait3A_929 = tpu.memref_slice %arg2[%dma_wait3A_927, %dma_wait3A_928] : memref<1000000x128xf32, #tpu.memory_space<hbm>> -> memref<1000000x128xf32, #tpu.memory_space<hbm>>
    tpu.wait_indirect_dma semaphore(%arg8 : memref<!tpu.dma_semaphore, #tpu.memory_space<semaphore_mem>>) src(%dma_wait3A_929 : memref<1000000x128xf32, #tpu.memory_space<hbm>>) dst(%dma_wait3A_923 : memref<256x128xf32, #tpu.memory_space<vmem>>)
    %sub3A_930 = arith.constant 1 : i32
    %sub3A_931 = arith.subi %add3A_889, %sub3A_930 : i32
    %mul3A_932 = arith.constant 256 : i32
    %mul3A_933 = arith.muli %sub3A_931, %mul3A_932 : i32
    %dma_start3A_934 = arith.constant 1 : i32
    %dma_start3A_935 = arith.constant 0 : i32
    %dma_start3A_936 = arith.constant 0 : i32
    %dma_start3A_937 = tpu.memref_slice %arg6[%dma_start3A_934, %dma_start3A_935, %dma_start3A_936] : memref<2x256x128xf32, #tpu.memory_space<vmem>> -> memref<1x256x64xf32, #tpu.memory_space<vmem>>
    %dma_start3A_938 = tpu.memref_squeeze %dma_start3A_937 : memref<1x256x64xf32, #tpu.memory_space<vmem>> -> memref<256x64xf32, #tpu.memory_space<vmem>>
    %dma_start3A_939 = arith.constant 0 : i32
    %dma_start3A_940 = tpu.memref_slice %arg4[%mul3A_933, %dma_start3A_939] : memref<204800x64xf32, #tpu.memory_space<hbm>> -> memref<256x64xf32, #tpu.memory_space<hbm>>
    %dma_start3A_941 = arith.constant 0 : i32
    %dma_start3A_942 = tpu.memref_slice %arg4[%mul3A_933, %dma_start3A_941] : memref<204800x64xf32, #tpu.memory_space<hbm>> -> memref<256x64xf32, #tpu.memory_space<hbm>>
    %dma_start3A_943 = arith.constant 0 : i32
    %dma_start3A_944 = arith.constant 0 : i32
    %dma_start3A_945 = tpu.memref_slice %arg6[%dma_start3A_934, %dma_start3A_943, %dma_start3A_944] : memref<2x256x128xf32, #tpu.memory_space<vmem>> -> memref<1x256x64xf32, #tpu.memory_space<vmem>>
    %dma_start3A_946 = tpu.memref_squeeze %dma_start3A_945 : memref<1x256x64xf32, #tpu.memory_space<vmem>> -> memref<256x64xf32, #tpu.memory_space<vmem>>
    tpu.enqueue_dma source(%dma_start3A_946 : memref<256x64xf32, #tpu.memory_space<vmem>>) target(%dma_start3A_942 : memref<256x64xf32, #tpu.memory_space<hbm>>) target_semaphore(%arg10 : memref<!tpu.dma_semaphore, #tpu.memory_space<semaphore_mem>>)
    %add3A_947 = arith.constant 17 : i32
    %add3A_948 = arith.addi %mul3A_2, %add3A_947 : i32
    %dma_wait3A_949 = arith.constant 1 : i32
    %dma_wait3A_950 = arith.constant 0 : i32
    %dma_wait3A_951 = arith.constant 0 : i32
    %dma_wait3A_952 = tpu.memref_slice %arg6[%dma_wait3A_949, %dma_wait3A_950, %dma_wait3A_951] : memref<2x256x128xf32, #tpu.memory_space<vmem>> -> memref<1x256x64xf32, #tpu.memory_space<vmem>>
    %dma_wait3A_953 = tpu.memref_squeeze %dma_wait3A_952 : memref<1x256x64xf32, #tpu.memory_space<vmem>> -> memref<256x64xf32, #tpu.memory_space<vmem>>
    %dma_wait3A_954 = arith.constant 0 : i32
    %dma_wait3A_955 = tpu.memref_slice %arg4[%mul3A_933, %dma_wait3A_954] : memref<204800x64xf32, #tpu.memory_space<hbm>> -> memref<256x64xf32, #tpu.memory_space<hbm>>
    %dma_wait3A_956 = arith.constant 0 : i32
    %dma_wait3A_957 = tpu.memref_slice %arg4[%mul3A_933, %dma_wait3A_956] : memref<204800x64xf32, #tpu.memory_space<hbm>> -> memref<256x64xf32, #tpu.memory_space<hbm>>
    %dma_wait3A_958 = arith.constant 0 : i32
    %dma_wait3A_959 = arith.constant 0 : i32
    %dma_wait3A_960 = tpu.memref_slice %arg6[%dma_wait3A_949, %dma_wait3A_958, %dma_wait3A_959] : memref<2x256x128xf32, #tpu.memory_space<vmem>> -> memref<1x256x64xf32, #tpu.memory_space<vmem>>
    %dma_wait3A_961 = tpu.memref_squeeze %dma_wait3A_960 : memref<1x256x64xf32, #tpu.memory_space<vmem>> -> memref<256x64xf32, #tpu.memory_space<vmem>>
    tpu.wait_dma2 semaphore(%arg10 : memref<!tpu.dma_semaphore, #tpu.memory_space<semaphore_mem>>) src(%dma_wait3A_961 : memref<256x64xf32, #tpu.memory_space<vmem>>) dst(%dma_wait3A_957 : memref<256x64xf32, #tpu.memory_space<hbm>>)
    %mul3A_962 = arith.constant 256 : i32
    %mul3A_963 = arith.muli %add3A_948, %mul3A_962 : i32
    %run_scoped3A_964 = arith.constant 1 : i32
    "tpu.region"() ({
      %run_scoped3A_1451 = tpu.sem_alloc : memref<!tpu.dma_semaphore, #tpu.memory_space<semaphore_mem>>
      %dma_start3A_1452 = arith.constant 0 : i32
      %dma_start3A_1453 = tpu.memref_slice %arg5[%run_scoped3A_964, %dma_start3A_1452] : memref<2x256xi32, #tpu.memory_space<vmem>> -> memref<1x256xi32, #tpu.memory_space<vmem>>
      %dma_start3A_1454 = tpu.memref_squeeze %dma_start3A_1453 : memref<1x256xi32, #tpu.memory_space<vmem>> -> memref<256xi32, #tpu.memory_space<vmem>>
      %dma_start3A_1455 = tpu.memref_slice %arg3[%mul3A_963] : memref<204800xi32, #tpu.memory_space<hbm>> -> memref<256xi32, #tpu.memory_space<hbm>>
      %dma_start3A_1456 = arith.constant 0 : i32
      %dma_start3A_1457 = tpu.memref_slice %arg5[%run_scoped3A_964, %dma_start3A_1456] : memref<2x256xi32, #tpu.memory_space<vmem>> -> memref<1x256xi32, #tpu.memory_space<vmem>>
      %dma_start3A_1458 = tpu.memref_squeeze %dma_start3A_1457 : memref<1x256xi32, #tpu.memory_space<vmem>> -> memref<256xi32, #tpu.memory_space<vmem>>
      %dma_start3A_1459 = tpu.memref_slice %arg3[%mul3A_963] : memref<204800xi32, #tpu.memory_space<hbm>> -> memref<256xi32, #tpu.memory_space<hbm>>
      tpu.enqueue_dma source(%dma_start3A_1459 : memref<256xi32, #tpu.memory_space<hbm>>) target(%dma_start3A_1458 : memref<256xi32, #tpu.memory_space<vmem>>) target_semaphore(%run_scoped3A_1451 : memref<!tpu.dma_semaphore, #tpu.memory_space<semaphore_mem>>)
      %dma_wait3A_1460 = arith.constant 0 : i32
      %dma_wait3A_1461 = tpu.memref_slice %arg5[%run_scoped3A_964, %dma_wait3A_1460] : memref<2x256xi32, #tpu.memory_space<vmem>> -> memref<1x256xi32, #tpu.memory_space<vmem>>
      %dma_wait3A_1462 = tpu.memref_squeeze %dma_wait3A_1461 : memref<1x256xi32, #tpu.memory_space<vmem>> -> memref<256xi32, #tpu.memory_space<vmem>>
      %dma_wait3A_1463 = tpu.memref_slice %arg3[%mul3A_963] : memref<204800xi32, #tpu.memory_space<hbm>> -> memref<256xi32, #tpu.memory_space<hbm>>
      %dma_wait3A_1464 = arith.constant 0 : i32
      %dma_wait3A_1465 = tpu.memref_slice %arg5[%run_scoped3A_964, %dma_wait3A_1464] : memref<2x256xi32, #tpu.memory_space<vmem>> -> memref<1x256xi32, #tpu.memory_space<vmem>>
      %dma_wait3A_1466 = tpu.memref_squeeze %dma_wait3A_1465 : memref<1x256xi32, #tpu.memory_space<vmem>> -> memref<256xi32, #tpu.memory_space<vmem>>
      %dma_wait3A_1467 = tpu.memref_slice %arg3[%mul3A_963] : memref<204800xi32, #tpu.memory_space<hbm>> -> memref<256xi32, #tpu.memory_space<hbm>>
      tpu.wait_dma2 semaphore(%run_scoped3A_1451 : memref<!tpu.dma_semaphore, #tpu.memory_space<semaphore_mem>>) src(%dma_wait3A_1467 : memref<256xi32, #tpu.memory_space<hbm>>) dst(%dma_wait3A_1466 : memref<256xi32, #tpu.memory_space<vmem>>)
      tpu.yield
    }) : () -> ()
    %dma_start3A_965 = arith.constant 1 : i32
    %dma_start3A_966 = arith.constant 1 : i32
    %dma_start3A_967 = arith.constant 0 : i32
    %dma_start3A_968 = arith.constant 0 : i32
    %dma_start3A_969 = tpu.memref_slice %arg6[%dma_start3A_966, %dma_start3A_967, %dma_start3A_968] : memref<2x256x128xf32, #tpu.memory_space<vmem>> -> memref<1x256x128xf32, #tpu.memory_space<vmem>>
    %dma_start3A_970 = tpu.memref_squeeze %dma_start3A_969 : memref<1x256x128xf32, #tpu.memory_space<vmem>> -> memref<256x128xf32, #tpu.memory_space<vmem>>
    %dma_start3A_971 = arith.constant 0 : i32
    %dma_start3A_972 = tpu.memref_slice %arg5[%dma_start3A_965, %dma_start3A_971] : memref<2x256xi32, #tpu.memory_space<vmem>> -> memref<1x256xi32, #tpu.memory_space<vmem>>
    %dma_start3A_973 = tpu.memref_squeeze %dma_start3A_972 : memref<1x256xi32, #tpu.memory_space<vmem>> -> memref<256xi32, #tpu.memory_space<vmem>>
    %dma_start3A_974 = arith.constant 0 : i32
    %dma_start3A_975 = arith.constant 0 : i32
    %dma_start3A_976 = tpu.memref_slice %arg2[%dma_start3A_974, %dma_start3A_975] : memref<1000000x128xf32, #tpu.memory_space<hbm>> -> memref<1000000x128xf32, #tpu.memory_space<hbm>>
    tpu.enqueue_indirect_dma source(%dma_start3A_976 : memref<1000000x128xf32, #tpu.memory_space<hbm>>) target(%dma_start3A_970 : memref<256x128xf32, #tpu.memory_space<vmem>>) offsets(%dma_start3A_973 : memref<256xi32, #tpu.memory_space<vmem>>) semaphore(%arg8 : memref<!tpu.dma_semaphore, #tpu.memory_space<semaphore_mem>>)
    %dma_wait3A_977 = arith.constant 0 : i32
    %dma_wait3A_978 = arith.constant 0 : i32
    %dma_wait3A_979 = arith.constant 0 : i32
    %dma_wait3A_980 = arith.constant 0 : i32
    %dma_wait3A_981 = tpu.memref_slice %arg6[%dma_wait3A_978, %dma_wait3A_979, %dma_wait3A_980] : memref<2x256x128xf32, #tpu.memory_space<vmem>> -> memref<1x256x128xf32, #tpu.memory_space<vmem>>
    %dma_wait3A_982 = tpu.memref_squeeze %dma_wait3A_981 : memref<1x256x128xf32, #tpu.memory_space<vmem>> -> memref<256x128xf32, #tpu.memory_space<vmem>>
    %dma_wait3A_983 = arith.constant 0 : i32
    %dma_wait3A_984 = tpu.memref_slice %arg5[%dma_wait3A_977, %dma_wait3A_983] : memref<2x256xi32, #tpu.memory_space<vmem>> -> memref<1x256xi32, #tpu.memory_space<vmem>>
    %dma_wait3A_985 = tpu.memref_squeeze %dma_wait3A_984 : memref<1x256xi32, #tpu.memory_space<vmem>> -> memref<256xi32, #tpu.memory_space<vmem>>
    %dma_wait3A_986 = arith.constant 0 : i32
    %dma_wait3A_987 = arith.constant 0 : i32
    %dma_wait3A_988 = tpu.memref_slice %arg2[%dma_wait3A_986, %dma_wait3A_987] : memref<1000000x128xf32, #tpu.memory_space<hbm>> -> memref<1000000x128xf32, #tpu.memory_space<hbm>>
    tpu.wait_indirect_dma semaphore(%arg7 : memref<!tpu.dma_semaphore, #tpu.memory_space<semaphore_mem>>) src(%dma_wait3A_988 : memref<1000000x128xf32, #tpu.memory_space<hbm>>) dst(%dma_wait3A_982 : memref<256x128xf32, #tpu.memory_space<vmem>>)
    %sub3A_989 = arith.constant 1 : i32
    %sub3A_990 = arith.subi %add3A_948, %sub3A_989 : i32
    %mul3A_991 = arith.constant 256 : i32
    %mul3A_992 = arith.muli %sub3A_990, %mul3A_991 : i32
    %dma_start3A_993 = arith.constant 0 : i32
    %dma_start3A_994 = arith.constant 0 : i32
    %dma_start3A_995 = arith.constant 0 : i32
    %dma_start3A_996 = tpu.memref_slice %arg6[%dma_start3A_993, %dma_start3A_994, %dma_start3A_995] : memref<2x256x128xf32, #tpu.memory_space<vmem>> -> memref<1x256x64xf32, #tpu.memory_space<vmem>>
    %dma_start3A_997 = tpu.memref_squeeze %dma_start3A_996 : memref<1x256x64xf32, #tpu.memory_space<vmem>> -> memref<256x64xf32, #tpu.memory_space<vmem>>
    %dma_start3A_998 = arith.constant 0 : i32
    %dma_start3A_999 = tpu.memref_slice %arg4[%mul3A_992, %dma_start3A_998] : memref<204800x64xf32, #tpu.memory_space<hbm>> -> memref<256x64xf32, #tpu.memory_space<hbm>>
    %dma_start3A_1000 = arith.constant 0 : i32
    %dma_start3A_1001 = tpu.memref_slice %arg4[%mul3A_992, %dma_start3A_1000] : memref<204800x64xf32, #tpu.memory_space<hbm>> -> memref<256x64xf32, #tpu.memory_space<hbm>>
    %dma_start3A_1002 = arith.constant 0 : i32
    %dma_start3A_1003 = arith.constant 0 : i32
    %dma_start3A_1004 = tpu.memref_slice %arg6[%dma_start3A_993, %dma_start3A_1002, %dma_start3A_1003] : memref<2x256x128xf32, #tpu.memory_space<vmem>> -> memref<1x256x64xf32, #tpu.memory_space<vmem>>
    %dma_start3A_1005 = tpu.memref_squeeze %dma_start3A_1004 : memref<1x256x64xf32, #tpu.memory_space<vmem>> -> memref<256x64xf32, #tpu.memory_space<vmem>>
    tpu.enqueue_dma source(%dma_start3A_1005 : memref<256x64xf32, #tpu.memory_space<vmem>>) target(%dma_start3A_1001 : memref<256x64xf32, #tpu.memory_space<hbm>>) target_semaphore(%arg9 : memref<!tpu.dma_semaphore, #tpu.memory_space<semaphore_mem>>)
    %add3A_1006 = arith.constant 18 : i32
    %add3A_1007 = arith.addi %mul3A_2, %add3A_1006 : i32
    %dma_wait3A_1008 = arith.constant 0 : i32
    %dma_wait3A_1009 = arith.constant 0 : i32
    %dma_wait3A_1010 = arith.constant 0 : i32
    %dma_wait3A_1011 = tpu.memref_slice %arg6[%dma_wait3A_1008, %dma_wait3A_1009, %dma_wait3A_1010] : memref<2x256x128xf32, #tpu.memory_space<vmem>> -> memref<1x256x64xf32, #tpu.memory_space<vmem>>
    %dma_wait3A_1012 = tpu.memref_squeeze %dma_wait3A_1011 : memref<1x256x64xf32, #tpu.memory_space<vmem>> -> memref<256x64xf32, #tpu.memory_space<vmem>>
    %dma_wait3A_1013 = arith.constant 0 : i32
    %dma_wait3A_1014 = tpu.memref_slice %arg4[%mul3A_992, %dma_wait3A_1013] : memref<204800x64xf32, #tpu.memory_space<hbm>> -> memref<256x64xf32, #tpu.memory_space<hbm>>
    %dma_wait3A_1015 = arith.constant 0 : i32
    %dma_wait3A_1016 = tpu.memref_slice %arg4[%mul3A_992, %dma_wait3A_1015] : memref<204800x64xf32, #tpu.memory_space<hbm>> -> memref<256x64xf32, #tpu.memory_space<hbm>>
    %dma_wait3A_1017 = arith.constant 0 : i32
    %dma_wait3A_1018 = arith.constant 0 : i32
    %dma_wait3A_1019 = tpu.memref_slice %arg6[%dma_wait3A_1008, %dma_wait3A_1017, %dma_wait3A_1018] : memref<2x256x128xf32, #tpu.memory_space<vmem>> -> memref<1x256x64xf32, #tpu.memory_space<vmem>>
    %dma_wait3A_1020 = tpu.memref_squeeze %dma_wait3A_1019 : memref<1x256x64xf32, #tpu.memory_space<vmem>> -> memref<256x64xf32, #tpu.memory_space<vmem>>
    tpu.wait_dma2 semaphore(%arg9 : memref<!tpu.dma_semaphore, #tpu.memory_space<semaphore_mem>>) src(%dma_wait3A_1020 : memref<256x64xf32, #tpu.memory_space<vmem>>) dst(%dma_wait3A_1016 : memref<256x64xf32, #tpu.memory_space<hbm>>)
    %mul3A_1021 = arith.constant 256 : i32
    %mul3A_1022 = arith.muli %add3A_1007, %mul3A_1021 : i32
    %run_scoped3A_1023 = arith.constant 0 : i32
    "tpu.region"() ({
      %run_scoped3A_1451 = tpu.sem_alloc : memref<!tpu.dma_semaphore, #tpu.memory_space<semaphore_mem>>
      %dma_start3A_1452 = arith.constant 0 : i32
      %dma_start3A_1453 = tpu.memref_slice %arg5[%run_scoped3A_1023, %dma_start3A_1452] : memref<2x256xi32, #tpu.memory_space<vmem>> -> memref<1x256xi32, #tpu.memory_space<vmem>>
      %dma_start3A_1454 = tpu.memref_squeeze %dma_start3A_1453 : memref<1x256xi32, #tpu.memory_space<vmem>> -> memref<256xi32, #tpu.memory_space<vmem>>
      %dma_start3A_1455 = tpu.memref_slice %arg3[%mul3A_1022] : memref<204800xi32, #tpu.memory_space<hbm>> -> memref<256xi32, #tpu.memory_space<hbm>>
      %dma_start3A_1456 = arith.constant 0 : i32
      %dma_start3A_1457 = tpu.memref_slice %arg5[%run_scoped3A_1023, %dma_start3A_1456] : memref<2x256xi32, #tpu.memory_space<vmem>> -> memref<1x256xi32, #tpu.memory_space<vmem>>
      %dma_start3A_1458 = tpu.memref_squeeze %dma_start3A_1457 : memref<1x256xi32, #tpu.memory_space<vmem>> -> memref<256xi32, #tpu.memory_space<vmem>>
      %dma_start3A_1459 = tpu.memref_slice %arg3[%mul3A_1022] : memref<204800xi32, #tpu.memory_space<hbm>> -> memref<256xi32, #tpu.memory_space<hbm>>
      tpu.enqueue_dma source(%dma_start3A_1459 : memref<256xi32, #tpu.memory_space<hbm>>) target(%dma_start3A_1458 : memref<256xi32, #tpu.memory_space<vmem>>) target_semaphore(%run_scoped3A_1451 : memref<!tpu.dma_semaphore, #tpu.memory_space<semaphore_mem>>)
      %dma_wait3A_1460 = arith.constant 0 : i32
      %dma_wait3A_1461 = tpu.memref_slice %arg5[%run_scoped3A_1023, %dma_wait3A_1460] : memref<2x256xi32, #tpu.memory_space<vmem>> -> memref<1x256xi32, #tpu.memory_space<vmem>>
      %dma_wait3A_1462 = tpu.memref_squeeze %dma_wait3A_1461 : memref<1x256xi32, #tpu.memory_space<vmem>> -> memref<256xi32, #tpu.memory_space<vmem>>
      %dma_wait3A_1463 = tpu.memref_slice %arg3[%mul3A_1022] : memref<204800xi32, #tpu.memory_space<hbm>> -> memref<256xi32, #tpu.memory_space<hbm>>
      %dma_wait3A_1464 = arith.constant 0 : i32
      %dma_wait3A_1465 = tpu.memref_slice %arg5[%run_scoped3A_1023, %dma_wait3A_1464] : memref<2x256xi32, #tpu.memory_space<vmem>> -> memref<1x256xi32, #tpu.memory_space<vmem>>
      %dma_wait3A_1466 = tpu.memref_squeeze %dma_wait3A_1465 : memref<1x256xi32, #tpu.memory_space<vmem>> -> memref<256xi32, #tpu.memory_space<vmem>>
      %dma_wait3A_1467 = tpu.memref_slice %arg3[%mul3A_1022] : memref<204800xi32, #tpu.memory_space<hbm>> -> memref<256xi32, #tpu.memory_space<hbm>>
      tpu.wait_dma2 semaphore(%run_scoped3A_1451 : memref<!tpu.dma_semaphore, #tpu.memory_space<semaphore_mem>>) src(%dma_wait3A_1467 : memref<256xi32, #tpu.memory_space<hbm>>) dst(%dma_wait3A_1466 : memref<256xi32, #tpu.memory_space<vmem>>)
      tpu.yield
    }) : () -> ()
    %dma_start3A_1024 = arith.constant 0 : i32
    %dma_start3A_1025 = arith.constant 0 : i32
    %dma_start3A_1026 = arith.constant 0 : i32
    %dma_start3A_1027 = arith.constant 0 : i32
    %dma_start3A_1028 = tpu.memref_slice %arg6[%dma_start3A_1025, %dma_start3A_1026, %dma_start3A_1027] : memref<2x256x128xf32, #tpu.memory_space<vmem>> -> memref<1x256x128xf32, #tpu.memory_space<vmem>>
    %dma_start3A_1029 = tpu.memref_squeeze %dma_start3A_1028 : memref<1x256x128xf32, #tpu.memory_space<vmem>> -> memref<256x128xf32, #tpu.memory_space<vmem>>
    %dma_start3A_1030 = arith.constant 0 : i32
    %dma_start3A_1031 = tpu.memref_slice %arg5[%dma_start3A_1024, %dma_start3A_1030] : memref<2x256xi32, #tpu.memory_space<vmem>> -> memref<1x256xi32, #tpu.memory_space<vmem>>
    %dma_start3A_1032 = tpu.memref_squeeze %dma_start3A_1031 : memref<1x256xi32, #tpu.memory_space<vmem>> -> memref<256xi32, #tpu.memory_space<vmem>>
    %dma_start3A_1033 = arith.constant 0 : i32
    %dma_start3A_1034 = arith.constant 0 : i32
    %dma_start3A_1035 = tpu.memref_slice %arg2[%dma_start3A_1033, %dma_start3A_1034] : memref<1000000x128xf32, #tpu.memory_space<hbm>> -> memref<1000000x128xf32, #tpu.memory_space<hbm>>
    tpu.enqueue_indirect_dma source(%dma_start3A_1035 : memref<1000000x128xf32, #tpu.memory_space<hbm>>) target(%dma_start3A_1029 : memref<256x128xf32, #tpu.memory_space<vmem>>) offsets(%dma_start3A_1032 : memref<256xi32, #tpu.memory_space<vmem>>) semaphore(%arg7 : memref<!tpu.dma_semaphore, #tpu.memory_space<semaphore_mem>>)
    %dma_wait3A_1036 = arith.constant 1 : i32
    %dma_wait3A_1037 = arith.constant 1 : i32
    %dma_wait3A_1038 = arith.constant 0 : i32
    %dma_wait3A_1039 = arith.constant 0 : i32
    %dma_wait3A_1040 = tpu.memref_slice %arg6[%dma_wait3A_1037, %dma_wait3A_1038, %dma_wait3A_1039] : memref<2x256x128xf32, #tpu.memory_space<vmem>> -> memref<1x256x128xf32, #tpu.memory_space<vmem>>
    %dma_wait3A_1041 = tpu.memref_squeeze %dma_wait3A_1040 : memref<1x256x128xf32, #tpu.memory_space<vmem>> -> memref<256x128xf32, #tpu.memory_space<vmem>>
    %dma_wait3A_1042 = arith.constant 0 : i32
    %dma_wait3A_1043 = tpu.memref_slice %arg5[%dma_wait3A_1036, %dma_wait3A_1042] : memref<2x256xi32, #tpu.memory_space<vmem>> -> memref<1x256xi32, #tpu.memory_space<vmem>>
    %dma_wait3A_1044 = tpu.memref_squeeze %dma_wait3A_1043 : memref<1x256xi32, #tpu.memory_space<vmem>> -> memref<256xi32, #tpu.memory_space<vmem>>
    %dma_wait3A_1045 = arith.constant 0 : i32
    %dma_wait3A_1046 = arith.constant 0 : i32
    %dma_wait3A_1047 = tpu.memref_slice %arg2[%dma_wait3A_1045, %dma_wait3A_1046] : memref<1000000x128xf32, #tpu.memory_space<hbm>> -> memref<1000000x128xf32, #tpu.memory_space<hbm>>
    tpu.wait_indirect_dma semaphore(%arg8 : memref<!tpu.dma_semaphore, #tpu.memory_space<semaphore_mem>>) src(%dma_wait3A_1047 : memref<1000000x128xf32, #tpu.memory_space<hbm>>) dst(%dma_wait3A_1041 : memref<256x128xf32, #tpu.memory_space<vmem>>)
    %sub3A_1048 = arith.constant 1 : i32
    %sub3A_1049 = arith.subi %add3A_1007, %sub3A_1048 : i32
    %mul3A_1050 = arith.constant 256 : i32
    %mul3A_1051 = arith.muli %sub3A_1049, %mul3A_1050 : i32
    %dma_start3A_1052 = arith.constant 1 : i32
    %dma_start3A_1053 = arith.constant 0 : i32
    %dma_start3A_1054 = arith.constant 0 : i32
    %dma_start3A_1055 = tpu.memref_slice %arg6[%dma_start3A_1052, %dma_start3A_1053, %dma_start3A_1054] : memref<2x256x128xf32, #tpu.memory_space<vmem>> -> memref<1x256x64xf32, #tpu.memory_space<vmem>>
    %dma_start3A_1056 = tpu.memref_squeeze %dma_start3A_1055 : memref<1x256x64xf32, #tpu.memory_space<vmem>> -> memref<256x64xf32, #tpu.memory_space<vmem>>
    %dma_start3A_1057 = arith.constant 0 : i32
    %dma_start3A_1058 = tpu.memref_slice %arg4[%mul3A_1051, %dma_start3A_1057] : memref<204800x64xf32, #tpu.memory_space<hbm>> -> memref<256x64xf32, #tpu.memory_space<hbm>>
    %dma_start3A_1059 = arith.constant 0 : i32
    %dma_start3A_1060 = tpu.memref_slice %arg4[%mul3A_1051, %dma_start3A_1059] : memref<204800x64xf32, #tpu.memory_space<hbm>> -> memref<256x64xf32, #tpu.memory_space<hbm>>
    %dma_start3A_1061 = arith.constant 0 : i32
    %dma_start3A_1062 = arith.constant 0 : i32
    %dma_start3A_1063 = tpu.memref_slice %arg6[%dma_start3A_1052, %dma_start3A_1061, %dma_start3A_1062] : memref<2x256x128xf32, #tpu.memory_space<vmem>> -> memref<1x256x64xf32, #tpu.memory_space<vmem>>
    %dma_start3A_1064 = tpu.memref_squeeze %dma_start3A_1063 : memref<1x256x64xf32, #tpu.memory_space<vmem>> -> memref<256x64xf32, #tpu.memory_space<vmem>>
    tpu.enqueue_dma source(%dma_start3A_1064 : memref<256x64xf32, #tpu.memory_space<vmem>>) target(%dma_start3A_1060 : memref<256x64xf32, #tpu.memory_space<hbm>>) target_semaphore(%arg10 : memref<!tpu.dma_semaphore, #tpu.memory_space<semaphore_mem>>)
    %add3A_1065 = arith.constant 19 : i32
    %add3A_1066 = arith.addi %mul3A_2, %add3A_1065 : i32
    %dma_wait3A_1067 = arith.constant 1 : i32
    %dma_wait3A_1068 = arith.constant 0 : i32
    %dma_wait3A_1069 = arith.constant 0 : i32
    %dma_wait3A_1070 = tpu.memref_slice %arg6[%dma_wait3A_1067, %dma_wait3A_1068, %dma_wait3A_1069] : memref<2x256x128xf32, #tpu.memory_space<vmem>> -> memref<1x256x64xf32, #tpu.memory_space<vmem>>
    %dma_wait3A_1071 = tpu.memref_squeeze %dma_wait3A_1070 : memref<1x256x64xf32, #tpu.memory_space<vmem>> -> memref<256x64xf32, #tpu.memory_space<vmem>>
    %dma_wait3A_1072 = arith.constant 0 : i32
    %dma_wait3A_1073 = tpu.memref_slice %arg4[%mul3A_1051, %dma_wait3A_1072] : memref<204800x64xf32, #tpu.memory_space<hbm>> -> memref<256x64xf32, #tpu.memory_space<hbm>>
    %dma_wait3A_1074 = arith.constant 0 : i32
    %dma_wait3A_1075 = tpu.memref_slice %arg4[%mul3A_1051, %dma_wait3A_1074] : memref<204800x64xf32, #tpu.memory_space<hbm>> -> memref<256x64xf32, #tpu.memory_space<hbm>>
    %dma_wait3A_1076 = arith.constant 0 : i32
    %dma_wait3A_1077 = arith.constant 0 : i32
    %dma_wait3A_1078 = tpu.memref_slice %arg6[%dma_wait3A_1067, %dma_wait3A_1076, %dma_wait3A_1077] : memref<2x256x128xf32, #tpu.memory_space<vmem>> -> memref<1x256x64xf32, #tpu.memory_space<vmem>>
    %dma_wait3A_1079 = tpu.memref_squeeze %dma_wait3A_1078 : memref<1x256x64xf32, #tpu.memory_space<vmem>> -> memref<256x64xf32, #tpu.memory_space<vmem>>
    tpu.wait_dma2 semaphore(%arg10 : memref<!tpu.dma_semaphore, #tpu.memory_space<semaphore_mem>>) src(%dma_wait3A_1079 : memref<256x64xf32, #tpu.memory_space<vmem>>) dst(%dma_wait3A_1075 : memref<256x64xf32, #tpu.memory_space<hbm>>)
    %mul3A_1080 = arith.constant 256 : i32
    %mul3A_1081 = arith.muli %add3A_1066, %mul3A_1080 : i32
    %run_scoped3A_1082 = arith.constant 1 : i32
    "tpu.region"() ({
      %run_scoped3A_1451 = tpu.sem_alloc : memref<!tpu.dma_semaphore, #tpu.memory_space<semaphore_mem>>
      %dma_start3A_1452 = arith.constant 0 : i32
      %dma_start3A_1453 = tpu.memref_slice %arg5[%run_scoped3A_1082, %dma_start3A_1452] : memref<2x256xi32, #tpu.memory_space<vmem>> -> memref<1x256xi32, #tpu.memory_space<vmem>>
      %dma_start3A_1454 = tpu.memref_squeeze %dma_start3A_1453 : memref<1x256xi32, #tpu.memory_space<vmem>> -> memref<256xi32, #tpu.memory_space<vmem>>
      %dma_start3A_1455 = tpu.memref_slice %arg3[%mul3A_1081] : memref<204800xi32, #tpu.memory_space<hbm>> -> memref<256xi32, #tpu.memory_space<hbm>>
      %dma_start3A_1456 = arith.constant 0 : i32
      %dma_start3A_1457 = tpu.memref_slice %arg5[%run_scoped3A_1082, %dma_start3A_1456] : memref<2x256xi32, #tpu.memory_space<vmem>> -> memref<1x256xi32, #tpu.memory_space<vmem>>
      %dma_start3A_1458 = tpu.memref_squeeze %dma_start3A_1457 : memref<1x256xi32, #tpu.memory_space<vmem>> -> memref<256xi32, #tpu.memory_space<vmem>>
      %dma_start3A_1459 = tpu.memref_slice %arg3[%mul3A_1081] : memref<204800xi32, #tpu.memory_space<hbm>> -> memref<256xi32, #tpu.memory_space<hbm>>
      tpu.enqueue_dma source(%dma_start3A_1459 : memref<256xi32, #tpu.memory_space<hbm>>) target(%dma_start3A_1458 : memref<256xi32, #tpu.memory_space<vmem>>) target_semaphore(%run_scoped3A_1451 : memref<!tpu.dma_semaphore, #tpu.memory_space<semaphore_mem>>)
      %dma_wait3A_1460 = arith.constant 0 : i32
      %dma_wait3A_1461 = tpu.memref_slice %arg5[%run_scoped3A_1082, %dma_wait3A_1460] : memref<2x256xi32, #tpu.memory_space<vmem>> -> memref<1x256xi32, #tpu.memory_space<vmem>>
      %dma_wait3A_1462 = tpu.memref_squeeze %dma_wait3A_1461 : memref<1x256xi32, #tpu.memory_space<vmem>> -> memref<256xi32, #tpu.memory_space<vmem>>
      %dma_wait3A_1463 = tpu.memref_slice %arg3[%mul3A_1081] : memref<204800xi32, #tpu.memory_space<hbm>> -> memref<256xi32, #tpu.memory_space<hbm>>
      %dma_wait3A_1464 = arith.constant 0 : i32
      %dma_wait3A_1465 = tpu.memref_slice %arg5[%run_scoped3A_1082, %dma_wait3A_1464] : memref<2x256xi32, #tpu.memory_space<vmem>> -> memref<1x256xi32, #tpu.memory_space<vmem>>
      %dma_wait3A_1466 = tpu.memref_squeeze %dma_wait3A_1465 : memref<1x256xi32, #tpu.memory_space<vmem>> -> memref<256xi32, #tpu.memory_space<vmem>>
      %dma_wait3A_1467 = tpu.memref_slice %arg3[%mul3A_1081] : memref<204800xi32, #tpu.memory_space<hbm>> -> memref<256xi32, #tpu.memory_space<hbm>>
      tpu.wait_dma2 semaphore(%run_scoped3A_1451 : memref<!tpu.dma_semaphore, #tpu.memory_space<semaphore_mem>>) src(%dma_wait3A_1467 : memref<256xi32, #tpu.memory_space<hbm>>) dst(%dma_wait3A_1466 : memref<256xi32, #tpu.memory_space<vmem>>)
      tpu.yield
    }) : () -> ()
    %dma_start3A_1083 = arith.constant 1 : i32
    %dma_start3A_1084 = arith.constant 1 : i32
    %dma_start3A_1085 = arith.constant 0 : i32
    %dma_start3A_1086 = arith.constant 0 : i32
    %dma_start3A_1087 = tpu.memref_slice %arg6[%dma_start3A_1084, %dma_start3A_1085, %dma_start3A_1086] : memref<2x256x128xf32, #tpu.memory_space<vmem>> -> memref<1x256x128xf32, #tpu.memory_space<vmem>>
    %dma_start3A_1088 = tpu.memref_squeeze %dma_start3A_1087 : memref<1x256x128xf32, #tpu.memory_space<vmem>> -> memref<256x128xf32, #tpu.memory_space<vmem>>
    %dma_start3A_1089 = arith.constant 0 : i32
    %dma_start3A_1090 = tpu.memref_slice %arg5[%dma_start3A_1083, %dma_start3A_1089] : memref<2x256xi32, #tpu.memory_space<vmem>> -> memref<1x256xi32, #tpu.memory_space<vmem>>
    %dma_start3A_1091 = tpu.memref_squeeze %dma_start3A_1090 : memref<1x256xi32, #tpu.memory_space<vmem>> -> memref<256xi32, #tpu.memory_space<vmem>>
    %dma_start3A_1092 = arith.constant 0 : i32
    %dma_start3A_1093 = arith.constant 0 : i32
    %dma_start3A_1094 = tpu.memref_slice %arg2[%dma_start3A_1092, %dma_start3A_1093] : memref<1000000x128xf32, #tpu.memory_space<hbm>> -> memref<1000000x128xf32, #tpu.memory_space<hbm>>
    tpu.enqueue_indirect_dma source(%dma_start3A_1094 : memref<1000000x128xf32, #tpu.memory_space<hbm>>) target(%dma_start3A_1088 : memref<256x128xf32, #tpu.memory_space<vmem>>) offsets(%dma_start3A_1091 : memref<256xi32, #tpu.memory_space<vmem>>) semaphore(%arg8 : memref<!tpu.dma_semaphore, #tpu.memory_space<semaphore_mem>>)
    %dma_wait3A_1095 = arith.constant 0 : i32
    %dma_wait3A_1096 = arith.constant 0 : i32
    %dma_wait3A_1097 = arith.constant 0 : i32
    %dma_wait3A_1098 = arith.constant 0 : i32
    %dma_wait3A_1099 = tpu.memref_slice %arg6[%dma_wait3A_1096, %dma_wait3A_1097, %dma_wait3A_1098] : memref<2x256x128xf32, #tpu.memory_space<vmem>> -> memref<1x256x128xf32, #tpu.memory_space<vmem>>
    %dma_wait3A_1100 = tpu.memref_squeeze %dma_wait3A_1099 : memref<1x256x128xf32, #tpu.memory_space<vmem>> -> memref<256x128xf32, #tpu.memory_space<vmem>>
    %dma_wait3A_1101 = arith.constant 0 : i32
    %dma_wait3A_1102 = tpu.memref_slice %arg5[%dma_wait3A_1095, %dma_wait3A_1101] : memref<2x256xi32, #tpu.memory_space<vmem>> -> memref<1x256xi32, #tpu.memory_space<vmem>>
    %dma_wait3A_1103 = tpu.memref_squeeze %dma_wait3A_1102 : memref<1x256xi32, #tpu.memory_space<vmem>> -> memref<256xi32, #tpu.memory_space<vmem>>
    %dma_wait3A_1104 = arith.constant 0 : i32
    %dma_wait3A_1105 = arith.constant 0 : i32
    %dma_wait3A_1106 = tpu.memref_slice %arg2[%dma_wait3A_1104, %dma_wait3A_1105] : memref<1000000x128xf32, #tpu.memory_space<hbm>> -> memref<1000000x128xf32, #tpu.memory_space<hbm>>
    tpu.wait_indirect_dma semaphore(%arg7 : memref<!tpu.dma_semaphore, #tpu.memory_space<semaphore_mem>>) src(%dma_wait3A_1106 : memref<1000000x128xf32, #tpu.memory_space<hbm>>) dst(%dma_wait3A_1100 : memref<256x128xf32, #tpu.memory_space<vmem>>)
    %sub3A_1107 = arith.constant 1 : i32
    %sub3A_1108 = arith.subi %add3A_1066, %sub3A_1107 : i32
    %mul3A_1109 = arith.constant 256 : i32
    %mul3A_1110 = arith.muli %sub3A_1108, %mul3A_1109 : i32
    %dma_start3A_1111 = arith.constant 0 : i32
    %dma_start3A_1112 = arith.constant 0 : i32
    %dma_start3A_1113 = arith.constant 0 : i32
    %dma_start3A_1114 = tpu.memref_slice %arg6[%dma_start3A_1111, %dma_start3A_1112, %dma_start3A_1113] : memref<2x256x128xf32, #tpu.memory_space<vmem>> -> memref<1x256x64xf32, #tpu.memory_space<vmem>>
    %dma_start3A_1115 = tpu.memref_squeeze %dma_start3A_1114 : memref<1x256x64xf32, #tpu.memory_space<vmem>> -> memref<256x64xf32, #tpu.memory_space<vmem>>
    %dma_start3A_1116 = arith.constant 0 : i32
    %dma_start3A_1117 = tpu.memref_slice %arg4[%mul3A_1110, %dma_start3A_1116] : memref<204800x64xf32, #tpu.memory_space<hbm>> -> memref<256x64xf32, #tpu.memory_space<hbm>>
    %dma_start3A_1118 = arith.constant 0 : i32
    %dma_start3A_1119 = tpu.memref_slice %arg4[%mul3A_1110, %dma_start3A_1118] : memref<204800x64xf32, #tpu.memory_space<hbm>> -> memref<256x64xf32, #tpu.memory_space<hbm>>
    %dma_start3A_1120 = arith.constant 0 : i32
    %dma_start3A_1121 = arith.constant 0 : i32
    %dma_start3A_1122 = tpu.memref_slice %arg6[%dma_start3A_1111, %dma_start3A_1120, %dma_start3A_1121] : memref<2x256x128xf32, #tpu.memory_space<vmem>> -> memref<1x256x64xf32, #tpu.memory_space<vmem>>
    %dma_start3A_1123 = tpu.memref_squeeze %dma_start3A_1122 : memref<1x256x64xf32, #tpu.memory_space<vmem>> -> memref<256x64xf32, #tpu.memory_space<vmem>>
    tpu.enqueue_dma source(%dma_start3A_1123 : memref<256x64xf32, #tpu.memory_space<vmem>>) target(%dma_start3A_1119 : memref<256x64xf32, #tpu.memory_space<hbm>>) target_semaphore(%arg9 : memref<!tpu.dma_semaphore, #tpu.memory_space<semaphore_mem>>)
    %add3A_1124 = arith.constant 20 : i32
    %add3A_1125 = arith.addi %mul3A_2, %add3A_1124 : i32
    %dma_wait3A_1126 = arith.constant 0 : i32
    %dma_wait3A_1127 = arith.constant 0 : i32
    %dma_wait3A_1128 = arith.constant 0 : i32
    %dma_wait3A_1129 = tpu.memref_slice %arg6[%dma_wait3A_1126, %dma_wait3A_1127, %dma_wait3A_1128] : memref<2x256x128xf32, #tpu.memory_space<vmem>> -> memref<1x256x64xf32, #tpu.memory_space<vmem>>
    %dma_wait3A_1130 = tpu.memref_squeeze %dma_wait3A_1129 : memref<1x256x64xf32, #tpu.memory_space<vmem>> -> memref<256x64xf32, #tpu.memory_space<vmem>>
    %dma_wait3A_1131 = arith.constant 0 : i32
    %dma_wait3A_1132 = tpu.memref_slice %arg4[%mul3A_1110, %dma_wait3A_1131] : memref<204800x64xf32, #tpu.memory_space<hbm>> -> memref<256x64xf32, #tpu.memory_space<hbm>>
    %dma_wait3A_1133 = arith.constant 0 : i32
    %dma_wait3A_1134 = tpu.memref_slice %arg4[%mul3A_1110, %dma_wait3A_1133] : memref<204800x64xf32, #tpu.memory_space<hbm>> -> memref<256x64xf32, #tpu.memory_space<hbm>>
    %dma_wait3A_1135 = arith.constant 0 : i32
    %dma_wait3A_1136 = arith.constant 0 : i32
    %dma_wait3A_1137 = tpu.memref_slice %arg6[%dma_wait3A_1126, %dma_wait3A_1135, %dma_wait3A_1136] : memref<2x256x128xf32, #tpu.memory_space<vmem>> -> memref<1x256x64xf32, #tpu.memory_space<vmem>>
    %dma_wait3A_1138 = tpu.memref_squeeze %dma_wait3A_1137 : memref<1x256x64xf32, #tpu.memory_space<vmem>> -> memref<256x64xf32, #tpu.memory_space<vmem>>
    tpu.wait_dma2 semaphore(%arg9 : memref<!tpu.dma_semaphore, #tpu.memory_space<semaphore_mem>>) src(%dma_wait3A_1138 : memref<256x64xf32, #tpu.memory_space<vmem>>) dst(%dma_wait3A_1134 : memref<256x64xf32, #tpu.memory_space<hbm>>)
    %mul3A_1139 = arith.constant 256 : i32
    %mul3A_1140 = arith.muli %add3A_1125, %mul3A_1139 : i32
    %run_scoped3A_1141 = arith.constant 0 : i32
    "tpu.region"() ({
      %run_scoped3A_1451 = tpu.sem_alloc : memref<!tpu.dma_semaphore, #tpu.memory_space<semaphore_mem>>
      %dma_start3A_1452 = arith.constant 0 : i32
      %dma_start3A_1453 = tpu.memref_slice %arg5[%run_scoped3A_1141, %dma_start3A_1452] : memref<2x256xi32, #tpu.memory_space<vmem>> -> memref<1x256xi32, #tpu.memory_space<vmem>>
      %dma_start3A_1454 = tpu.memref_squeeze %dma_start3A_1453 : memref<1x256xi32, #tpu.memory_space<vmem>> -> memref<256xi32, #tpu.memory_space<vmem>>
      %dma_start3A_1455 = tpu.memref_slice %arg3[%mul3A_1140] : memref<204800xi32, #tpu.memory_space<hbm>> -> memref<256xi32, #tpu.memory_space<hbm>>
      %dma_start3A_1456 = arith.constant 0 : i32
      %dma_start3A_1457 = tpu.memref_slice %arg5[%run_scoped3A_1141, %dma_start3A_1456] : memref<2x256xi32, #tpu.memory_space<vmem>> -> memref<1x256xi32, #tpu.memory_space<vmem>>
      %dma_start3A_1458 = tpu.memref_squeeze %dma_start3A_1457 : memref<1x256xi32, #tpu.memory_space<vmem>> -> memref<256xi32, #tpu.memory_space<vmem>>
      %dma_start3A_1459 = tpu.memref_slice %arg3[%mul3A_1140] : memref<204800xi32, #tpu.memory_space<hbm>> -> memref<256xi32, #tpu.memory_space<hbm>>
      tpu.enqueue_dma source(%dma_start3A_1459 : memref<256xi32, #tpu.memory_space<hbm>>) target(%dma_start3A_1458 : memref<256xi32, #tpu.memory_space<vmem>>) target_semaphore(%run_scoped3A_1451 : memref<!tpu.dma_semaphore, #tpu.memory_space<semaphore_mem>>)
      %dma_wait3A_1460 = arith.constant 0 : i32
      %dma_wait3A_1461 = tpu.memref_slice %arg5[%run_scoped3A_1141, %dma_wait3A_1460] : memref<2x256xi32, #tpu.memory_space<vmem>> -> memref<1x256xi32, #tpu.memory_space<vmem>>
      %dma_wait3A_1462 = tpu.memref_squeeze %dma_wait3A_1461 : memref<1x256xi32, #tpu.memory_space<vmem>> -> memref<256xi32, #tpu.memory_space<vmem>>
      %dma_wait3A_1463 = tpu.memref_slice %arg3[%mul3A_1140] : memref<204800xi32, #tpu.memory_space<hbm>> -> memref<256xi32, #tpu.memory_space<hbm>>
      %dma_wait3A_1464 = arith.constant 0 : i32
      %dma_wait3A_1465 = tpu.memref_slice %arg5[%run_scoped3A_1141, %dma_wait3A_1464] : memref<2x256xi32, #tpu.memory_space<vmem>> -> memref<1x256xi32, #tpu.memory_space<vmem>>
      %dma_wait3A_1466 = tpu.memref_squeeze %dma_wait3A_1465 : memref<1x256xi32, #tpu.memory_space<vmem>> -> memref<256xi32, #tpu.memory_space<vmem>>
      %dma_wait3A_1467 = tpu.memref_slice %arg3[%mul3A_1140] : memref<204800xi32, #tpu.memory_space<hbm>> -> memref<256xi32, #tpu.memory_space<hbm>>
      tpu.wait_dma2 semaphore(%run_scoped3A_1451 : memref<!tpu.dma_semaphore, #tpu.memory_space<semaphore_mem>>) src(%dma_wait3A_1467 : memref<256xi32, #tpu.memory_space<hbm>>) dst(%dma_wait3A_1466 : memref<256xi32, #tpu.memory_space<vmem>>)
      tpu.yield
    }) : () -> ()
    %dma_start3A_1142 = arith.constant 0 : i32
    %dma_start3A_1143 = arith.constant 0 : i32
    %dma_start3A_1144 = arith.constant 0 : i32
    %dma_start3A_1145 = arith.constant 0 : i32
    %dma_start3A_1146 = tpu.memref_slice %arg6[%dma_start3A_1143, %dma_start3A_1144, %dma_start3A_1145] : memref<2x256x128xf32, #tpu.memory_space<vmem>> -> memref<1x256x128xf32, #tpu.memory_space<vmem>>
    %dma_start3A_1147 = tpu.memref_squeeze %dma_start3A_1146 : memref<1x256x128xf32, #tpu.memory_space<vmem>> -> memref<256x128xf32, #tpu.memory_space<vmem>>
    %dma_start3A_1148 = arith.constant 0 : i32
    %dma_start3A_1149 = tpu.memref_slice %arg5[%dma_start3A_1142, %dma_start3A_1148] : memref<2x256xi32, #tpu.memory_space<vmem>> -> memref<1x256xi32, #tpu.memory_space<vmem>>
    %dma_start3A_1150 = tpu.memref_squeeze %dma_start3A_1149 : memref<1x256xi32, #tpu.memory_space<vmem>> -> memref<256xi32, #tpu.memory_space<vmem>>
    %dma_start3A_1151 = arith.constant 0 : i32
    %dma_start3A_1152 = arith.constant 0 : i32
    %dma_start3A_1153 = tpu.memref_slice %arg2[%dma_start3A_1151, %dma_start3A_1152] : memref<1000000x128xf32, #tpu.memory_space<hbm>> -> memref<1000000x128xf32, #tpu.memory_space<hbm>>
    tpu.enqueue_indirect_dma source(%dma_start3A_1153 : memref<1000000x128xf32, #tpu.memory_space<hbm>>) target(%dma_start3A_1147 : memref<256x128xf32, #tpu.memory_space<vmem>>) offsets(%dma_start3A_1150 : memref<256xi32, #tpu.memory_space<vmem>>) semaphore(%arg7 : memref<!tpu.dma_semaphore, #tpu.memory_space<semaphore_mem>>)
    %dma_wait3A_1154 = arith.constant 1 : i32
    %dma_wait3A_1155 = arith.constant 1 : i32
    %dma_wait3A_1156 = arith.constant 0 : i32
    %dma_wait3A_1157 = arith.constant 0 : i32
    %dma_wait3A_1158 = tpu.memref_slice %arg6[%dma_wait3A_1155, %dma_wait3A_1156, %dma_wait3A_1157] : memref<2x256x128xf32, #tpu.memory_space<vmem>> -> memref<1x256x128xf32, #tpu.memory_space<vmem>>
    %dma_wait3A_1159 = tpu.memref_squeeze %dma_wait3A_1158 : memref<1x256x128xf32, #tpu.memory_space<vmem>> -> memref<256x128xf32, #tpu.memory_space<vmem>>
    %dma_wait3A_1160 = arith.constant 0 : i32
    %dma_wait3A_1161 = tpu.memref_slice %arg5[%dma_wait3A_1154, %dma_wait3A_1160] : memref<2x256xi32, #tpu.memory_space<vmem>> -> memref<1x256xi32, #tpu.memory_space<vmem>>
    %dma_wait3A_1162 = tpu.memref_squeeze %dma_wait3A_1161 : memref<1x256xi32, #tpu.memory_space<vmem>> -> memref<256xi32, #tpu.memory_space<vmem>>
    %dma_wait3A_1163 = arith.constant 0 : i32
    %dma_wait3A_1164 = arith.constant 0 : i32
    %dma_wait3A_1165 = tpu.memref_slice %arg2[%dma_wait3A_1163, %dma_wait3A_1164] : memref<1000000x128xf32, #tpu.memory_space<hbm>> -> memref<1000000x128xf32, #tpu.memory_space<hbm>>
    tpu.wait_indirect_dma semaphore(%arg8 : memref<!tpu.dma_semaphore, #tpu.memory_space<semaphore_mem>>) src(%dma_wait3A_1165 : memref<1000000x128xf32, #tpu.memory_space<hbm>>) dst(%dma_wait3A_1159 : memref<256x128xf32, #tpu.memory_space<vmem>>)
    %sub3A_1166 = arith.constant 1 : i32
    %sub3A_1167 = arith.subi %add3A_1125, %sub3A_1166 : i32
    %mul3A_1168 = arith.constant 256 : i32
    %mul3A_1169 = arith.muli %sub3A_1167, %mul3A_1168 : i32
    %dma_start3A_1170 = arith.constant 1 : i32
    %dma_start3A_1171 = arith.constant 0 : i32
    %dma_start3A_1172 = arith.constant 0 : i32
    %dma_start3A_1173 = tpu.memref_slice %arg6[%dma_start3A_1170, %dma_start3A_1171, %dma_start3A_1172] : memref<2x256x128xf32, #tpu.memory_space<vmem>> -> memref<1x256x64xf32, #tpu.memory_space<vmem>>
    %dma_start3A_1174 = tpu.memref_squeeze %dma_start3A_1173 : memref<1x256x64xf32, #tpu.memory_space<vmem>> -> memref<256x64xf32, #tpu.memory_space<vmem>>
    %dma_start3A_1175 = arith.constant 0 : i32
    %dma_start3A_1176 = tpu.memref_slice %arg4[%mul3A_1169, %dma_start3A_1175] : memref<204800x64xf32, #tpu.memory_space<hbm>> -> memref<256x64xf32, #tpu.memory_space<hbm>>
    %dma_start3A_1177 = arith.constant 0 : i32
    %dma_start3A_1178 = tpu.memref_slice %arg4[%mul3A_1169, %dma_start3A_1177] : memref<204800x64xf32, #tpu.memory_space<hbm>> -> memref<256x64xf32, #tpu.memory_space<hbm>>
    %dma_start3A_1179 = arith.constant 0 : i32
    %dma_start3A_1180 = arith.constant 0 : i32
    %dma_start3A_1181 = tpu.memref_slice %arg6[%dma_start3A_1170, %dma_start3A_1179, %dma_start3A_1180] : memref<2x256x128xf32, #tpu.memory_space<vmem>> -> memref<1x256x64xf32, #tpu.memory_space<vmem>>
    %dma_start3A_1182 = tpu.memref_squeeze %dma_start3A_1181 : memref<1x256x64xf32, #tpu.memory_space<vmem>> -> memref<256x64xf32, #tpu.memory_space<vmem>>
    tpu.enqueue_dma source(%dma_start3A_1182 : memref<256x64xf32, #tpu.memory_space<vmem>>) target(%dma_start3A_1178 : memref<256x64xf32, #tpu.memory_space<hbm>>) target_semaphore(%arg10 : memref<!tpu.dma_semaphore, #tpu.memory_space<semaphore_mem>>)
    %add3A_1183 = arith.constant 21 : i32
    %add3A_1184 = arith.addi %mul3A_2, %add3A_1183 : i32
    %dma_wait3A_1185 = arith.constant 1 : i32
    %dma_wait3A_1186 = arith.constant 0 : i32
    %dma_wait3A_1187 = arith.constant 0 : i32
    %dma_wait3A_1188 = tpu.memref_slice %arg6[%dma_wait3A_1185, %dma_wait3A_1186, %dma_wait3A_1187] : memref<2x256x128xf32, #tpu.memory_space<vmem>> -> memref<1x256x64xf32, #tpu.memory_space<vmem>>
    %dma_wait3A_1189 = tpu.memref_squeeze %dma_wait3A_1188 : memref<1x256x64xf32, #tpu.memory_space<vmem>> -> memref<256x64xf32, #tpu.memory_space<vmem>>
    %dma_wait3A_1190 = arith.constant 0 : i32
    %dma_wait3A_1191 = tpu.memref_slice %arg4[%mul3A_1169, %dma_wait3A_1190] : memref<204800x64xf32, #tpu.memory_space<hbm>> -> memref<256x64xf32, #tpu.memory_space<hbm>>
    %dma_wait3A_1192 = arith.constant 0 : i32
    %dma_wait3A_1193 = tpu.memref_slice %arg4[%mul3A_1169, %dma_wait3A_1192] : memref<204800x64xf32, #tpu.memory_space<hbm>> -> memref<256x64xf32, #tpu.memory_space<hbm>>
    %dma_wait3A_1194 = arith.constant 0 : i32
    %dma_wait3A_1195 = arith.constant 0 : i32
    %dma_wait3A_1196 = tpu.memref_slice %arg6[%dma_wait3A_1185, %dma_wait3A_1194, %dma_wait3A_1195] : memref<2x256x128xf32, #tpu.memory_space<vmem>> -> memref<1x256x64xf32, #tpu.memory_space<vmem>>
    %dma_wait3A_1197 = tpu.memref_squeeze %dma_wait3A_1196 : memref<1x256x64xf32, #tpu.memory_space<vmem>> -> memref<256x64xf32, #tpu.memory_space<vmem>>
    tpu.wait_dma2 semaphore(%arg10 : memref<!tpu.dma_semaphore, #tpu.memory_space<semaphore_mem>>) src(%dma_wait3A_1197 : memref<256x64xf32, #tpu.memory_space<vmem>>) dst(%dma_wait3A_1193 : memref<256x64xf32, #tpu.memory_space<hbm>>)
    %mul3A_1198 = arith.constant 256 : i32
    %mul3A_1199 = arith.muli %add3A_1184, %mul3A_1198 : i32
    %run_scoped3A_1200 = arith.constant 1 : i32
    "tpu.region"() ({
      %run_scoped3A_1451 = tpu.sem_alloc : memref<!tpu.dma_semaphore, #tpu.memory_space<semaphore_mem>>
      %dma_start3A_1452 = arith.constant 0 : i32
      %dma_start3A_1453 = tpu.memref_slice %arg5[%run_scoped3A_1200, %dma_start3A_1452] : memref<2x256xi32, #tpu.memory_space<vmem>> -> memref<1x256xi32, #tpu.memory_space<vmem>>
      %dma_start3A_1454 = tpu.memref_squeeze %dma_start3A_1453 : memref<1x256xi32, #tpu.memory_space<vmem>> -> memref<256xi32, #tpu.memory_space<vmem>>
      %dma_start3A_1455 = tpu.memref_slice %arg3[%mul3A_1199] : memref<204800xi32, #tpu.memory_space<hbm>> -> memref<256xi32, #tpu.memory_space<hbm>>
      %dma_start3A_1456 = arith.constant 0 : i32
      %dma_start3A_1457 = tpu.memref_slice %arg5[%run_scoped3A_1200, %dma_start3A_1456] : memref<2x256xi32, #tpu.memory_space<vmem>> -> memref<1x256xi32, #tpu.memory_space<vmem>>
      %dma_start3A_1458 = tpu.memref_squeeze %dma_start3A_1457 : memref<1x256xi32, #tpu.memory_space<vmem>> -> memref<256xi32, #tpu.memory_space<vmem>>
      %dma_start3A_1459 = tpu.memref_slice %arg3[%mul3A_1199] : memref<204800xi32, #tpu.memory_space<hbm>> -> memref<256xi32, #tpu.memory_space<hbm>>
      tpu.enqueue_dma source(%dma_start3A_1459 : memref<256xi32, #tpu.memory_space<hbm>>) target(%dma_start3A_1458 : memref<256xi32, #tpu.memory_space<vmem>>) target_semaphore(%run_scoped3A_1451 : memref<!tpu.dma_semaphore, #tpu.memory_space<semaphore_mem>>)
      %dma_wait3A_1460 = arith.constant 0 : i32
      %dma_wait3A_1461 = tpu.memref_slice %arg5[%run_scoped3A_1200, %dma_wait3A_1460] : memref<2x256xi32, #tpu.memory_space<vmem>> -> memref<1x256xi32, #tpu.memory_space<vmem>>
      %dma_wait3A_1462 = tpu.memref_squeeze %dma_wait3A_1461 : memref<1x256xi32, #tpu.memory_space<vmem>> -> memref<256xi32, #tpu.memory_space<vmem>>
      %dma_wait3A_1463 = tpu.memref_slice %arg3[%mul3A_1199] : memref<204800xi32, #tpu.memory_space<hbm>> -> memref<256xi32, #tpu.memory_space<hbm>>
      %dma_wait3A_1464 = arith.constant 0 : i32
      %dma_wait3A_1465 = tpu.memref_slice %arg5[%run_scoped3A_1200, %dma_wait3A_1464] : memref<2x256xi32, #tpu.memory_space<vmem>> -> memref<1x256xi32, #tpu.memory_space<vmem>>
      %dma_wait3A_1466 = tpu.memref_squeeze %dma_wait3A_1465 : memref<1x256xi32, #tpu.memory_space<vmem>> -> memref<256xi32, #tpu.memory_space<vmem>>
      %dma_wait3A_1467 = tpu.memref_slice %arg3[%mul3A_1199] : memref<204800xi32, #tpu.memory_space<hbm>> -> memref<256xi32, #tpu.memory_space<hbm>>
      tpu.wait_dma2 semaphore(%run_scoped3A_1451 : memref<!tpu.dma_semaphore, #tpu.memory_space<semaphore_mem>>) src(%dma_wait3A_1467 : memref<256xi32, #tpu.memory_space<hbm>>) dst(%dma_wait3A_1466 : memref<256xi32, #tpu.memory_space<vmem>>)
      tpu.yield
    }) : () -> ()
    %dma_start3A_1201 = arith.constant 1 : i32
    %dma_start3A_1202 = arith.constant 1 : i32
    %dma_start3A_1203 = arith.constant 0 : i32
    %dma_start3A_1204 = arith.constant 0 : i32
    %dma_start3A_1205 = tpu.memref_slice %arg6[%dma_start3A_1202, %dma_start3A_1203, %dma_start3A_1204] : memref<2x256x128xf32, #tpu.memory_space<vmem>> -> memref<1x256x128xf32, #tpu.memory_space<vmem>>
    %dma_start3A_1206 = tpu.memref_squeeze %dma_start3A_1205 : memref<1x256x128xf32, #tpu.memory_space<vmem>> -> memref<256x128xf32, #tpu.memory_space<vmem>>
    %dma_start3A_1207 = arith.constant 0 : i32
    %dma_start3A_1208 = tpu.memref_slice %arg5[%dma_start3A_1201, %dma_start3A_1207] : memref<2x256xi32, #tpu.memory_space<vmem>> -> memref<1x256xi32, #tpu.memory_space<vmem>>
    %dma_start3A_1209 = tpu.memref_squeeze %dma_start3A_1208 : memref<1x256xi32, #tpu.memory_space<vmem>> -> memref<256xi32, #tpu.memory_space<vmem>>
    %dma_start3A_1210 = arith.constant 0 : i32
    %dma_start3A_1211 = arith.constant 0 : i32
    %dma_start3A_1212 = tpu.memref_slice %arg2[%dma_start3A_1210, %dma_start3A_1211] : memref<1000000x128xf32, #tpu.memory_space<hbm>> -> memref<1000000x128xf32, #tpu.memory_space<hbm>>
    tpu.enqueue_indirect_dma source(%dma_start3A_1212 : memref<1000000x128xf32, #tpu.memory_space<hbm>>) target(%dma_start3A_1206 : memref<256x128xf32, #tpu.memory_space<vmem>>) offsets(%dma_start3A_1209 : memref<256xi32, #tpu.memory_space<vmem>>) semaphore(%arg8 : memref<!tpu.dma_semaphore, #tpu.memory_space<semaphore_mem>>)
    %dma_wait3A_1213 = arith.constant 0 : i32
    %dma_wait3A_1214 = arith.constant 0 : i32
    %dma_wait3A_1215 = arith.constant 0 : i32
    %dma_wait3A_1216 = arith.constant 0 : i32
    %dma_wait3A_1217 = tpu.memref_slice %arg6[%dma_wait3A_1214, %dma_wait3A_1215, %dma_wait3A_1216] : memref<2x256x128xf32, #tpu.memory_space<vmem>> -> memref<1x256x128xf32, #tpu.memory_space<vmem>>
    %dma_wait3A_1218 = tpu.memref_squeeze %dma_wait3A_1217 : memref<1x256x128xf32, #tpu.memory_space<vmem>> -> memref<256x128xf32, #tpu.memory_space<vmem>>
    %dma_wait3A_1219 = arith.constant 0 : i32
    %dma_wait3A_1220 = tpu.memref_slice %arg5[%dma_wait3A_1213, %dma_wait3A_1219] : memref<2x256xi32, #tpu.memory_space<vmem>> -> memref<1x256xi32, #tpu.memory_space<vmem>>
    %dma_wait3A_1221 = tpu.memref_squeeze %dma_wait3A_1220 : memref<1x256xi32, #tpu.memory_space<vmem>> -> memref<256xi32, #tpu.memory_space<vmem>>
    %dma_wait3A_1222 = arith.constant 0 : i32
    %dma_wait3A_1223 = arith.constant 0 : i32
    %dma_wait3A_1224 = tpu.memref_slice %arg2[%dma_wait3A_1222, %dma_wait3A_1223] : memref<1000000x128xf32, #tpu.memory_space<hbm>> -> memref<1000000x128xf32, #tpu.memory_space<hbm>>
    tpu.wait_indirect_dma semaphore(%arg7 : memref<!tpu.dma_semaphore, #tpu.memory_space<semaphore_mem>>) src(%dma_wait3A_1224 : memref<1000000x128xf32, #tpu.memory_space<hbm>>) dst(%dma_wait3A_1218 : memref<256x128xf32, #tpu.memory_space<vmem>>)
    %sub3A_1225 = arith.constant 1 : i32
    %sub3A_1226 = arith.subi %add3A_1184, %sub3A_1225 : i32
    %mul3A_1227 = arith.constant 256 : i32
    %mul3A_1228 = arith.muli %sub3A_1226, %mul3A_1227 : i32
    %dma_start3A_1229 = arith.constant 0 : i32
    %dma_start3A_1230 = arith.constant 0 : i32
    %dma_start3A_1231 = arith.constant 0 : i32
    %dma_start3A_1232 = tpu.memref_slice %arg6[%dma_start3A_1229, %dma_start3A_1230, %dma_start3A_1231] : memref<2x256x128xf32, #tpu.memory_space<vmem>> -> memref<1x256x64xf32, #tpu.memory_space<vmem>>
    %dma_start3A_1233 = tpu.memref_squeeze %dma_start3A_1232 : memref<1x256x64xf32, #tpu.memory_space<vmem>> -> memref<256x64xf32, #tpu.memory_space<vmem>>
    %dma_start3A_1234 = arith.constant 0 : i32
    %dma_start3A_1235 = tpu.memref_slice %arg4[%mul3A_1228, %dma_start3A_1234] : memref<204800x64xf32, #tpu.memory_space<hbm>> -> memref<256x64xf32, #tpu.memory_space<hbm>>
    %dma_start3A_1236 = arith.constant 0 : i32
    %dma_start3A_1237 = tpu.memref_slice %arg4[%mul3A_1228, %dma_start3A_1236] : memref<204800x64xf32, #tpu.memory_space<hbm>> -> memref<256x64xf32, #tpu.memory_space<hbm>>
    %dma_start3A_1238 = arith.constant 0 : i32
    %dma_start3A_1239 = arith.constant 0 : i32
    %dma_start3A_1240 = tpu.memref_slice %arg6[%dma_start3A_1229, %dma_start3A_1238, %dma_start3A_1239] : memref<2x256x128xf32, #tpu.memory_space<vmem>> -> memref<1x256x64xf32, #tpu.memory_space<vmem>>
    %dma_start3A_1241 = tpu.memref_squeeze %dma_start3A_1240 : memref<1x256x64xf32, #tpu.memory_space<vmem>> -> memref<256x64xf32, #tpu.memory_space<vmem>>
    tpu.enqueue_dma source(%dma_start3A_1241 : memref<256x64xf32, #tpu.memory_space<vmem>>) target(%dma_start3A_1237 : memref<256x64xf32, #tpu.memory_space<hbm>>) target_semaphore(%arg9 : memref<!tpu.dma_semaphore, #tpu.memory_space<semaphore_mem>>)
    %add3A_1242 = arith.constant 22 : i32
    %add3A_1243 = arith.addi %mul3A_2, %add3A_1242 : i32
    %dma_wait3A_1244 = arith.constant 0 : i32
    %dma_wait3A_1245 = arith.constant 0 : i32
    %dma_wait3A_1246 = arith.constant 0 : i32
    %dma_wait3A_1247 = tpu.memref_slice %arg6[%dma_wait3A_1244, %dma_wait3A_1245, %dma_wait3A_1246] : memref<2x256x128xf32, #tpu.memory_space<vmem>> -> memref<1x256x64xf32, #tpu.memory_space<vmem>>
    %dma_wait3A_1248 = tpu.memref_squeeze %dma_wait3A_1247 : memref<1x256x64xf32, #tpu.memory_space<vmem>> -> memref<256x64xf32, #tpu.memory_space<vmem>>
    %dma_wait3A_1249 = arith.constant 0 : i32
    %dma_wait3A_1250 = tpu.memref_slice %arg4[%mul3A_1228, %dma_wait3A_1249] : memref<204800x64xf32, #tpu.memory_space<hbm>> -> memref<256x64xf32, #tpu.memory_space<hbm>>
    %dma_wait3A_1251 = arith.constant 0 : i32
    %dma_wait3A_1252 = tpu.memref_slice %arg4[%mul3A_1228, %dma_wait3A_1251] : memref<204800x64xf32, #tpu.memory_space<hbm>> -> memref<256x64xf32, #tpu.memory_space<hbm>>
    %dma_wait3A_1253 = arith.constant 0 : i32
    %dma_wait3A_1254 = arith.constant 0 : i32
    %dma_wait3A_1255 = tpu.memref_slice %arg6[%dma_wait3A_1244, %dma_wait3A_1253, %dma_wait3A_1254] : memref<2x256x128xf32, #tpu.memory_space<vmem>> -> memref<1x256x64xf32, #tpu.memory_space<vmem>>
    %dma_wait3A_1256 = tpu.memref_squeeze %dma_wait3A_1255 : memref<1x256x64xf32, #tpu.memory_space<vmem>> -> memref<256x64xf32, #tpu.memory_space<vmem>>
    tpu.wait_dma2 semaphore(%arg9 : memref<!tpu.dma_semaphore, #tpu.memory_space<semaphore_mem>>) src(%dma_wait3A_1256 : memref<256x64xf32, #tpu.memory_space<vmem>>) dst(%dma_wait3A_1252 : memref<256x64xf32, #tpu.memory_space<hbm>>)
    %mul3A_1257 = arith.constant 256 : i32
    %mul3A_1258 = arith.muli %add3A_1243, %mul3A_1257 : i32
    %run_scoped3A_1259 = arith.constant 0 : i32
    "tpu.region"() ({
      %run_scoped3A_1451 = tpu.sem_alloc : memref<!tpu.dma_semaphore, #tpu.memory_space<semaphore_mem>>
      %dma_start3A_1452 = arith.constant 0 : i32
      %dma_start3A_1453 = tpu.memref_slice %arg5[%run_scoped3A_1259, %dma_start3A_1452] : memref<2x256xi32, #tpu.memory_space<vmem>> -> memref<1x256xi32, #tpu.memory_space<vmem>>
      %dma_start3A_1454 = tpu.memref_squeeze %dma_start3A_1453 : memref<1x256xi32, #tpu.memory_space<vmem>> -> memref<256xi32, #tpu.memory_space<vmem>>
      %dma_start3A_1455 = tpu.memref_slice %arg3[%mul3A_1258] : memref<204800xi32, #tpu.memory_space<hbm>> -> memref<256xi32, #tpu.memory_space<hbm>>
      %dma_start3A_1456 = arith.constant 0 : i32
      %dma_start3A_1457 = tpu.memref_slice %arg5[%run_scoped3A_1259, %dma_start3A_1456] : memref<2x256xi32, #tpu.memory_space<vmem>> -> memref<1x256xi32, #tpu.memory_space<vmem>>
      %dma_start3A_1458 = tpu.memref_squeeze %dma_start3A_1457 : memref<1x256xi32, #tpu.memory_space<vmem>> -> memref<256xi32, #tpu.memory_space<vmem>>
      %dma_start3A_1459 = tpu.memref_slice %arg3[%mul3A_1258] : memref<204800xi32, #tpu.memory_space<hbm>> -> memref<256xi32, #tpu.memory_space<hbm>>
      tpu.enqueue_dma source(%dma_start3A_1459 : memref<256xi32, #tpu.memory_space<hbm>>) target(%dma_start3A_1458 : memref<256xi32, #tpu.memory_space<vmem>>) target_semaphore(%run_scoped3A_1451 : memref<!tpu.dma_semaphore, #tpu.memory_space<semaphore_mem>>)
      %dma_wait3A_1460 = arith.constant 0 : i32
      %dma_wait3A_1461 = tpu.memref_slice %arg5[%run_scoped3A_1259, %dma_wait3A_1460] : memref<2x256xi32, #tpu.memory_space<vmem>> -> memref<1x256xi32, #tpu.memory_space<vmem>>
      %dma_wait3A_1462 = tpu.memref_squeeze %dma_wait3A_1461 : memref<1x256xi32, #tpu.memory_space<vmem>> -> memref<256xi32, #tpu.memory_space<vmem>>
      %dma_wait3A_1463 = tpu.memref_slice %arg3[%mul3A_1258] : memref<204800xi32, #tpu.memory_space<hbm>> -> memref<256xi32, #tpu.memory_space<hbm>>
      %dma_wait3A_1464 = arith.constant 0 : i32
      %dma_wait3A_1465 = tpu.memref_slice %arg5[%run_scoped3A_1259, %dma_wait3A_1464] : memref<2x256xi32, #tpu.memory_space<vmem>> -> memref<1x256xi32, #tpu.memory_space<vmem>>
      %dma_wait3A_1466 = tpu.memref_squeeze %dma_wait3A_1465 : memref<1x256xi32, #tpu.memory_space<vmem>> -> memref<256xi32, #tpu.memory_space<vmem>>
      %dma_wait3A_1467 = tpu.memref_slice %arg3[%mul3A_1258] : memref<204800xi32, #tpu.memory_space<hbm>> -> memref<256xi32, #tpu.memory_space<hbm>>
      tpu.wait_dma2 semaphore(%run_scoped3A_1451 : memref<!tpu.dma_semaphore, #tpu.memory_space<semaphore_mem>>) src(%dma_wait3A_1467 : memref<256xi32, #tpu.memory_space<hbm>>) dst(%dma_wait3A_1466 : memref<256xi32, #tpu.memory_space<vmem>>)
      tpu.yield
    }) : () -> ()
    %dma_start3A_1260 = arith.constant 0 : i32
    %dma_start3A_1261 = arith.constant 0 : i32
    %dma_start3A_1262 = arith.constant 0 : i32
    %dma_start3A_1263 = arith.constant 0 : i32
    %dma_start3A_1264 = tpu.memref_slice %arg6[%dma_start3A_1261, %dma_start3A_1262, %dma_start3A_1263] : memref<2x256x128xf32, #tpu.memory_space<vmem>> -> memref<1x256x128xf32, #tpu.memory_space<vmem>>
    %dma_start3A_1265 = tpu.memref_squeeze %dma_start3A_1264 : memref<1x256x128xf32, #tpu.memory_space<vmem>> -> memref<256x128xf32, #tpu.memory_space<vmem>>
    %dma_start3A_1266 = arith.constant 0 : i32
    %dma_start3A_1267 = tpu.memref_slice %arg5[%dma_start3A_1260, %dma_start3A_1266] : memref<2x256xi32, #tpu.memory_space<vmem>> -> memref<1x256xi32, #tpu.memory_space<vmem>>
    %dma_start3A_1268 = tpu.memref_squeeze %dma_start3A_1267 : memref<1x256xi32, #tpu.memory_space<vmem>> -> memref<256xi32, #tpu.memory_space<vmem>>
    %dma_start3A_1269 = arith.constant 0 : i32
    %dma_start3A_1270 = arith.constant 0 : i32
    %dma_start3A_1271 = tpu.memref_slice %arg2[%dma_start3A_1269, %dma_start3A_1270] : memref<1000000x128xf32, #tpu.memory_space<hbm>> -> memref<1000000x128xf32, #tpu.memory_space<hbm>>
    tpu.enqueue_indirect_dma source(%dma_start3A_1271 : memref<1000000x128xf32, #tpu.memory_space<hbm>>) target(%dma_start3A_1265 : memref<256x128xf32, #tpu.memory_space<vmem>>) offsets(%dma_start3A_1268 : memref<256xi32, #tpu.memory_space<vmem>>) semaphore(%arg7 : memref<!tpu.dma_semaphore, #tpu.memory_space<semaphore_mem>>)
    %dma_wait3A_1272 = arith.constant 1 : i32
    %dma_wait3A_1273 = arith.constant 1 : i32
    %dma_wait3A_1274 = arith.constant 0 : i32
    %dma_wait3A_1275 = arith.constant 0 : i32
    %dma_wait3A_1276 = tpu.memref_slice %arg6[%dma_wait3A_1273, %dma_wait3A_1274, %dma_wait3A_1275] : memref<2x256x128xf32, #tpu.memory_space<vmem>> -> memref<1x256x128xf32, #tpu.memory_space<vmem>>
    %dma_wait3A_1277 = tpu.memref_squeeze %dma_wait3A_1276 : memref<1x256x128xf32, #tpu.memory_space<vmem>> -> memref<256x128xf32, #tpu.memory_space<vmem>>
    %dma_wait3A_1278 = arith.constant 0 : i32
    %dma_wait3A_1279 = tpu.memref_slice %arg5[%dma_wait3A_1272, %dma_wait3A_1278] : memref<2x256xi32, #tpu.memory_space<vmem>> -> memref<1x256xi32, #tpu.memory_space<vmem>>
    %dma_wait3A_1280 = tpu.memref_squeeze %dma_wait3A_1279 : memref<1x256xi32, #tpu.memory_space<vmem>> -> memref<256xi32, #tpu.memory_space<vmem>>
    %dma_wait3A_1281 = arith.constant 0 : i32
    %dma_wait3A_1282 = arith.constant 0 : i32
    %dma_wait3A_1283 = tpu.memref_slice %arg2[%dma_wait3A_1281, %dma_wait3A_1282] : memref<1000000x128xf32, #tpu.memory_space<hbm>> -> memref<1000000x128xf32, #tpu.memory_space<hbm>>
    tpu.wait_indirect_dma semaphore(%arg8 : memref<!tpu.dma_semaphore, #tpu.memory_space<semaphore_mem>>) src(%dma_wait3A_1283 : memref<1000000x128xf32, #tpu.memory_space<hbm>>) dst(%dma_wait3A_1277 : memref<256x128xf32, #tpu.memory_space<vmem>>)
    %sub3A_1284 = arith.constant 1 : i32
    %sub3A_1285 = arith.subi %add3A_1243, %sub3A_1284 : i32
    %mul3A_1286 = arith.constant 256 : i32
    %mul3A_1287 = arith.muli %sub3A_1285, %mul3A_1286 : i32
    %dma_start3A_1288 = arith.constant 1 : i32
    %dma_start3A_1289 = arith.constant 0 : i32
    %dma_start3A_1290 = arith.constant 0 : i32
    %dma_start3A_1291 = tpu.memref_slice %arg6[%dma_start3A_1288, %dma_start3A_1289, %dma_start3A_1290] : memref<2x256x128xf32, #tpu.memory_space<vmem>> -> memref<1x256x64xf32, #tpu.memory_space<vmem>>
    %dma_start3A_1292 = tpu.memref_squeeze %dma_start3A_1291 : memref<1x256x64xf32, #tpu.memory_space<vmem>> -> memref<256x64xf32, #tpu.memory_space<vmem>>
    %dma_start3A_1293 = arith.constant 0 : i32
    %dma_start3A_1294 = tpu.memref_slice %arg4[%mul3A_1287, %dma_start3A_1293] : memref<204800x64xf32, #tpu.memory_space<hbm>> -> memref<256x64xf32, #tpu.memory_space<hbm>>
    %dma_start3A_1295 = arith.constant 0 : i32
    %dma_start3A_1296 = tpu.memref_slice %arg4[%mul3A_1287, %dma_start3A_1295] : memref<204800x64xf32, #tpu.memory_space<hbm>> -> memref<256x64xf32, #tpu.memory_space<hbm>>
    %dma_start3A_1297 = arith.constant 0 : i32
    %dma_start3A_1298 = arith.constant 0 : i32
    %dma_start3A_1299 = tpu.memref_slice %arg6[%dma_start3A_1288, %dma_start3A_1297, %dma_start3A_1298] : memref<2x256x128xf32, #tpu.memory_space<vmem>> -> memref<1x256x64xf32, #tpu.memory_space<vmem>>
    %dma_start3A_1300 = tpu.memref_squeeze %dma_start3A_1299 : memref<1x256x64xf32, #tpu.memory_space<vmem>> -> memref<256x64xf32, #tpu.memory_space<vmem>>
    tpu.enqueue_dma source(%dma_start3A_1300 : memref<256x64xf32, #tpu.memory_space<vmem>>) target(%dma_start3A_1296 : memref<256x64xf32, #tpu.memory_space<hbm>>) target_semaphore(%arg10 : memref<!tpu.dma_semaphore, #tpu.memory_space<semaphore_mem>>)
    %add3A_1301 = arith.constant 23 : i32
    %add3A_1302 = arith.addi %mul3A_2, %add3A_1301 : i32
    %dma_wait3A_1303 = arith.constant 1 : i32
    %dma_wait3A_1304 = arith.constant 0 : i32
    %dma_wait3A_1305 = arith.constant 0 : i32
    %dma_wait3A_1306 = tpu.memref_slice %arg6[%dma_wait3A_1303, %dma_wait3A_1304, %dma_wait3A_1305] : memref<2x256x128xf32, #tpu.memory_space<vmem>> -> memref<1x256x64xf32, #tpu.memory_space<vmem>>
    %dma_wait3A_1307 = tpu.memref_squeeze %dma_wait3A_1306 : memref<1x256x64xf32, #tpu.memory_space<vmem>> -> memref<256x64xf32, #tpu.memory_space<vmem>>
    %dma_wait3A_1308 = arith.constant 0 : i32
    %dma_wait3A_1309 = tpu.memref_slice %arg4[%mul3A_1287, %dma_wait3A_1308] : memref<204800x64xf32, #tpu.memory_space<hbm>> -> memref<256x64xf32, #tpu.memory_space<hbm>>
    %dma_wait3A_1310 = arith.constant 0 : i32
    %dma_wait3A_1311 = tpu.memref_slice %arg4[%mul3A_1287, %dma_wait3A_1310] : memref<204800x64xf32, #tpu.memory_space<hbm>> -> memref<256x64xf32, #tpu.memory_space<hbm>>
    %dma_wait3A_1312 = arith.constant 0 : i32
    %dma_wait3A_1313 = arith.constant 0 : i32
    %dma_wait3A_1314 = tpu.memref_slice %arg6[%dma_wait3A_1303, %dma_wait3A_1312, %dma_wait3A_1313] : memref<2x256x128xf32, #tpu.memory_space<vmem>> -> memref<1x256x64xf32, #tpu.memory_space<vmem>>
    %dma_wait3A_1315 = tpu.memref_squeeze %dma_wait3A_1314 : memref<1x256x64xf32, #tpu.memory_space<vmem>> -> memref<256x64xf32, #tpu.memory_space<vmem>>
    tpu.wait_dma2 semaphore(%arg10 : memref<!tpu.dma_semaphore, #tpu.memory_space<semaphore_mem>>) src(%dma_wait3A_1315 : memref<256x64xf32, #tpu.memory_space<vmem>>) dst(%dma_wait3A_1311 : memref<256x64xf32, #tpu.memory_space<hbm>>)
    %mul3A_1316 = arith.constant 256 : i32
    %mul3A_1317 = arith.muli %add3A_1302, %mul3A_1316 : i32
    %run_scoped3A_1318 = arith.constant 1 : i32
    "tpu.region"() ({
      %run_scoped3A_1451 = tpu.sem_alloc : memref<!tpu.dma_semaphore, #tpu.memory_space<semaphore_mem>>
      %dma_start3A_1452 = arith.constant 0 : i32
      %dma_start3A_1453 = tpu.memref_slice %arg5[%run_scoped3A_1318, %dma_start3A_1452] : memref<2x256xi32, #tpu.memory_space<vmem>> -> memref<1x256xi32, #tpu.memory_space<vmem>>
      %dma_start3A_1454 = tpu.memref_squeeze %dma_start3A_1453 : memref<1x256xi32, #tpu.memory_space<vmem>> -> memref<256xi32, #tpu.memory_space<vmem>>
      %dma_start3A_1455 = tpu.memref_slice %arg3[%mul3A_1317] : memref<204800xi32, #tpu.memory_space<hbm>> -> memref<256xi32, #tpu.memory_space<hbm>>
      %dma_start3A_1456 = arith.constant 0 : i32
      %dma_start3A_1457 = tpu.memref_slice %arg5[%run_scoped3A_1318, %dma_start3A_1456] : memref<2x256xi32, #tpu.memory_space<vmem>> -> memref<1x256xi32, #tpu.memory_space<vmem>>
      %dma_start3A_1458 = tpu.memref_squeeze %dma_start3A_1457 : memref<1x256xi32, #tpu.memory_space<vmem>> -> memref<256xi32, #tpu.memory_space<vmem>>
      %dma_start3A_1459 = tpu.memref_slice %arg3[%mul3A_1317] : memref<204800xi32, #tpu.memory_space<hbm>> -> memref<256xi32, #tpu.memory_space<hbm>>
      tpu.enqueue_dma source(%dma_start3A_1459 : memref<256xi32, #tpu.memory_space<hbm>>) target(%dma_start3A_1458 : memref<256xi32, #tpu.memory_space<vmem>>) target_semaphore(%run_scoped3A_1451 : memref<!tpu.dma_semaphore, #tpu.memory_space<semaphore_mem>>)
      %dma_wait3A_1460 = arith.constant 0 : i32
      %dma_wait3A_1461 = tpu.memref_slice %arg5[%run_scoped3A_1318, %dma_wait3A_1460] : memref<2x256xi32, #tpu.memory_space<vmem>> -> memref<1x256xi32, #tpu.memory_space<vmem>>
      %dma_wait3A_1462 = tpu.memref_squeeze %dma_wait3A_1461 : memref<1x256xi32, #tpu.memory_space<vmem>> -> memref<256xi32, #tpu.memory_space<vmem>>
      %dma_wait3A_1463 = tpu.memref_slice %arg3[%mul3A_1317] : memref<204800xi32, #tpu.memory_space<hbm>> -> memref<256xi32, #tpu.memory_space<hbm>>
      %dma_wait3A_1464 = arith.constant 0 : i32
      %dma_wait3A_1465 = tpu.memref_slice %arg5[%run_scoped3A_1318, %dma_wait3A_1464] : memref<2x256xi32, #tpu.memory_space<vmem>> -> memref<1x256xi32, #tpu.memory_space<vmem>>
      %dma_wait3A_1466 = tpu.memref_squeeze %dma_wait3A_1465 : memref<1x256xi32, #tpu.memory_space<vmem>> -> memref<256xi32, #tpu.memory_space<vmem>>
      %dma_wait3A_1467 = tpu.memref_slice %arg3[%mul3A_1317] : memref<204800xi32, #tpu.memory_space<hbm>> -> memref<256xi32, #tpu.memory_space<hbm>>
      tpu.wait_dma2 semaphore(%run_scoped3A_1451 : memref<!tpu.dma_semaphore, #tpu.memory_space<semaphore_mem>>) src(%dma_wait3A_1467 : memref<256xi32, #tpu.memory_space<hbm>>) dst(%dma_wait3A_1466 : memref<256xi32, #tpu.memory_space<vmem>>)
      tpu.yield
    }) : () -> ()
    %dma_start3A_1319 = arith.constant 1 : i32
    %dma_start3A_1320 = arith.constant 1 : i32
    %dma_start3A_1321 = arith.constant 0 : i32
    %dma_start3A_1322 = arith.constant 0 : i32
    %dma_start3A_1323 = tpu.memref_slice %arg6[%dma_start3A_1320, %dma_start3A_1321, %dma_start3A_1322] : memref<2x256x128xf32, #tpu.memory_space<vmem>> -> memref<1x256x128xf32, #tpu.memory_space<vmem>>
    %dma_start3A_1324 = tpu.memref_squeeze %dma_start3A_1323 : memref<1x256x128xf32, #tpu.memory_space<vmem>> -> memref<256x128xf32, #tpu.memory_space<vmem>>
    %dma_start3A_1325 = arith.constant 0 : i32
    %dma_start3A_1326 = tpu.memref_slice %arg5[%dma_start3A_1319, %dma_start3A_1325] : memref<2x256xi32, #tpu.memory_space<vmem>> -> memref<1x256xi32, #tpu.memory_space<vmem>>
    %dma_start3A_1327 = tpu.memref_squeeze %dma_start3A_1326 : memref<1x256xi32, #tpu.memory_space<vmem>> -> memref<256xi32, #tpu.memory_space<vmem>>
    %dma_start3A_1328 = arith.constant 0 : i32
    %dma_start3A_1329 = arith.constant 0 : i32
    %dma_start3A_1330 = tpu.memref_slice %arg2[%dma_start3A_1328, %dma_start3A_1329] : memref<1000000x128xf32, #tpu.memory_space<hbm>> -> memref<1000000x128xf32, #tpu.memory_space<hbm>>
    tpu.enqueue_indirect_dma source(%dma_start3A_1330 : memref<1000000x128xf32, #tpu.memory_space<hbm>>) target(%dma_start3A_1324 : memref<256x128xf32, #tpu.memory_space<vmem>>) offsets(%dma_start3A_1327 : memref<256xi32, #tpu.memory_space<vmem>>) semaphore(%arg8 : memref<!tpu.dma_semaphore, #tpu.memory_space<semaphore_mem>>)
    %dma_wait3A_1331 = arith.constant 0 : i32
    %dma_wait3A_1332 = arith.constant 0 : i32
    %dma_wait3A_1333 = arith.constant 0 : i32
    %dma_wait3A_1334 = arith.constant 0 : i32
    %dma_wait3A_1335 = tpu.memref_slice %arg6[%dma_wait3A_1332, %dma_wait3A_1333, %dma_wait3A_1334] : memref<2x256x128xf32, #tpu.memory_space<vmem>> -> memref<1x256x128xf32, #tpu.memory_space<vmem>>
    %dma_wait3A_1336 = tpu.memref_squeeze %dma_wait3A_1335 : memref<1x256x128xf32, #tpu.memory_space<vmem>> -> memref<256x128xf32, #tpu.memory_space<vmem>>
    %dma_wait3A_1337 = arith.constant 0 : i32
    %dma_wait3A_1338 = tpu.memref_slice %arg5[%dma_wait3A_1331, %dma_wait3A_1337] : memref<2x256xi32, #tpu.memory_space<vmem>> -> memref<1x256xi32, #tpu.memory_space<vmem>>
    %dma_wait3A_1339 = tpu.memref_squeeze %dma_wait3A_1338 : memref<1x256xi32, #tpu.memory_space<vmem>> -> memref<256xi32, #tpu.memory_space<vmem>>
    %dma_wait3A_1340 = arith.constant 0 : i32
    %dma_wait3A_1341 = arith.constant 0 : i32
    %dma_wait3A_1342 = tpu.memref_slice %arg2[%dma_wait3A_1340, %dma_wait3A_1341] : memref<1000000x128xf32, #tpu.memory_space<hbm>> -> memref<1000000x128xf32, #tpu.memory_space<hbm>>
    tpu.wait_indirect_dma semaphore(%arg7 : memref<!tpu.dma_semaphore, #tpu.memory_space<semaphore_mem>>) src(%dma_wait3A_1342 : memref<1000000x128xf32, #tpu.memory_space<hbm>>) dst(%dma_wait3A_1336 : memref<256x128xf32, #tpu.memory_space<vmem>>)
    %sub3A_1343 = arith.constant 1 : i32
    %sub3A_1344 = arith.subi %add3A_1302, %sub3A_1343 : i32
    %mul3A_1345 = arith.constant 256 : i32
    %mul3A_1346 = arith.muli %sub3A_1344, %mul3A_1345 : i32
    %dma_start3A_1347 = arith.constant 0 : i32
    %dma_start3A_1348 = arith.constant 0 : i32
    %dma_start3A_1349 = arith.constant 0 : i32
    %dma_start3A_1350 = tpu.memref_slice %arg6[%dma_start3A_1347, %dma_start3A_1348, %dma_start3A_1349] : memref<2x256x128xf32, #tpu.memory_space<vmem>> -> memref<1x256x64xf32, #tpu.memory_space<vmem>>
    %dma_start3A_1351 = tpu.memref_squeeze %dma_start3A_1350 : memref<1x256x64xf32, #tpu.memory_space<vmem>> -> memref<256x64xf32, #tpu.memory_space<vmem>>
    %dma_start3A_1352 = arith.constant 0 : i32
    %dma_start3A_1353 = tpu.memref_slice %arg4[%mul3A_1346, %dma_start3A_1352] : memref<204800x64xf32, #tpu.memory_space<hbm>> -> memref<256x64xf32, #tpu.memory_space<hbm>>
    %dma_start3A_1354 = arith.constant 0 : i32
    %dma_start3A_1355 = tpu.memref_slice %arg4[%mul3A_1346, %dma_start3A_1354] : memref<204800x64xf32, #tpu.memory_space<hbm>> -> memref<256x64xf32, #tpu.memory_space<hbm>>
    %dma_start3A_1356 = arith.constant 0 : i32
    %dma_start3A_1357 = arith.constant 0 : i32
    %dma_start3A_1358 = tpu.memref_slice %arg6[%dma_start3A_1347, %dma_start3A_1356, %dma_start3A_1357] : memref<2x256x128xf32, #tpu.memory_space<vmem>> -> memref<1x256x64xf32, #tpu.memory_space<vmem>>
    %dma_start3A_1359 = tpu.memref_squeeze %dma_start3A_1358 : memref<1x256x64xf32, #tpu.memory_space<vmem>> -> memref<256x64xf32, #tpu.memory_space<vmem>>
    tpu.enqueue_dma source(%dma_start3A_1359 : memref<256x64xf32, #tpu.memory_space<vmem>>) target(%dma_start3A_1355 : memref<256x64xf32, #tpu.memory_space<hbm>>) target_semaphore(%arg9 : memref<!tpu.dma_semaphore, #tpu.memory_space<semaphore_mem>>)
    %add3A_1360 = arith.constant 24 : i32
    %add3A_1361 = arith.addi %mul3A_2, %add3A_1360 : i32
    %dma_wait3A_1362 = arith.constant 0 : i32
    %dma_wait3A_1363 = arith.constant 0 : i32
    %dma_wait3A_1364 = arith.constant 0 : i32
    %dma_wait3A_1365 = tpu.memref_slice %arg6[%dma_wait3A_1362, %dma_wait3A_1363, %dma_wait3A_1364] : memref<2x256x128xf32, #tpu.memory_space<vmem>> -> memref<1x256x64xf32, #tpu.memory_space<vmem>>
    %dma_wait3A_1366 = tpu.memref_squeeze %dma_wait3A_1365 : memref<1x256x64xf32, #tpu.memory_space<vmem>> -> memref<256x64xf32, #tpu.memory_space<vmem>>
    %dma_wait3A_1367 = arith.constant 0 : i32
    %dma_wait3A_1368 = tpu.memref_slice %arg4[%mul3A_1346, %dma_wait3A_1367] : memref<204800x64xf32, #tpu.memory_space<hbm>> -> memref<256x64xf32, #tpu.memory_space<hbm>>
    %dma_wait3A_1369 = arith.constant 0 : i32
    %dma_wait3A_1370 = tpu.memref_slice %arg4[%mul3A_1346, %dma_wait3A_1369] : memref<204800x64xf32, #tpu.memory_space<hbm>> -> memref<256x64xf32, #tpu.memory_space<hbm>>
    %dma_wait3A_1371 = arith.constant 0 : i32
    %dma_wait3A_1372 = arith.constant 0 : i32
    %dma_wait3A_1373 = tpu.memref_slice %arg6[%dma_wait3A_1362, %dma_wait3A_1371, %dma_wait3A_1372] : memref<2x256x128xf32, #tpu.memory_space<vmem>> -> memref<1x256x64xf32, #tpu.memory_space<vmem>>
    %dma_wait3A_1374 = tpu.memref_squeeze %dma_wait3A_1373 : memref<1x256x64xf32, #tpu.memory_space<vmem>> -> memref<256x64xf32, #tpu.memory_space<vmem>>
    tpu.wait_dma2 semaphore(%arg9 : memref<!tpu.dma_semaphore, #tpu.memory_space<semaphore_mem>>) src(%dma_wait3A_1374 : memref<256x64xf32, #tpu.memory_space<vmem>>) dst(%dma_wait3A_1370 : memref<256x64xf32, #tpu.memory_space<hbm>>)
    %mul3A_1375 = arith.constant 256 : i32
    %mul3A_1376 = arith.muli %add3A_1361, %mul3A_1375 : i32
    %run_scoped3A_1377 = arith.constant 0 : i32
    "tpu.region"() ({
      %run_scoped3A_1451 = tpu.sem_alloc : memref<!tpu.dma_semaphore, #tpu.memory_space<semaphore_mem>>
      %dma_start3A_1452 = arith.constant 0 : i32
      %dma_start3A_1453 = tpu.memref_slice %arg5[%run_scoped3A_1377, %dma_start3A_1452] : memref<2x256xi32, #tpu.memory_space<vmem>> -> memref<1x256xi32, #tpu.memory_space<vmem>>
      %dma_start3A_1454 = tpu.memref_squeeze %dma_start3A_1453 : memref<1x256xi32, #tpu.memory_space<vmem>> -> memref<256xi32, #tpu.memory_space<vmem>>
      %dma_start3A_1455 = tpu.memref_slice %arg3[%mul3A_1376] : memref<204800xi32, #tpu.memory_space<hbm>> -> memref<256xi32, #tpu.memory_space<hbm>>
      %dma_start3A_1456 = arith.constant 0 : i32
      %dma_start3A_1457 = tpu.memref_slice %arg5[%run_scoped3A_1377, %dma_start3A_1456] : memref<2x256xi32, #tpu.memory_space<vmem>> -> memref<1x256xi32, #tpu.memory_space<vmem>>
      %dma_start3A_1458 = tpu.memref_squeeze %dma_start3A_1457 : memref<1x256xi32, #tpu.memory_space<vmem>> -> memref<256xi32, #tpu.memory_space<vmem>>
      %dma_start3A_1459 = tpu.memref_slice %arg3[%mul3A_1376] : memref<204800xi32, #tpu.memory_space<hbm>> -> memref<256xi32, #tpu.memory_space<hbm>>
      tpu.enqueue_dma source(%dma_start3A_1459 : memref<256xi32, #tpu.memory_space<hbm>>) target(%dma_start3A_1458 : memref<256xi32, #tpu.memory_space<vmem>>) target_semaphore(%run_scoped3A_1451 : memref<!tpu.dma_semaphore, #tpu.memory_space<semaphore_mem>>)
      %dma_wait3A_1460 = arith.constant 0 : i32
      %dma_wait3A_1461 = tpu.memref_slice %arg5[%run_scoped3A_1377, %dma_wait3A_1460] : memref<2x256xi32, #tpu.memory_space<vmem>> -> memref<1x256xi32, #tpu.memory_space<vmem>>
      %dma_wait3A_1462 = tpu.memref_squeeze %dma_wait3A_1461 : memref<1x256xi32, #tpu.memory_space<vmem>> -> memref<256xi32, #tpu.memory_space<vmem>>
      %dma_wait3A_1463 = tpu.memref_slice %arg3[%mul3A_1376] : memref<204800xi32, #tpu.memory_space<hbm>> -> memref<256xi32, #tpu.memory_space<hbm>>
      %dma_wait3A_1464 = arith.constant 0 : i32
      %dma_wait3A_1465 = tpu.memref_slice %arg5[%run_scoped3A_1377, %dma_wait3A_1464] : memref<2x256xi32, #tpu.memory_space<vmem>> -> memref<1x256xi32, #tpu.memory_space<vmem>>
      %dma_wait3A_1466 = tpu.memref_squeeze %dma_wait3A_1465 : memref<1x256xi32, #tpu.memory_space<vmem>> -> memref<256xi32, #tpu.memory_space<vmem>>
      %dma_wait3A_1467 = tpu.memref_slice %arg3[%mul3A_1376] : memref<204800xi32, #tpu.memory_space<hbm>> -> memref<256xi32, #tpu.memory_space<hbm>>
      tpu.wait_dma2 semaphore(%run_scoped3A_1451 : memref<!tpu.dma_semaphore, #tpu.memory_space<semaphore_mem>>) src(%dma_wait3A_1467 : memref<256xi32, #tpu.memory_space<hbm>>) dst(%dma_wait3A_1466 : memref<256xi32, #tpu.memory_space<vmem>>)
      tpu.yield
    }) : () -> ()
    %dma_start3A_1378 = arith.constant 0 : i32
    %dma_start3A_1379 = arith.constant 0 : i32
    %dma_start3A_1380 = arith.constant 0 : i32
    %dma_start3A_1381 = arith.constant 0 : i32
    %dma_start3A_1382 = tpu.memref_slice %arg6[%dma_start3A_1379, %dma_start3A_1380, %dma_start3A_1381] : memref<2x256x128xf32, #tpu.memory_space<vmem>> -> memref<1x256x128xf32, #tpu.memory_space<vmem>>
    %dma_start3A_1383 = tpu.memref_squeeze %dma_start3A_1382 : memref<1x256x128xf32, #tpu.memory_space<vmem>> -> memref<256x128xf32, #tpu.memory_space<vmem>>
    %dma_start3A_1384 = arith.constant 0 : i32
    %dma_start3A_1385 = tpu.memref_slice %arg5[%dma_start3A_1378, %dma_start3A_1384] : memref<2x256xi32, #tpu.memory_space<vmem>> -> memref<1x256xi32, #tpu.memory_space<vmem>>
    %dma_start3A_1386 = tpu.memref_squeeze %dma_start3A_1385 : memref<1x256xi32, #tpu.memory_space<vmem>> -> memref<256xi32, #tpu.memory_space<vmem>>
    %dma_start3A_1387 = arith.constant 0 : i32
    %dma_start3A_1388 = arith.constant 0 : i32
    %dma_start3A_1389 = tpu.memref_slice %arg2[%dma_start3A_1387, %dma_start3A_1388] : memref<1000000x128xf32, #tpu.memory_space<hbm>> -> memref<1000000x128xf32, #tpu.memory_space<hbm>>
    tpu.enqueue_indirect_dma source(%dma_start3A_1389 : memref<1000000x128xf32, #tpu.memory_space<hbm>>) target(%dma_start3A_1383 : memref<256x128xf32, #tpu.memory_space<vmem>>) offsets(%dma_start3A_1386 : memref<256xi32, #tpu.memory_space<vmem>>) semaphore(%arg7 : memref<!tpu.dma_semaphore, #tpu.memory_space<semaphore_mem>>)
    %dma_wait3A_1390 = arith.constant 1 : i32
    %dma_wait3A_1391 = arith.constant 1 : i32
    %dma_wait3A_1392 = arith.constant 0 : i32
    %dma_wait3A_1393 = arith.constant 0 : i32
    %dma_wait3A_1394 = tpu.memref_slice %arg6[%dma_wait3A_1391, %dma_wait3A_1392, %dma_wait3A_1393] : memref<2x256x128xf32, #tpu.memory_space<vmem>> -> memref<1x256x128xf32, #tpu.memory_space<vmem>>
    %dma_wait3A_1395 = tpu.memref_squeeze %dma_wait3A_1394 : memref<1x256x128xf32, #tpu.memory_space<vmem>> -> memref<256x128xf32, #tpu.memory_space<vmem>>
    %dma_wait3A_1396 = arith.constant 0 : i32
    %dma_wait3A_1397 = tpu.memref_slice %arg5[%dma_wait3A_1390, %dma_wait3A_1396] : memref<2x256xi32, #tpu.memory_space<vmem>> -> memref<1x256xi32, #tpu.memory_space<vmem>>
    %dma_wait3A_1398 = tpu.memref_squeeze %dma_wait3A_1397 : memref<1x256xi32, #tpu.memory_space<vmem>> -> memref<256xi32, #tpu.memory_space<vmem>>
    %dma_wait3A_1399 = arith.constant 0 : i32
    %dma_wait3A_1400 = arith.constant 0 : i32
    %dma_wait3A_1401 = tpu.memref_slice %arg2[%dma_wait3A_1399, %dma_wait3A_1400] : memref<1000000x128xf32, #tpu.memory_space<hbm>> -> memref<1000000x128xf32, #tpu.memory_space<hbm>>
    tpu.wait_indirect_dma semaphore(%arg8 : memref<!tpu.dma_semaphore, #tpu.memory_space<semaphore_mem>>) src(%dma_wait3A_1401 : memref<1000000x128xf32, #tpu.memory_space<hbm>>) dst(%dma_wait3A_1395 : memref<256x128xf32, #tpu.memory_space<vmem>>)
    %sub3A_1402 = arith.constant 1 : i32
    %sub3A_1403 = arith.subi %add3A_1361, %sub3A_1402 : i32
    %mul3A_1404 = arith.constant 256 : i32
    %mul3A_1405 = arith.muli %sub3A_1403, %mul3A_1404 : i32
    %dma_start3A_1406 = arith.constant 1 : i32
    %dma_start3A_1407 = arith.constant 0 : i32
    %dma_start3A_1408 = arith.constant 0 : i32
    %dma_start3A_1409 = tpu.memref_slice %arg6[%dma_start3A_1406, %dma_start3A_1407, %dma_start3A_1408] : memref<2x256x128xf32, #tpu.memory_space<vmem>> -> memref<1x256x64xf32, #tpu.memory_space<vmem>>
    %dma_start3A_1410 = tpu.memref_squeeze %dma_start3A_1409 : memref<1x256x64xf32, #tpu.memory_space<vmem>> -> memref<256x64xf32, #tpu.memory_space<vmem>>
    %dma_start3A_1411 = arith.constant 0 : i32
    %dma_start3A_1412 = tpu.memref_slice %arg4[%mul3A_1405, %dma_start3A_1411] : memref<204800x64xf32, #tpu.memory_space<hbm>> -> memref<256x64xf32, #tpu.memory_space<hbm>>
    %dma_start3A_1413 = arith.constant 0 : i32
    %dma_start3A_1414 = tpu.memref_slice %arg4[%mul3A_1405, %dma_start3A_1413] : memref<204800x64xf32, #tpu.memory_space<hbm>> -> memref<256x64xf32, #tpu.memory_space<hbm>>
    %dma_start3A_1415 = arith.constant 0 : i32
    %dma_start3A_1416 = arith.constant 0 : i32
    %dma_start3A_1417 = tpu.memref_slice %arg6[%dma_start3A_1406, %dma_start3A_1415, %dma_start3A_1416] : memref<2x256x128xf32, #tpu.memory_space<vmem>> -> memref<1x256x64xf32, #tpu.memory_space<vmem>>
    %dma_start3A_1418 = tpu.memref_squeeze %dma_start3A_1417 : memref<1x256x64xf32, #tpu.memory_space<vmem>> -> memref<256x64xf32, #tpu.memory_space<vmem>>
    tpu.enqueue_dma source(%dma_start3A_1418 : memref<256x64xf32, #tpu.memory_space<vmem>>) target(%dma_start3A_1414 : memref<256x64xf32, #tpu.memory_space<hbm>>) target_semaphore(%arg10 : memref<!tpu.dma_semaphore, #tpu.memory_space<semaphore_mem>>)
    %add3A_1419 = arith.constant 25 : i32
    %add3A_1420 = arith.addi %mul3A_2, %add3A_1419 : i32
    %sub3A_1421 = arith.constant 1 : i32
    %sub3A_1422 = arith.subi %add3A_1420, %sub3A_1421 : i32
    %dma_wait3A_1423 = arith.constant 0 : i32
    %dma_wait3A_1424 = arith.constant 0 : i32
    %dma_wait3A_1425 = arith.constant 0 : i32
    %dma_wait3A_1426 = arith.constant 0 : i32
    %dma_wait3A_1427 = tpu.memref_slice %arg6[%dma_wait3A_1424, %dma_wait3A_1425, %dma_wait3A_1426] : memref<2x256x128xf32, #tpu.memory_space<vmem>> -> memref<1x256x128xf32, #tpu.memory_space<vmem>>
    %dma_wait3A_1428 = tpu.memref_squeeze %dma_wait3A_1427 : memref<1x256x128xf32, #tpu.memory_space<vmem>> -> memref<256x128xf32, #tpu.memory_space<vmem>>
    %dma_wait3A_1429 = arith.constant 0 : i32
    %dma_wait3A_1430 = tpu.memref_slice %arg5[%dma_wait3A_1423, %dma_wait3A_1429] : memref<2x256xi32, #tpu.memory_space<vmem>> -> memref<1x256xi32, #tpu.memory_space<vmem>>
    %dma_wait3A_1431 = tpu.memref_squeeze %dma_wait3A_1430 : memref<1x256xi32, #tpu.memory_space<vmem>> -> memref<256xi32, #tpu.memory_space<vmem>>
    %dma_wait3A_1432 = arith.constant 0 : i32
    %dma_wait3A_1433 = arith.constant 0 : i32
    %dma_wait3A_1434 = tpu.memref_slice %arg2[%dma_wait3A_1432, %dma_wait3A_1433] : memref<1000000x128xf32, #tpu.memory_space<hbm>> -> memref<1000000x128xf32, #tpu.memory_space<hbm>>
    tpu.wait_indirect_dma semaphore(%arg7 : memref<!tpu.dma_semaphore, #tpu.memory_space<semaphore_mem>>) src(%dma_wait3A_1434 : memref<1000000x128xf32, #tpu.memory_space<hbm>>) dst(%dma_wait3A_1428 : memref<256x128xf32, #tpu.memory_space<vmem>>)
    %mul3A_1435 = arith.constant 256 : i32
    %mul3A_1436 = arith.muli %sub3A_1422, %mul3A_1435 : i32
    %run_scoped3A_1437 = arith.constant 0 : i32
    "tpu.region"() ({
      %run_scoped3A_1451 = tpu.sem_alloc : memref<!tpu.dma_semaphore, #tpu.memory_space<semaphore_mem>>
      %dma_start3A_1452 = arith.constant 0 : i32
      %dma_start3A_1453 = arith.constant 0 : i32
      %dma_start3A_1454 = tpu.memref_slice %arg6[%run_scoped3A_1437, %dma_start3A_1452, %dma_start3A_1453] : memref<2x256x128xf32, #tpu.memory_space<vmem>> -> memref<1x256x64xf32, #tpu.memory_space<vmem>>
      %dma_start3A_1455 = tpu.memref_squeeze %dma_start3A_1454 : memref<1x256x64xf32, #tpu.memory_space<vmem>> -> memref<256x64xf32, #tpu.memory_space<vmem>>
      %dma_start3A_1456 = arith.constant 0 : i32
      %dma_start3A_1457 = tpu.memref_slice %arg4[%mul3A_1436, %dma_start3A_1456] : memref<204800x64xf32, #tpu.memory_space<hbm>> -> memref<256x64xf32, #tpu.memory_space<hbm>>
      %dma_start3A_1458 = arith.constant 0 : i32
      %dma_start3A_1459 = tpu.memref_slice %arg4[%mul3A_1436, %dma_start3A_1458] : memref<204800x64xf32, #tpu.memory_space<hbm>> -> memref<256x64xf32, #tpu.memory_space<hbm>>
      %dma_start3A_1460 = arith.constant 0 : i32
      %dma_start3A_1461 = arith.constant 0 : i32
      %dma_start3A_1462 = tpu.memref_slice %arg6[%run_scoped3A_1437, %dma_start3A_1460, %dma_start3A_1461] : memref<2x256x128xf32, #tpu.memory_space<vmem>> -> memref<1x256x64xf32, #tpu.memory_space<vmem>>
      %dma_start3A_1463 = tpu.memref_squeeze %dma_start3A_1462 : memref<1x256x64xf32, #tpu.memory_space<vmem>> -> memref<256x64xf32, #tpu.memory_space<vmem>>
      tpu.enqueue_dma source(%dma_start3A_1463 : memref<256x64xf32, #tpu.memory_space<vmem>>) target(%dma_start3A_1459 : memref<256x64xf32, #tpu.memory_space<hbm>>) target_semaphore(%run_scoped3A_1451 : memref<!tpu.dma_semaphore, #tpu.memory_space<semaphore_mem>>)
      %dma_wait3A_1464 = arith.constant 0 : i32
      %dma_wait3A_1465 = arith.constant 0 : i32
      %dma_wait3A_1466 = tpu.memref_slice %arg6[%run_scoped3A_1437, %dma_wait3A_1464, %dma_wait3A_1465] : memref<2x256x128xf32, #tpu.memory_space<vmem>> -> memref<1x256x64xf32, #tpu.memory_space<vmem>>
      %dma_wait3A_1467 = tpu.memref_squeeze %dma_wait3A_1466 : memref<1x256x64xf32, #tpu.memory_space<vmem>> -> memref<256x64xf32, #tpu.memory_space<vmem>>
      %dma_wait3A_1468 = arith.constant 0 : i32
      %dma_wait3A_1469 = tpu.memref_slice %arg4[%mul3A_1436, %dma_wait3A_1468] : memref<204800x64xf32, #tpu.memory_space<hbm>> -> memref<256x64xf32, #tpu.memory_space<hbm>>
      %dma_wait3A_1470 = arith.constant 0 : i32
      %dma_wait3A_1471 = tpu.memref_slice %arg4[%mul3A_1436, %dma_wait3A_1470] : memref<204800x64xf32, #tpu.memory_space<hbm>> -> memref<256x64xf32, #tpu.memory_space<hbm>>
      %dma_wait3A_1472 = arith.constant 0 : i32
      %dma_wait3A_1473 = arith.constant 0 : i32
      %dma_wait3A_1474 = tpu.memref_slice %arg6[%run_scoped3A_1437, %dma_wait3A_1472, %dma_wait3A_1473] : memref<2x256x128xf32, #tpu.memory_space<vmem>> -> memref<1x256x64xf32, #tpu.memory_space<vmem>>
      %dma_wait3A_1475 = tpu.memref_squeeze %dma_wait3A_1474 : memref<1x256x64xf32, #tpu.memory_space<vmem>> -> memref<256x64xf32, #tpu.memory_space<vmem>>
      tpu.wait_dma2 semaphore(%run_scoped3A_1451 : memref<!tpu.dma_semaphore, #tpu.memory_space<semaphore_mem>>) src(%dma_wait3A_1475 : memref<256x64xf32, #tpu.memory_space<vmem>>) dst(%dma_wait3A_1471 : memref<256x64xf32, #tpu.memory_space<hbm>>)
      tpu.yield
    }) : () -> ()
    %dma_wait3A_1438 = arith.constant 1 : i32
    %dma_wait3A_1439 = arith.constant 0 : i32
    %dma_wait3A_1440 = arith.constant 0 : i32
    %dma_wait3A_1441 = tpu.memref_slice %arg6[%dma_wait3A_1438, %dma_wait3A_1439, %dma_wait3A_1440] : memref<2x256x128xf32, #tpu.memory_space<vmem>> -> memref<1x256x64xf32, #tpu.memory_space<vmem>>
    %dma_wait3A_1442 = tpu.memref_squeeze %dma_wait3A_1441 : memref<1x256x64xf32, #tpu.memory_space<vmem>> -> memref<256x64xf32, #tpu.memory_space<vmem>>
    %dma_wait3A_1443 = arith.constant 0 : i32
    %dma_wait3A_1444 = tpu.memref_slice %arg4[%mul3A_1405, %dma_wait3A_1443] : memref<204800x64xf32, #tpu.memory_space<hbm>> -> memref<256x64xf32, #tpu.memory_space<hbm>>
    %dma_wait3A_1445 = arith.constant 0 : i32
    %dma_wait3A_1446 = tpu.memref_slice %arg4[%mul3A_1405, %dma_wait3A_1445] : memref<204800x64xf32, #tpu.memory_space<hbm>> -> memref<256x64xf32, #tpu.memory_space<hbm>>
    %dma_wait3A_1447 = arith.constant 0 : i32
    %dma_wait3A_1448 = arith.constant 0 : i32
    %dma_wait3A_1449 = tpu.memref_slice %arg6[%dma_wait3A_1438, %dma_wait3A_1447, %dma_wait3A_1448] : memref<2x256x128xf32, #tpu.memory_space<vmem>> -> memref<1x256x64xf32, #tpu.memory_space<vmem>>
    %dma_wait3A_1450 = tpu.memref_squeeze %dma_wait3A_1449 : memref<1x256x64xf32, #tpu.memory_space<vmem>> -> memref<256x64xf32, #tpu.memory_space<vmem>>
    tpu.wait_dma2 semaphore(%arg10 : memref<!tpu.dma_semaphore, #tpu.memory_space<semaphore_mem>>) src(%dma_wait3A_1450 : memref<256x64xf32, #tpu.memory_space<vmem>>) dst(%dma_wait3A_1446 : memref<256x64xf32, #tpu.memory_space<hbm>>)
    return
  }
}

</mosaic_0001>

<sc_bundles>
// kernel: kernel.3.cloned.1.call-start
scs
__scs_entry_jumppad:
0x0: {  	(pc) =	sbr.rel $0x88, $3  }
0x1: {  	(tag) =	ssettag $0x0;
	lr =	simm.s32 $0x1  }
0x2: {  	[smem:$0x3F9F] =	sst lr;
	_ =	strace $0xD0000000  }
0x3: {  	_ = 	snop  }
0x4: {  	_ = 	snop  }
0x5: {  	_ = 	snop  }
0x6: {  	_ = 	snop  }
0x7: {  	_ = 	snop  }
__scs_overlays_trampoline_lowered:
0x8: {  	[smem:$0x3FAE] =	sst s0  }
0x9: {  	[smem:$0x3FAF] =	sst s1  }
0xa: {  	[smem:$0x3FB0] =	sst s2  }
0xb: {  	[smem:$0x3FB1] =	sst s3  }
0xc: {  	[smem:$0x3FB2] =	sst s4  }
0xd: {  	[smem:$0x3FB3] =	sst s5  }
0xe: {  	[smem:$0x3FB4] =	sst s6  }
0xf: {  	[smem:$0x3FB5] =	sst s7  }
0x10: {  	[smem:$0x3FB6] =	sst s8  }
0x11: {  	[smem:$0x3FB7] =	sst s9;
	s0 =	simm.s32 @!p0 $0x0  }
0x12: {  	s1 =	sld [smem:$0x3F9D];
	s0 =	simm.s32 @p0 $0x1  }
0x13: {  	[smem:$0x3FB8] =	sst s0;
	s0 =	simm.s32 @!p1 $0x0  }
0x14: {  	s2 =	sld [smem:$0x3F9C];
	s0 =	simm.s32 @p1 $0x1  }
0x15: {  	[smem:$0x3FB9] =	sst s0;
	s0 =	simm.s32 @!p2 $0x0  }
0x16: {  	s3 =	sld [smem:$0x3FDB];
	s0 =	simm.s32 @p2 $0x1  }
0x17: {  	s4 =	simm.s32 $0x1BF5;
	[smem:$0x3FBB] =	sst s0  }
0x18: {  	s0 =	sld [smem:$0x3F9E];
	_ =	swait.ge [sflag:s4], $0x0  }
0x19: {  	s7 =	sld [smem:$0x3F9F]  }
0x1a: {  	s8 =	sadd.s32 $0xFFFFE003, lr  }
0x1b: {  	s9 =	sadd.s32 $0xFFFFFEF7, lr;
	s5 =	simm.s32 $0xFFFFFFFF;
	p2 =	slt.u32 s8, $0xFFFFF086  }
0x1c: {  	p1 =	slt.u32 s9, $0xF7A;
	s5 =	simm.s32 @!p2 $0x0  }
0x1d: {  	s5 =	simm.s32 @p1 $0x1;
	p0 =	seq.s32 s7, s2  }
0x1e: {  	s7 =	smul.u32 @!p0 $0xF7A, s2;
	p2 =	seq.s32 @!p0 s5, $0x0  }
0x1f: {  	s9 =	smul.u32 $0xF7A, s1;
	s8 =	simm.s32 @!p0 $0x1BF5;
	p2 =	por !p2, p0  }
0x20: {  	[sflag:s8] =	ssyncset.s32 @!p0 $0xFFFFF086;
	s6 =	sadd.s32 @!p0 s3, s7;
	s7 =	simm.s32 @!p0 $0x108  }
0x21: {  	s3 =	sadd.s32 s3, s9;
	s6 =	sadd.s32 @!p0 $0x88, s6;
	s7 =	simm.s32 @p2 $0x1082  }
0x22: {  	[simem:s7], [sflag:s8] =	dma.local @!p0 [hbm:s6], $0xF7A  }
0x23: {  	s9 =	sor.u32 $0xD0000000, s2;
	s6 =	simm.s32 $0x108;
	_ =	swait.ge @!p0 [sflag:s8], $0x0  }
0x24: {  	s3 =	sadd.s32 $0x88, s3;
	s6 =	simm.s32 @!p1 $0x1082;
	[sflag:s4] =	ssyncset.s32 $0xFFFFF086  }
0x25: {  	[simem:s6], [sflag:s4] =	dma.local [hbm:s3], $0xF7A  }
0x26: {  	[smem:$0x3F9F] =	sst s1;
	(tag) =	ssettag s2;
	_ =	strace s9  }
0x27: {  	s1 =	sld [smem:$0x3FAF]  }
0x28: {  	s2 =	sld [smem:$0x3FB0]  }
0x29: {  	s4 =	sld [smem:$0x3FB2]  }
0x2a: {  	p0 =	seq.s32 s5, $0x0;
	s5 =	sld [smem:$0x3FB3]  }
0x2b: {  	s6 =	sld [smem:$0x3FB4]  }
0x2c: {  	s7 =	sld [smem:$0x3FB5]  }
0x2d: {  	s3 =	simm.s32 $0x108;
	s8 =	sld [smem:$0x3FB6]  }
0x2e: {  	s3 =	simm.s32 @!p0 $0x1082;
	s9 =	sld [smem:$0x3FB7]  }
0x2f: {  	lr =	sadd.s32 s0, s3;
	s0 =	sld [smem:$0x3FAE]  }
0x30: {  	s3 =	sld [smem:$0x3FB1]  }
0x31: {  	[smem:$0x3FBA] =	sst s10  }
0x32: {  	s10 =	sld [smem:$0x3FB8];
	_ =	sdelay $0x3  }
0x33: {  	p0 =	seq.s32 s10, $0x1;
	s10 =	sld [smem:$0x3FBA];
	_ =	sdelay $0x3  }
0x34: {  	[smem:$0x3FBA] =	sst s10  }
0x35: {  	s10 =	sld [smem:$0x3FB9];
	_ =	sdelay $0x3  }
0x36: {  	p1 =	seq.s32 s10, $0x1;
	s10 =	sld [smem:$0x3FBA];
	_ =	sdelay $0x3  }
0x37: {  	[smem:$0x3FBA] =	sst s10  }
0x38: {  	s10 =	sld [smem:$0x3FBB]  }
0x39: {  	_ = 	snop;
	(pc) =	sbr.ind lr, $3  }
0x3a: {  	_ = 	snop  }
0x3b: {  	_ = 	snop  }
0x3c: {  	p2 =	seq.s32 s10, $0x1;
	s10 =	sld [smem:$0x3FBA]  }
0x3d: {  	_ =	shalt  }
0x3e: {  	_ =	shalt  }
0x3f: {  	_ =	shalt  }
0x40: {  	_ =	shalt  }
0x41: {  	_ =	shalt  }
0x42: {  	_ =	shalt  }
0x43: {  	_ =	shalt  }
0x44: {  	_ =	shalt  }
0x45: {  	_ =	shalt  }
0x46: {  	_ =	shalt  }
0x47: {  	_ =	shalt  }
0x48: {  	_ =	shalt  }
0x49: {  	_ =	shalt  }
0x4a: {  	_ =	shalt  }
0x4b: {  	_ =	shalt  }
0x4c: {  	_ =	shalt  }
0x4d: {  	_ =	shalt  }
0x4e: {  	_ =	shalt  }
0x4f: {  	_ =	shalt  }
0x50: {  	_ =	shalt  }
0x51: {  	_ =	shalt  }
0x52: {  	_ =	shalt  }
0x53: {  	_ =	shalt  }
0x54: {  	_ =	shalt  }
0x55: {  	_ =	shalt  }
0x56: {  	_ =	shalt  }
0x57: {  	_ =	shalt  }
0x58: {  	_ =	shalt  }
0x59: {  	_ =	shalt  }
0x5a: {  	_ =	shalt  }
0x5b: {  	_ =	shalt  }
0x5c: {  	_ =	shalt  }
0x5d: {  	_ =	shalt  }
0x5e: {  	_ =	shalt  }
0x5f: {  	_ =	shalt  }
0x60: {  	_ =	shalt  }
0x61: {  	_ =	shalt  }
0x62: {  	_ =	shalt  }
0x63: {  	_ =	shalt  }
0x64: {  	_ =	shalt  }
0x65: {  	_ =	shalt  }
0x66: {  	_ =	shalt  }
0x67: {  	_ =	shalt  }
0x68: {  	_ =	shalt  }
0x69: {  	_ =	shalt  }
0x6a: {  	_ =	shalt  }
0x6b: {  	_ =	shalt  }
0x6c: {  	_ =	shalt  }
0x6d: {  	_ =	shalt  }
0x6e: {  	_ =	shalt  }
0x6f: {  	_ =	shalt  }
0x70: {  	_ =	shalt  }
0x71: {  	_ =	shalt  }
0x72: {  	_ =	shalt  }
0x73: {  	_ =	shalt  }
0x74: {  	_ =	shalt  }
0x75: {  	_ =	shalt  }
0x76: {  	_ =	shalt  }
0x77: {  	_ =	shalt  }
0x78: {  	_ =	shalt  }
0x79: {  	_ =	shalt  }
0x7a: {  	_ =	shalt  }
0x7b: {  	_ =	shalt  }
0x7c: {  	_ =	shalt  }
0x7d: {  	_ =	shalt  }
0x7e: {  	_ =	shalt  }
0x7f: {  	_ =	shalt  }
0x80: {  	_ =	shalt  }
0x81: {  	_ =	shalt  }
0x82: {  	_ =	shalt  }
0x83: {  	_ =	shalt  }
0x84: {  	_ =	shalt  }
0x85: {  	_ =	shalt  }
0x86: {  	_ =	shalt  }
0x87: {  	_ =	shalt  }
.Lfunc_end0:
.L_simem_size_0:
called_computation.1_lowered:
.L_overlay_start_0:
0x88: {  	s2 =	sld [smem:$0x3FD9]  }
0x89: {  	s3 =	sld [smem:$0x3FFE];
	_ =	sdelay $0x1  }
0x8a: {  	s1 =	srdreg.scid  }
0x8b: {  	s0 =	sand.u32 $0x1, s1  }
0x8c: {  	s17 =	sshll.u32 s0, $0xA;
	s2 =	sadd.s32 s3, s2  }
0x8d: {  	s2 =	sadd.s32 s2, s17  }
0x8e: {  	[smem:$0x3FC6] =	sst s2  }
0x8f: {  	_ = 	snop  }
0x90: {  	s2 =	sld [smem:$0x3FD0];
	(tm) =	ssettm $0x1  }
0x91: {  	s18 =	sld [smem:$0x3FFB];
	_ =	sdelay $0x3  }
0x92: {  	_ =	strace s18  }
0x93: {  	s3 =	sld [smem:$0x3FFC];
	_ =	sdelay $0x3  }
0x94: {  	_ =	strace s3  }
0x95: {  	s3 =	sld [smem:$0x3FFD];
	_ =	sdelay $0x3  }
0x96: {  	_ =	strace s3  }
0x97: {  	_ =	strace $0x8FFFFFFF  }
0x98: {  	s19 =	sld [smem:$0x3FDB];
	_ =	sdelay $0x1  }
0x99: {  	s4 =	simm.s32 $_scs_section_size  }
0x9a: {  	s5 =	simm.s32 $_size__tile_overlayer_lowered;
	s6 =	simm.s32 $_tile_overlayer_lowered  }
0x9b: {  	s22 =	simm.s32 $0x1BFF;
	s21 =	sshll.u32 s6, $0x1;
	s3 =	sadd.s32 s4, s19  }
0x9c: {  	s7 =	simm.s32 $0x0;
	s20 =	sshll.u32 s5, $0x1;
	s5 =	sadd.s32 s21, s3  }
0x9d: {  	[timem:s7], [sflag:s22] =	dma.local [hbm:s5], s20  }
0x9e: {  	_ =	swait.ge [sflag:s22], s20  }
0x9f: {  	s4 =	ssub.s32 $0x0, s20;
	[sflag:s22] =	ssyncset.done $0x0  }
0xa0: {  	[sflag:s22] =	ssyncadd.s32 s4;
	_ =	sdelay $0x1  }
0xa1: {  	s23 =	simm.s32 $0x1B8B  }
0xa2: {  	_ =	swait.ge [sflag:s23], $0x1  }
0xa3: {  	[sflag:s23] =	ssyncset.done $0x0  }
0xa4: {  	s25 =	simm.s32 $0x1B8E;
	s24 =	sld [smem:$0x3FFE];
	[sflag:s23] =	ssyncadd.s32 $0xFFFFFFFF  }
0xa5: {  	s26 =	simm.s32 $execute0_lowered;
	[smem:$0x3FD2] =	sst s25  }
0xa6: {  	s5 =	sshll.u32 s26, $0x1;
	_ =	strace $0x80000046;
	[dreg:$0x1] =	wrdreg $0xFFFFFFFF  }
0xa7: {  	s28 =	simm.s32 $_size_execute0_lowered;
	s3 =	sadd.s32 s3, s5;
	[dreg:$0x0] =	wrdreg $0x0  }
0xa8: {  	s5 =	sshll.u32 s28, $0x1;
	[dreg:$0x2] =	wrdreg s3  }
0xa9: {  	[dreg:$0x3] =	wrdreg s5  }
0xaa: {  	[dreg:$0x4] =	wrdreg $0xC0  }
0xab: {  	_ =	task [dreg:s7], $0x5FFFF  }
0xac: {  	[dreg:$0x1] =	wrdreg $0xFFFFFFFF  }
0xad: {  	[dreg:$0x0] =	wrdreg $0x60  }
0xae: {  	[dreg:$0x2] =	wrdreg s24  }
0xaf: {  	[dreg:$0x3] =	wrdreg s2  }
0xb0: {  	[dreg:$0x4] =	wrdreg $0x9  }
0xb1: {  	_ =	task.clear_ibuf [dreg:s7], $0x5FFFF;
	_ =	strace $0x90000046  }
0xb2: {  	s29 =	simm.s32 $0x9;
	_ =	strace $0x80000048  }
0xb3: {  	_ =	swait.ge [sflag:s29], $0x1  }
0xb4: {  	[sflag:s29] =	ssyncadd.s32 $0xFFFFFFFF  }
0xb5: {  	_ =	strace $0x90000048  }
0xb6: {  	_ =	sfence  }
0xb7: {  	s30 =	sld [smem:$0x0];
	_ =	sdelay $0x2  }
0xb8: {  	s31 =	sshll.u32 s1, $0xD;
	s1 =	sshrl.u32 s1, $0x2  }
0xb9: {  	s3 =	sand.u32 $0x4000, s31;
	s1 =	sadd.s32 s1, s30  }
0xba: {  	s0 =	sor.u32 s3, s0;
	s1 =	sshll.u32 s1, $0x11  }
0xbb: {  	s0 =	sor.u32 s1, s0  }
0xbc: {  	s0 =	sadd.s32 $0x8F2B, s0  }
0xbd: {  	[sflag:s0] =	ssyncadd.remote.s32 $0x1  }
0xbe: {  	_ =	sfence.sel $0xFFFF  }
0xbf: {  	[dreg:$0x0] =	wrdreg $0xFFFFFFFF;
	(pc) =	sbr.abs _section_cstart, $3  }
0xc0: {  	[dreg:$0x1] =	wrdreg $0xFFFFFFFF  }
0xc1: {  	_ =	task.clear_ibuf [dreg:s7], $0x2FFFF;
	_ =	strace $0x9FFFFFFF  }
0xc2: {  	(tm) =	ssettm $0x7FFFFFFF  }
0xc3: {  	_ =	shalt  }
tec
execute0_lowered:
.L_overlay_start_1:
0x0: {  	(tag) =	ssettag $0x1  }
0x1: {  	s0 =	srdreg.scid;
	s1 =	stileid.u32  }
0x2: {  	s0 =	sand.u32 $0x1, s0;
	s1 =	sshll.u32 s1, $0x1  }
0x3: {  	s4 =	sor.u32 s0, s1  }
0x4: {  	s5 =	smul.u32 $0x1900, s4  }
0x5: {  	s2 =	rddreg [dreg:$0x0];
	s0 =	ssub.s32 $0x2, s0;
	s3 =	smul.u32 $0x320, s4  }
0x6: {  	s2 =	sadd.s32 $0xF42E00, s2;
	s7 =	sshrl.u32 s0, $0x1;
	s28 =	smul.u32 $0xC800, s4  }
0x7: {  	s22 =	ssub.s32 s0, s7;
	s29 =	sadd.s32 $0x100, s5;
	s8 =	sadd.s32 s2, s3  }
0x8: {  	s1 =	sadd.s32 $0x200, s5;
	s30 =	sadd.s32 $0x300, s5;
	s0 =	sadd.s32 $0x400, s5  }
0x9: {  	s4 =	sadd.s32 $0x500, s5;
	s7 =	sadd.s32 $0x600, s5;
	s3 =	sadd.s32 $0x700, s5  }
0xa: {  	[dreg:$0x3] =	wrdreg s8;
	s9 =	sshrl.u32 s29, $0x3;
	s6 =	sshrl.u32 s1, $0x3  }
0xb: {  	s12 =	sshrl.u32 s30, $0x3;
	s8 =	sshrl.u32 s0, $0x3;
	s16 =	sshrl.u32 s7, $0x3  }
0xc: {  	s1 =	sshll.u32 s1, $0x3;
	s0 =	sshll.u32 s0, $0x3;
	s10 =	sadd.s32 s2, s9  }
0xd: {  	s11 =	sadd.s32 s2, s6;
	s13 =	sadd.s32 s2, s12;
	[dreg:$0x4] =	wrdreg s10  }
0xe: {  	s14 =	sadd.s32 s2, s8;
	s17 =	sadd.s32 s2, s16;
	[dreg:$0x5] =	wrdreg s11  }
0xf: {  	s8 =	sadd.s32 $0x800, s5;
	s12 =	sshrl.u32 s3, $0x3;
	[dreg:$0x6] =	wrdreg s13  }
0x10: {  	s6 =	sadd.s32 $0xA00, s5;
	s3 =	sshll.u32 s3, $0x3;
	[dreg:$0x7] =	wrdreg s14  }
0x11: {  	s10 =	sshrl.u32 s4, $0x3;
	[dreg:$0x9] =	wrdreg s17;
	s13 =	sshrl.u32 s8, $0x3  }
0x12: {  	s11 =	sadd.s32 $0x900, s5;
	s18 =	sadd.s32 s2, s12;
	s12 =	sadd.s32 $0xB00, s5  }
0x13: {  	s14 =	sadd.s32 $0xC00, s5;
	s17 =	sadd.s32 $0xF00, s5;
	s4 =	sshll.u32 s4, $0x3  }
0x14: {  	s15 =	sadd.s32 s2, s10;
	[dreg:$0xa] =	wrdreg s18;
	s19 =	sadd.s32 s2, s13  }
0x15: {  	s20 =	sshrl.u32 s11, $0x3;
	s16 =	sshrl.u32 s12, $0x3;
	s24 =	sshrl.u32 s14, $0x3  }
0x16: {  	s10 =	sadd.s32 $0xE00, s5;
	s13 =	sadd.s32 $0x1100, s5;
	[dreg:$0x8] =	wrdreg s15  }
0x17: {  	[dreg:$0xb] =	wrdreg s19;
	s21 =	sadd.s32 s2, s20;
	s15 =	sshrl.u32 s6, $0x3  }
0x18: {  	s23 =	sadd.s32 s2, s16;
	s25 =	sadd.s32 s2, s24;
	s19 =	sshrl.u32 s10, $0x3  }
0x19: {  	s16 =	sshrl.u32 s17, $0x3;
	s24 =	sadd.s32 $0x1200, s5;
	[dreg:$0xc] =	wrdreg s21  }
0x1a: {  	s6 =	sshll.u32 s6, $0x3;
	s10 =	sshll.u32 s10, $0x3;
	[dreg:$0xe] =	wrdreg s23  }
0x1b: {  	s9 =	sadd.s32 s2, s15;
	[dreg:$0xf] =	wrdreg s25;
	s15 =	sadd.s32 s2, s19  }
0x1c: {  	s23 =	sshrl.u32 s13, $0x3;
	[dreg:$0xd] =	wrdreg s9;
	s9 =	sadd.s32 $0xD00, s5  }
0x1d: {  	s21 =	sshrl.u32 s24, $0x3;
	[dreg:$0x11] =	wrdreg s15;
	s18 =	sshrl.u32 s9, $0x3  }
0x1e: {  	s15 =	sadd.s32 $0x1300, s5;
	s26 =	sadd.s32 s2, s18;
	s18 =	sadd.s32 s2, s16  }
0x1f: {  	s25 =	sshrl.u32 s15, $0x3;
	[dreg:$0x12] =	wrdreg s18;
	s18 =	sadd.s32 $0x1000, s5  }
0x20: {  	s25 =	sadd.s32 s2, s25;
	[dreg:$0x10] =	wrdreg s26;
	s20 =	sshrl.u32 s18, $0x3  }
0x21: {  	s13 =	sshll.u32 s13, $0x3;
	[dreg:$0x16] =	wrdreg s25;
	s19 =	sadd.s32 s2, s20  }
0x22: {  	s9 =	sshll.u32 s9, $0x3;
	s20 =	sadd.s32 s2, s23;
	[dreg:$0x13] =	wrdreg s19  }
0x23: {  	s16 =	sadd.s32 $0x1500, s5;
	s23 =	sadd.s32 s2, s21;
	[dreg:$0x14] =	wrdreg s20  }
0x24: {  	s15 =	sshll.u32 s15, $0x3;
	s21 =	sshrl.u32 s16, $0x3;
	[dreg:$0x15] =	wrdreg s23  }
0x25: {  	s23 =	sadd.s32 $0x1400, s5;
	s25 =	sadd.s32 s2, s21;
	s19 =	sadd.s32 $0x1700, s5  }
0x26: {  	s26 =	sshrl.u32 s23, $0x3;
	[dreg:$0x18] =	wrdreg s25;
	s25 =	sadd.s32 $0x1600, s5  }
0x27: {  	s21 =	sadd.s32 $0x1800, s5;
	s20 =	sadd.s32 s2, s26;
	s26 =	sshrl.u32 s25, $0x3  }
0x28: {  	[dreg:$0x17] =	wrdreg s20;
	s20 =	sshrl.u32 s19, $0x3;
	s5 =	sadd.s32 s2, s26  }
0x29: {  	s26 =	sshrl.u32 s21, $0x3;
	[dreg:$0x19] =	wrdreg s5;
	s20 =	sadd.s32 s2, s20  }
0x2a: {  	s23 =	sshll.u32 s23, $0x3;
	s2 =	sadd.s32 s2, s26;
	[dreg:$0x1a] =	wrdreg s20  }
0x2b: {  	s19 =	sshll.u32 s19, $0x3;
	s21 =	sshll.u32 s21, $0x3;
	[dreg:$0x1b] =	wrdreg s2  }
0x2c: {  	s26 =	simm.s32 $0x0;
	s5 =	sshll.u32 s29, $0x3;
	s20 =	rddreg [dreg:$0x1]  }
0x2d: {  	[smem:$0x7FF] =	sst s26;
	s28 =	sadd.s32 s20, s28;
	s29 =	sadd.s32 s20, s5  }
0x2e: {  	s5 =	sshll.u32 s30, $0x3;
	s30 =	sadd.s32 s20, s1;
	s0 =	sadd.s32 s20, s0  }
0x2f: {  	s1 =	sadd.s32 s20, s4;
	s3 =	sadd.s32 s20, s3;
	s6 =	sadd.s32 s20, s6  }
0x30: {  	s9 =	sadd.s32 s20, s9;
	s10 =	sadd.s32 s20, s10;
	s13 =	sadd.s32 s20, s13  }
0x31: {  	s15 =	sadd.s32 s20, s15;
	s19 =	sadd.s32 s20, s19;
	_ =	strace $0x80000047  }
0x32: {  	s31 =	sadd.s32 s20, s5;
	s5 =	sshll.u32 s7, $0x3;
	s7 =	sshll.u32 s8, $0x3  }
0x33: {  	s8 =	sshll.u32 s11, $0x3;
	s11 =	sshll.u32 s12, $0x3;
	s12 =	sshll.u32 s14, $0x3  }
0x34: {  	s14 =	sshll.u32 s17, $0x3;
	s17 =	sshll.u32 s18, $0x3;
	s18 =	sshll.u32 s24, $0x3  }
0x35: {  	s24 =	sshll.u32 s16, $0x3;
	s16 =	sadd.s32 s20, s23;
	s23 =	sshll.u32 s25, $0x3  }
0x36: {  	s25 =	smax.u32 s22, $0x1;
	s2 =	sadd.s32 s20, s5;
	s4 =	sadd.s32 s20, s7  }
0x37: {  	s5 =	sadd.s32 s20, s8;
	s7 =	sadd.s32 s20, s11;
	s8 =	sadd.s32 s20, s12  }
0x38: {  	s11 =	sadd.s32 s20, s14;
	s12 =	sadd.s32 s20, s17;
	s14 =	sadd.s32 s20, s18  }
0x39: {  	s17 =	sadd.s32 s20, s24;
	s18 =	sadd.s32 s20, s23;
	s24 =	rddreg [dreg:$0x0]  }
0x3a: {  	s20 =	sadd.s32 s20, s21;
	[dreg:$0x1d] =	wrdreg s25;
	s21 =	sadd.s32 $0xF49200, s24  }
0x3b: {  	s23 =	simm.s32 $0x5;
	s24 =	simm.s32 $0x0;
	[dreg:$0x1c] =	wrdreg s21  }
.LBB2_1:
0x3c: {  	[dreg:$0x1e] =	wrdreg s24  }
0x3d: {  	s21 =	rddreg [dreg:$0x3]  }
0x3e: {  	[tilespmem:s26], [sflag:$0x5] =	stream.linear.gather [hbm4b:s21+s26], $0x100, $0x38;
	[tilespmem:$0x10200] =	vst v63  }
0x3f: {  	_ =	swait.ge [sflag:s23], $0x100  }
0x40: {  	s24 =	simm.s32 $0x100;
	[sflag:s23] =	ssyncset.done $0x0  }
0x41: {  	s25 =	simm.s32 $0x200;
	s22 =	rddreg [dreg:$0x1c];
	[sflag:s23] =	ssyncadd.s32 $0xFFFFFF00  }
0x42: {  	[tilespmem:s25], [sflag:$0x1] =	stream.indirect.gather [hbm4b:s22+s24], $0x80, s26, s24, $0xb8;
	[tilespmem:$0x10200] =	vst v63  }
0x43: {  	s25 =	rddreg [dreg:$0x4]  }
0x44: {  	[tilespmem:s24], [sflag:$0x5] =	stream.linear.gather [hbm4b:s25+s26], $0x100, $0x38;
	[tilespmem:$0x10200] =	vst v63  }
0x45: {  	_ =	swait.ge [sflag:s23], $0x100  }
0x46: {  	[sflag:s23] =	ssyncset.done $0x0  }
0x47: {  	s25 =	simm.s32 $0x8200;
	[sflag:s23] =	ssyncadd.s32 $0xFFFFFF00  }
0x48: {  	[tilespmem:s25], [sflag:$0x2] =	stream.indirect.gather [hbm4b:s22+s24], $0x80, s24, s24, $0xb8;
	[tilespmem:$0x10200] =	vst v63  }
0x49: {  	s25 =	simm.s32 $0x1  }
0x4a: {  	_ =	swait.ge [sflag:s25], $0x8000  }
0x4b: {  	s21 =	sadd.s32 $0x0, s28;
	s24 =	simm.s32 $0x280;
	[sflag:s25] =	ssyncset.done $0x0  }
0x4c: {  	s22 =	simm.s32 $0x200;
	[sflag:s25] =	ssyncadd.s32 $0xFFFF8000;
	s25 =	simm.s32 $0x8  }
.LBB2_2:
0x4d: {  	[hbm4b:s21+s26] =	stream.linear.scatter [tilespmem:s22], [sflag:$0x3], $0x40, $0x38;
	[tilespmem:$0x10200] =	vst v63  }
0x4e: {  	s21 =	smov.u32 s25;
	s22 =	smov.u32 s24;
	p0 =	sne.s32 s25, $0x7F8  }
.Ltmp0:
0x4f: {  	s25 =	sadd.s32 $0x8, s25;
	(pc) =	sbr.rel @p0 .LBB2_2-.Ltmp0, $2  }
0x50: {  	_ =	sdelay $0x2  }
0x51: {  	s24 =	sadd.s32 $0x80, s24;
	s21 =	sadd.s32 s21, s28  }
0x52: {  	[hbm4b:s21+s26] =	stream.linear.scatter [tilespmem:s22], [sflag:$0x3], $0x40, $0x38;
	[tilespmem:$0x10200] =	vst v63  }
0x53: {  	s22 =	simm.s32 $0x3  }
0x54: {  	_ =	swait.ge [sflag:s22], $0x4000  }
0x55: {  	[sflag:s22] =	ssyncset.done $0x0  }
0x56: {  	s21 =	simm.s32 $0x0;
	s24 =	rddreg [dreg:$0x5];
	[sflag:s22] =	ssyncadd.s32 $0xFFFFC000  }
0x57: {  	[tilespmem:s21], [sflag:$0x5] =	stream.linear.gather [hbm4b:s24+s21], $0x100, $0x38;
	[tilespmem:$0x10200] =	vst v63  }
0x58: {  	_ =	swait.ge [sflag:s23], $0x100  }
0x59: {  	s25 =	simm.s32 $0x200;
	[sflag:s23] =	ssyncset.done $0x0  }
0x5a: {  	s24 =	simm.s32 $0x100;
	s22 =	rddreg [dreg:$0x1c];
	[sflag:s23] =	ssyncadd.s32 $0xFFFFFF00  }
0x5b: {  	[tilespmem:s25], [sflag:$0x1] =	stream.indirect.gather [hbm4b:s22+s24], $0x80, s21, s24, $0xb8;
	[tilespmem:$0x10200] =	vst v63  }
0x5c: {  	s25 =	simm.s32 $0x2  }
0x5d: {  	_ =	swait.ge [sflag:s25], $0x8000  }
0x5e: {  	s24 =	simm.s32 $0x8;
	s21 =	sadd.s32 $0x0, s29;
	[sflag:s25] =	ssyncset.done $0x0  }
0x5f: {  	s22 =	simm.s32 $0x8280;
	[sflag:s25] =	ssyncadd.s32 $0xFFFF8000;
	s25 =	simm.s32 $0x8200  }
.LBB2_4:
0x60: {  	[hbm4b:s21+s26] =	stream.linear.scatter [tilespmem:s25], [sflag:$0x4], $0x40, $0x38;
	[tilespmem:$0x10200] =	vst v63  }
0x61: {  	s21 =	smov.u32 s24;
	s25 =	smov.u32 s22;
	p0 =	sne.s32 s24, $0x7F8  }
.Ltmp1:
0x62: {  	s24 =	sadd.s32 $0x8, s24;
	(pc) =	sbr.rel @p0 .LBB2_4-.Ltmp1, $2  }
0x63: {  	_ =	sdelay $0x2  }
0x64: {  	s22 =	sadd.s32 $0x80, s22;
	s21 =	sadd.s32 s21, s29  }
0x65: {  	[hbm4b:s21+s26] =	stream.linear.scatter [tilespmem:s25], [sflag:$0x4], $0x40, $0x38;
	[tilespmem:$0x10200] =	vst v63  }
0x66: {  	s24 =	simm.s32 $0x4  }
0x67: {  	_ =	swait.ge [sflag:s24], $0x4000  }
0x68: {  	s25 =	simm.s32 $0x0;
	[sflag:s24] =	ssyncset.done $0x0  }
0x69: {  	s22 =	rddreg [dreg:$0x6];
	[sflag:s24] =	ssyncadd.s32 $0xFFFFC000;
	s24 =	simm.s32 $0x100  }
0x6a: {  	[tilespmem:s24], [sflag:$0x5] =	stream.linear.gather [hbm4b:s22+s25], $0x100, $0x38;
	[tilespmem:$0x10200] =	vst v63  }
0x6b: {  	_ =	swait.ge [sflag:s23], $0x100  }
0x6c: {  	[sflag:s23] =	ssyncset.done $0x0  }
0x6d: {  	s25 =	simm.s32 $0x8200;
	s22 =	rddreg [dreg:$0x1c];
	[sflag:s23] =	ssyncadd.s32 $0xFFFFFF00  }
0x6e: {  	[tilespmem:s25], [sflag:$0x2] =	stream.indirect.gather [hbm4b:s22+s24], $0x80, s24, s24, $0xb8;
	[tilespmem:$0x10200] =	vst v63  }
0x6f: {  	s25 =	simm.s32 $0x1  }
0x70: {  	_ =	swait.ge [sflag:s25], $0x8000  }
0x71: {  	s21 =	sadd.s32 $0x0, s30;
	s24 =	simm.s32 $0x8;
	[sflag:s25] =	ssyncset.done $0x0  }
0x72: {  	s22 =	simm.s32 $0x280;
	[sflag:s25] =	ssyncadd.s32 $0xFFFF8000;
	s25 =	simm.s32 $0x200  }
.LBB2_6:
0x73: {  	[hbm4b:s21+s26] =	stream.linear.scatter [tilespmem:s25], [sflag:$0x3], $0x40, $0x38;
	[tilespmem:$0x10200] =	vst v63  }
0x74: {  	s21 =	smov.u32 s24;
	s25 =	smov.u32 s22;
	p0 =	sne.s32 s24, $0x7F8  }
.Ltmp2:
0x75: {  	s24 =	sadd.s32 $0x8, s24;
	(pc) =	sbr.rel @p0 .LBB2_6-.Ltmp2, $2  }
0x76: {  	_ =	sdelay $0x2  }
0x77: {  	s22 =	sadd.s32 $0x80, s22;
	s21 =	sadd.s32 s21, s30  }
0x78: {  	[hbm4b:s21+s26] =	stream.linear.scatter [tilespmem:s25], [sflag:$0x3], $0x40, $0x38;
	[tilespmem:$0x10200] =	vst v63  }
0x79: {  	s24 =	simm.s32 $0x3  }
0x7a: {  	_ =	swait.ge [sflag:s24], $0x4000  }
0x7b: {  	[sflag:s24] =	ssyncset.done $0x0  }
0x7c: {  	s21 =	simm.s32 $0x0;
	s22 =	rddreg [dreg:$0x7];
	[sflag:s24] =	ssyncadd.s32 $0xFFFFC000  }
0x7d: {  	[tilespmem:s21], [sflag:$0x5] =	stream.linear.gather [hbm4b:s22+s21], $0x100, $0x38;
	[tilespmem:$0x10200] =	vst v63  }
0x7e: {  	_ =	swait.ge [sflag:s23], $0x100  }
0x7f: {  	s25 =	simm.s32 $0x200;
	[sflag:s23] =	ssyncset.done $0x0  }
0x80: {  	s24 =	simm.s32 $0x100;
	s22 =	rddreg [dreg:$0x1c];
	[sflag:s23] =	ssyncadd.s32 $0xFFFFFF00  }
0x81: {  	[tilespmem:s25], [sflag:$0x1] =	stream.indirect.gather [hbm4b:s22+s24], $0x80, s21, s24, $0xb8;
	[tilespmem:$0x10200] =	vst v63  }
0x82: {  	s25 =	simm.s32 $0x2  }
0x83: {  	_ =	swait.ge [sflag:s25], $0x8000  }
0x84: {  	s24 =	simm.s32 $0x8;
	s21 =	sadd.s32 $0x0, s31;
	[sflag:s25] =	ssyncset.done $0x0  }
0x85: {  	s22 =	simm.s32 $0x8280;
	[sflag:s25] =	ssyncadd.s32 $0xFFFF8000;
	s25 =	simm.s32 $0x8200  }
.LBB2_8:
0x86: {  	[hbm4b:s21+s26] =	stream.linear.scatter [tilespmem:s25], [sflag:$0x4], $0x40, $0x38;
	[tilespmem:$0x10200] =	vst v63  }
0x87: {  	s21 =	smov.u32 s24;
	s25 =	smov.u32 s22;
	p0 =	sne.s32 s24, $0x7F8  }
.Ltmp3:
0x88: {  	s24 =	sadd.s32 $0x8, s24;
	(pc) =	sbr.rel @p0 .LBB2_8-.Ltmp3, $2  }
0x89: {  	_ =	sdelay $0x2  }
0x8a: {  	s22 =	sadd.s32 $0x80, s22;
	s21 =	sadd.s32 s21, s31  }
0x8b: {  	[hbm4b:s21+s26] =	stream.linear.scatter [tilespmem:s25], [sflag:$0x4], $0x40, $0x38;
	[tilespmem:$0x10200] =	vst v63  }
0x8c: {  	s24 =	simm.s32 $0x4  }
0x8d: {  	_ =	swait.ge [sflag:s24], $0x4000  }
0x8e: {  	s25 =	simm.s32 $0x0;
	[sflag:s24] =	ssyncset.done $0x0  }
0x8f: {  	s22 =	rddreg [dreg:$0x8];
	[sflag:s24] =	ssyncadd.s32 $0xFFFFC000;
	s24 =	simm.s32 $0x100  }
0x90: {  	[tilespmem:s24], [sflag:$0x5] =	stream.linear.gather [hbm4b:s22+s25], $0x100, $0x38;
	[tilespmem:$0x10200] =	vst v63  }
0x91: {  	_ =	swait.ge [sflag:s23], $0x100  }
0x92: {  	[sflag:s23] =	ssyncset.done $0x0  }
0x93: {  	s25 =	simm.s32 $0x8200;
	s22 =	rddreg [dreg:$0x1c];
	[sflag:s23] =	ssyncadd.s32 $0xFFFFFF00  }
0x94: {  	[tilespmem:s25], [sflag:$0x2] =	stream.indirect.gather [hbm4b:s22+s24], $0x80, s24, s24, $0xb8;
	[tilespmem:$0x10200] =	vst v63  }
0x95: {  	s25 =	simm.s32 $0x1  }
0x96: {  	_ =	swait.ge [sflag:s25], $0x8000  }
0x97: {  	s21 =	sadd.s32 $0x0, s0;
	s24 =	simm.s32 $0x8;
	[sflag:s25] =	ssyncset.done $0x0  }
0x98: {  	s22 =	simm.s32 $0x280;
	[sflag:s25] =	ssyncadd.s32 $0xFFFF8000;
	s25 =	simm.s32 $0x200  }
.LBB2_10:
0x99: {  	[hbm4b:s21+s26] =	stream.linear.scatter [tilespmem:s25], [sflag:$0x3], $0x40, $0x38;
	[tilespmem:$0x10200] =	vst v63  }
0x9a: {  	s21 =	smov.u32 s24;
	s25 =	smov.u32 s22;
	p0 =	sne.s32 s24, $0x7F8  }
.Ltmp4:
0x9b: {  	s24 =	sadd.s32 $0x8, s24;
	(pc) =	sbr.rel @p0 .LBB2_10-.Ltmp4, $2  }
0x9c: {  	_ =	sdelay $0x2  }
0x9d: {  	s22 =	sadd.s32 $0x80, s22;
	s21 =	sadd.s32 s21, s0  }
0x9e: {  	[hbm4b:s21+s26] =	stream.linear.scatter [tilespmem:s25], [sflag:$0x3], $0x40, $0x38;
	[tilespmem:$0x10200] =	vst v63  }
0x9f: {  	s24 =	simm.s32 $0x3  }
0xa0: {  	_ =	swait.ge [sflag:s24], $0x4000  }
0xa1: {  	[sflag:s24] =	ssyncset.done $0x0  }
0xa2: {  	s21 =	simm.s32 $0x0;
	s22 =	rddreg [dreg:$0x9];
	[sflag:s24] =	ssyncadd.s32 $0xFFFFC000  }
0xa3: {  	[tilespmem:s21], [sflag:$0x5] =	stream.linear.gather [hbm4b:s22+s21], $0x100, $0x38;
	[tilespmem:$0x10200] =	vst v63  }
0xa4: {  	_ =	swait.ge [sflag:s23], $0x100  }
0xa5: {  	s25 =	simm.s32 $0x200;
	[sflag:s23] =	ssyncset.done $0x0  }
0xa6: {  	s24 =	simm.s32 $0x100;
	s22 =	rddreg [dreg:$0x1c];
	[sflag:s23] =	ssyncadd.s32 $0xFFFFFF00  }
0xa7: {  	[tilespmem:s25], [sflag:$0x1] =	stream.indirect.gather [hbm4b:s22+s24], $0x80, s21, s24, $0xb8;
	[tilespmem:$0x10200] =	vst v63  }
0xa8: {  	s25 =	simm.s32 $0x2  }
0xa9: {  	_ =	swait.ge [sflag:s25], $0x8000  }
0xaa: {  	s24 =	simm.s32 $0x8;
	s21 =	sadd.s32 $0x0, s1;
	[sflag:s25] =	ssyncset.done $0x0  }
0xab: {  	s22 =	simm.s32 $0x8280;
	[sflag:s25] =	ssyncadd.s32 $0xFFFF8000;
	s25 =	simm.s32 $0x8200  }
.LBB2_12:
0xac: {  	[hbm4b:s21+s26] =	stream.linear.scatter [tilespmem:s25], [sflag:$0x4], $0x40, $0x38;
	[tilespmem:$0x10200] =	vst v63  }
0xad: {  	s21 =	smov.u32 s24;
	s25 =	smov.u32 s22;
	p0 =	sne.s32 s24, $0x7F8  }
.Ltmp5:
0xae: {  	s24 =	sadd.s32 $0x8, s24;
	(pc) =	sbr.rel @p0 .LBB2_12-.Ltmp5, $2  }
0xaf: {  	_ =	sdelay $0x2  }
0xb0: {  	s22 =	sadd.s32 $0x80, s22;
	s21 =	sadd.s32 s21, s1  }
0xb1: {  	[hbm4b:s21+s26] =	stream.linear.scatter [tilespmem:s25], [sflag:$0x4], $0x40, $0x38;
	[tilespmem:$0x10200] =	vst v63  }
0xb2: {  	s24 =	simm.s32 $0x4  }
0xb3: {  	_ =	swait.ge [sflag:s24], $0x4000  }
0xb4: {  	s25 =	simm.s32 $0x0;
	[sflag:s24] =	ssyncset.done $0x0  }
0xb5: {  	s22 =	rddreg [dreg:$0xa];
	[sflag:s24] =	ssyncadd.s32 $0xFFFFC000;
	s24 =	simm.s32 $0x100  }
0xb6: {  	[tilespmem:s24], [sflag:$0x5] =	stream.linear.gather [hbm4b:s22+s25], $0x100, $0x38;
	[tilespmem:$0x10200] =	vst v63  }
0xb7: {  	_ =	swait.ge [sflag:s23], $0x100  }
0xb8: {  	[sflag:s23] =	ssyncset.done $0x0  }
0xb9: {  	s25 =	simm.s32 $0x8200;
	s22 =	rddreg [dreg:$0x1c];
	[sflag:s23] =	ssyncadd.s32 $0xFFFFFF00  }
0xba: {  	[tilespmem:s25], [sflag:$0x2] =	stream.indirect.gather [hbm4b:s22+s24], $0x80, s24, s24, $0xb8;
	[tilespmem:$0x10200] =	vst v63  }
0xbb: {  	s25 =	simm.s32 $0x1  }
0xbc: {  	_ =	swait.ge [sflag:s25], $0x8000  }
0xbd: {  	s21 =	sadd.s32 $0x0, s2;
	s24 =	simm.s32 $0x8;
	[sflag:s25] =	ssyncset.done $0x0  }
0xbe: {  	s22 =	simm.s32 $0x280;
	[sflag:s25] =	ssyncadd.s32 $0xFFFF8000;
	s25 =	simm.s32 $0x200  }
.LBB2_14:
0xbf: {  	[hbm4b:s21+s26] =	stream.linear.scatter [tilespmem:s25], [sflag:$0x3], $0x40, $0x38;
	[tilespmem:$0x10200] =	vst v63  }
0xc0: {  	s21 =	smov.u32 s24;
	s25 =	smov.u32 s22;
	p0 =	sne.s32 s24, $0x7F8  }
.Ltmp6:
0xc1: {  	s24 =	sadd.s32 $0x8, s24;
	(pc) =	sbr.rel @p0 .LBB2_14-.Ltmp6, $2  }
0xc2: {  	_ =	sdelay $0x2  }
0xc3: {  	s22 =	sadd.s32 $0x80, s22;
	s21 =	sadd.s32 s21, s2  }
0xc4: {  	[hbm4b:s21+s26] =	stream.linear.scatter [tilespmem:s25], [sflag:$0x3], $0x40, $0x38;
	[tilespmem:$0x10200] =	vst v63  }
0xc5: {  	s24 =	simm.s32 $0x3  }
0xc6: {  	_ =	swait.ge [sflag:s24], $0x4000  }
0xc7: {  	[sflag:s24] =	ssyncset.done $0x0  }
0xc8: {  	s21 =	simm.s32 $0x0;
	s22 =	rddreg [dreg:$0xb];
	[sflag:s24] =	ssyncadd.s32 $0xFFFFC000  }
0xc9: {  	[tilespmem:s21], [sflag:$0x5] =	stream.linear.gather [hbm4b:s22+s21], $0x100, $0x38;
	[tilespmem:$0x10200] =	vst v63  }
0xca: {  	_ =	swait.ge [sflag:s23], $0x100  }
0xcb: {  	s25 =	simm.s32 $0x200;
	[sflag:s23] =	ssyncset.done $0x0  }
0xcc: {  	s24 =	simm.s32 $0x100;
	s22 =	rddreg [dreg:$0x1c];
	[sflag:s23] =	ssyncadd.s32 $0xFFFFFF00  }
0xcd: {  	[tilespmem:s25], [sflag:$0x1] =	stream.indirect.gather [hbm4b:s22+s24], $0x80, s21, s24, $0xb8;
	[tilespmem:$0x10200] =	vst v63  }
0xce: {  	s25 =	simm.s32 $0x2  }
0xcf: {  	_ =	swait.ge [sflag:s25], $0x8000  }
0xd0: {  	s24 =	simm.s32 $0x8;
	s21 =	sadd.s32 $0x0, s3;
	[sflag:s25] =	ssyncset.done $0x0  }
0xd1: {  	s22 =	simm.s32 $0x8280;
	[sflag:s25] =	ssyncadd.s32 $0xFFFF8000;
	s25 =	simm.s32 $0x8200  }
.LBB2_16:
0xd2: {  	[hbm4b:s21+s26] =	stream.linear.scatter [tilespmem:s25], [sflag:$0x4], $0x40, $0x38;
	[tilespmem:$0x10200] =	vst v63  }
0xd3: {  	s21 =	smov.u32 s24;
	s25 =	smov.u32 s22;
	p0 =	sne.s32 s24, $0x7F8  }
.Ltmp7:
0xd4: {  	s24 =	sadd.s32 $0x8, s24;
	(pc) =	sbr.rel @p0 .LBB2_16-.Ltmp7, $2  }
0xd5: {  	_ =	sdelay $0x2  }
0xd6: {  	s22 =	sadd.s32 $0x80, s22;
	s21 =	sadd.s32 s21, s3  }
0xd7: {  	[hbm4b:s21+s26] =	stream.linear.scatter [tilespmem:s25], [sflag:$0x4], $0x40, $0x38;
	[tilespmem:$0x10200] =	vst v63  }
0xd8: {  	s24 =	simm.s32 $0x4  }
0xd9: {  	_ =	swait.ge [sflag:s24], $0x4000  }
0xda: {  	s25 =	simm.s32 $0x0;
	[sflag:s24] =	ssyncset.done $0x0  }
0xdb: {  	s22 =	rddreg [dreg:$0xc];
	[sflag:s24] =	ssyncadd.s32 $0xFFFFC000;
	s24 =	simm.s32 $0x100  }
0xdc: {  	[tilespmem:s24], [sflag:$0x5] =	stream.linear.gather [hbm4b:s22+s25], $0x100, $0x38;
	[tilespmem:$0x10200] =	vst v63  }
0xdd: {  	_ =	swait.ge [sflag:s23], $0x100  }
0xde: {  	[sflag:s23] =	ssyncset.done $0x0  }
0xdf: {  	s25 =	simm.s32 $0x8200;
	s22 =	rddreg [dreg:$0x1c];
	[sflag:s23] =	ssyncadd.s32 $0xFFFFFF00  }
0xe0: {  	[tilespmem:s25], [sflag:$0x2] =	stream.indirect.gather [hbm4b:s22+s24], $0x80, s24, s24, $0xb8;
	[tilespmem:$0x10200] =	vst v63  }
0xe1: {  	s25 =	simm.s32 $0x1  }
0xe2: {  	_ =	swait.ge [sflag:s25], $0x8000  }
0xe3: {  	s21 =	sadd.s32 $0x0, s4;
	s24 =	simm.s32 $0x8;
	[sflag:s25] =	ssyncset.done $0x0  }
0xe4: {  	s22 =	simm.s32 $0x280;
	[sflag:s25] =	ssyncadd.s32 $0xFFFF8000;
	s25 =	simm.s32 $0x200  }
.LBB2_18:
0xe5: {  	[hbm4b:s21+s26] =	stream.linear.scatter [tilespmem:s25], [sflag:$0x3], $0x40, $0x38;
	[tilespmem:$0x10200] =	vst v63  }
0xe6: {  	s21 =	smov.u32 s24;
	s25 =	smov.u32 s22;
	p0 =	sne.s32 s24, $0x7F8  }
.Ltmp8:
0xe7: {  	s24 =	sadd.s32 $0x8, s24;
	(pc) =	sbr.rel @p0 .LBB2_18-.Ltmp8, $2  }
0xe8: {  	_ =	sdelay $0x2  }
0xe9: {  	s22 =	sadd.s32 $0x80, s22;
	s21 =	sadd.s32 s21, s4  }
0xea: {  	[hbm4b:s21+s26] =	stream.linear.scatter [tilespmem:s25], [sflag:$0x3], $0x40, $0x38;
	[tilespmem:$0x10200] =	vst v63  }
0xeb: {  	s24 =	simm.s32 $0x3  }
0xec: {  	_ =	swait.ge [sflag:s24], $0x4000  }
0xed: {  	[sflag:s24] =	ssyncset.done $0x0  }
0xee: {  	s21 =	simm.s32 $0x0;
	s22 =	rddreg [dreg:$0xd];
	[sflag:s24] =	ssyncadd.s32 $0xFFFFC000  }
0xef: {  	[tilespmem:s21], [sflag:$0x5] =	stream.linear.gather [hbm4b:s22+s21], $0x100, $0x38;
	[tilespmem:$0x10200] =	vst v63  }
0xf0: {  	_ =	swait.ge [sflag:s23], $0x100  }
0xf1: {  	s25 =	simm.s32 $0x200;
	[sflag:s23] =	ssyncset.done $0x0  }
0xf2: {  	s24 =	simm.s32 $0x100;
	s22 =	rddreg [dreg:$0x1c];
	[sflag:s23] =	ssyncadd.s32 $0xFFFFFF00  }
0xf3: {  	[tilespmem:s25], [sflag:$0x1] =	stream.indirect.gather [hbm4b:s22+s24], $0x80, s21, s24, $0xb8;
	[tilespmem:$0x10200] =	vst v63  }
0xf4: {  	s25 =	simm.s32 $0x2  }
0xf5: {  	_ =	swait.ge [sflag:s25], $0x8000  }
0xf6: {  	s24 =	simm.s32 $0x8;
	s21 =	sadd.s32 $0x0, s5;
	[sflag:s25] =	ssyncset.done $0x0  }
0xf7: {  	s22 =	simm.s32 $0x8280;
	[sflag:s25] =	ssyncadd.s32 $0xFFFF8000;
	s25 =	simm.s32 $0x8200  }
.LBB2_20:
0xf8: {  	[hbm4b:s21+s26] =	stream.linear.scatter [tilespmem:s25], [sflag:$0x4], $0x40, $0x38;
	[tilespmem:$0x10200] =	vst v63  }
0xf9: {  	s21 =	smov.u32 s24;
	s25 =	smov.u32 s22;
	p0 =	sne.s32 s24, $0x7F8  }
.Ltmp9:
0xfa: {  	s24 =	sadd.s32 $0x8, s24;
	(pc) =	sbr.rel @p0 .LBB2_20-.Ltmp9, $2  }
0xfb: {  	_ =	sdelay $0x2  }
0xfc: {  	s22 =	sadd.s32 $0x80, s22;
	s21 =	sadd.s32 s21, s5  }
0xfd: {  	[hbm4b:s21+s26] =	stream.linear.scatter [tilespmem:s25], [sflag:$0x4], $0x40, $0x38;
	[tilespmem:$0x10200] =	vst v63  }
0xfe: {  	s24 =	simm.s32 $0x4  }
0xff: {  	_ =	swait.ge [sflag:s24], $0x4000  }
0x100: {  	s25 =	simm.s32 $0x0;
	[sflag:s24] =	ssyncset.done $0x0  }
0x101: {  	s22 =	rddreg [dreg:$0xe];
	[sflag:s24] =	ssyncadd.s32 $0xFFFFC000;
	s24 =	simm.s32 $0x100  }
0x102: {  	[tilespmem:s24], [sflag:$0x5] =	stream.linear.gather [hbm4b:s22+s25], $0x100, $0x38;
	[tilespmem:$0x10200] =	vst v63  }
0x103: {  	_ =	swait.ge [sflag:s23], $0x100  }
0x104: {  	[sflag:s23] =	ssyncset.done $0x0  }
0x105: {  	s25 =	simm.s32 $0x8200;
	s22 =	rddreg [dreg:$0x1c];
	[sflag:s23] =	ssyncadd.s32 $0xFFFFFF00  }
0x106: {  	[tilespmem:s25], [sflag:$0x2] =	stream.indirect.gather [hbm4b:s22+s24], $0x80, s24, s24, $0xb8;
	[tilespmem:$0x10200] =	vst v63  }
0x107: {  	s25 =	simm.s32 $0x1  }
0x108: {  	_ =	swait.ge [sflag:s25], $0x8000  }
0x109: {  	s21 =	sadd.s32 $0x0, s6;
	s24 =	simm.s32 $0x8;
	[sflag:s25] =	ssyncset.done $0x0  }
0x10a: {  	s22 =	simm.s32 $0x280;
	[sflag:s25] =	ssyncadd.s32 $0xFFFF8000;
	s25 =	simm.s32 $0x200  }
.LBB2_22:
0x10b: {  	[hbm4b:s21+s26] =	stream.linear.scatter [tilespmem:s25], [sflag:$0x3], $0x40, $0x38;
	[tilespmem:$0x10200] =	vst v63  }
0x10c: {  	s21 =	smov.u32 s24;
	s25 =	smov.u32 s22;
	p0 =	sne.s32 s24, $0x7F8  }
.Ltmp10:
0x10d: {  	s24 =	sadd.s32 $0x8, s24;
	(pc) =	sbr.rel @p0 .LBB2_22-.Ltmp10, $2  }
0x10e: {  	_ =	sdelay $0x2  }
0x10f: {  	s22 =	sadd.s32 $0x80, s22;
	s21 =	sadd.s32 s21, s6  }
0x110: {  	[hbm4b:s21+s26] =	stream.linear.scatter [tilespmem:s25], [sflag:$0x3], $0x40, $0x38;
	[tilespmem:$0x10200] =	vst v63  }
0x111: {  	s24 =	simm.s32 $0x3  }
0x112: {  	_ =	swait.ge [sflag:s24], $0x4000  }
0x113: {  	[sflag:s24] =	ssyncset.done $0x0  }
0x114: {  	s21 =	simm.s32 $0x0;
	s22 =	rddreg [dreg:$0xf];
	[sflag:s24] =	ssyncadd.s32 $0xFFFFC000  }
0x115: {  	[tilespmem:s21], [sflag:$0x5] =	stream.linear.gather [hbm4b:s22+s21], $0x100, $0x38;
	[tilespmem:$0x10200] =	vst v63  }
0x116: {  	_ =	swait.ge [sflag:s23], $0x100  }
0x117: {  	s25 =	simm.s32 $0x200;
	[sflag:s23] =	ssyncset.done $0x0  }
0x118: {  	s24 =	simm.s32 $0x100;
	s22 =	rddreg [dreg:$0x1c];
	[sflag:s23] =	ssyncadd.s32 $0xFFFFFF00  }
0x119: {  	[tilespmem:s25], [sflag:$0x1] =	stream.indirect.gather [hbm4b:s22+s24], $0x80, s21, s24, $0xb8;
	[tilespmem:$0x10200] =	vst v63  }
0x11a: {  	s25 =	simm.s32 $0x2  }
0x11b: {  	_ =	swait.ge [sflag:s25], $0x8000  }
0x11c: {  	s24 =	simm.s32 $0x8;
	s21 =	sadd.s32 $0x0, s7;
	[sflag:s25] =	ssyncset.done $0x0  }
0x11d: {  	s22 =	simm.s32 $0x8280;
	[sflag:s25] =	ssyncadd.s32 $0xFFFF8000;
	s25 =	simm.s32 $0x8200  }
.LBB2_24:
0x11e: {  	[hbm4b:s21+s26] =	stream.linear.scatter [tilespmem:s25], [sflag:$0x4], $0x40, $0x38;
	[tilespmem:$0x10200] =	vst v63  }
0x11f: {  	s21 =	smov.u32 s24;
	s25 =	smov.u32 s22;
	p0 =	sne.s32 s24, $0x7F8  }
.Ltmp11:
0x120: {  	s24 =	sadd.s32 $0x8, s24;
	(pc) =	sbr.rel @p0 .LBB2_24-.Ltmp11, $2  }
0x121: {  	_ =	sdelay $0x2  }
0x122: {  	s22 =	sadd.s32 $0x80, s22;
	s21 =	sadd.s32 s21, s7  }
0x123: {  	[hbm4b:s21+s26] =	stream.linear.scatter [tilespmem:s25], [sflag:$0x4], $0x40, $0x38;
	[tilespmem:$0x10200] =	vst v63  }
0x124: {  	s24 =	simm.s32 $0x4  }
0x125: {  	_ =	swait.ge [sflag:s24], $0x4000  }
0x126: {  	s25 =	simm.s32 $0x0;
	[sflag:s24] =	ssyncset.done $0x0  }
0x127: {  	s22 =	rddreg [dreg:$0x10];
	[sflag:s24] =	ssyncadd.s32 $0xFFFFC000;
	s24 =	simm.s32 $0x100  }
0x128: {  	[tilespmem:s24], [sflag:$0x5] =	stream.linear.gather [hbm4b:s22+s25], $0x100, $0x38;
	[tilespmem:$0x10200] =	vst v63  }
0x129: {  	_ =	swait.ge [sflag:s23], $0x100  }
0x12a: {  	[sflag:s23] =	ssyncset.done $0x0  }
0x12b: {  	s25 =	simm.s32 $0x8200;
	s22 =	rddreg [dreg:$0x1c];
	[sflag:s23] =	ssyncadd.s32 $0xFFFFFF00  }
0x12c: {  	[tilespmem:s25], [sflag:$0x2] =	stream.indirect.gather [hbm4b:s22+s24], $0x80, s24, s24, $0xb8;
	[tilespmem:$0x10200] =	vst v63  }
0x12d: {  	s25 =	simm.s32 $0x1  }
0x12e: {  	_ =	swait.ge [sflag:s25], $0x8000  }
0x12f: {  	s21 =	sadd.s32 $0x0, s8;
	s24 =	simm.s32 $0x8;
	[sflag:s25] =	ssyncset.done $0x0  }
0x130: {  	s22 =	simm.s32 $0x280;
	[sflag:s25] =	ssyncadd.s32 $0xFFFF8000;
	s25 =	simm.s32 $0x200  }
.LBB2_26:
0x131: {  	[hbm4b:s21+s26] =	stream.linear.scatter [tilespmem:s25], [sflag:$0x3], $0x40, $0x38;
	[tilespmem:$0x10200] =	vst v63  }
0x132: {  	s21 =	smov.u32 s24;
	s25 =	smov.u32 s22;
	p0 =	sne.s32 s24, $0x7F8  }
.Ltmp12:
0x133: {  	s24 =	sadd.s32 $0x8, s24;
	(pc) =	sbr.rel @p0 .LBB2_26-.Ltmp12, $2  }
0x134: {  	_ =	sdelay $0x2  }
0x135: {  	s22 =	sadd.s32 $0x80, s22;
	s21 =	sadd.s32 s21, s8  }
0x136: {  	[hbm4b:s21+s26] =	stream.linear.scatter [tilespmem:s25], [sflag:$0x3], $0x40, $0x38;
	[tilespmem:$0x10200] =	vst v63  }
0x137: {  	s24 =	simm.s32 $0x3  }
0x138: {  	_ =	swait.ge [sflag:s24], $0x4000  }
0x139: {  	[sflag:s24] =	ssyncset.done $0x0  }
0x13a: {  	s21 =	simm.s32 $0x0;
	s22 =	rddreg [dreg:$0x11];
	[sflag:s24] =	ssyncadd.s32 $0xFFFFC000  }
0x13b: {  	[tilespmem:s21], [sflag:$0x5] =	stream.linear.gather [hbm4b:s22+s21], $0x100, $0x38;
	[tilespmem:$0x10200] =	vst v63  }
0x13c: {  	_ =	swait.ge [sflag:s23], $0x100  }
0x13d: {  	s25 =	simm.s32 $0x200;
	[sflag:s23] =	ssyncset.done $0x0  }
0x13e: {  	s24 =	simm.s32 $0x100;
	s22 =	rddreg [dreg:$0x1c];
	[sflag:s23] =	ssyncadd.s32 $0xFFFFFF00  }
0x13f: {  	[tilespmem:s25], [sflag:$0x1] =	stream.indirect.gather [hbm4b:s22+s24], $0x80, s21, s24, $0xb8;
	[tilespmem:$0x10200] =	vst v63  }
0x140: {  	s25 =	simm.s32 $0x2  }
0x141: {  	_ =	swait.ge [sflag:s25], $0x8000  }
0x142: {  	s24 =	simm.s32 $0x8;
	s21 =	sadd.s32 $0x0, s9;
	[sflag:s25] =	ssyncset.done $0x0  }
0x143: {  	s22 =	simm.s32 $0x8280;
	[sflag:s25] =	ssyncadd.s32 $0xFFFF8000;
	s25 =	simm.s32 $0x8200  }
.LBB2_28:
0x144: {  	[hbm4b:s21+s26] =	stream.linear.scatter [tilespmem:s25], [sflag:$0x4], $0x40, $0x38;
	[tilespmem:$0x10200] =	vst v63  }
0x145: {  	s21 =	smov.u32 s24;
	s25 =	smov.u32 s22;
	p0 =	sne.s32 s24, $0x7F8  }
.Ltmp13:
0x146: {  	s24 =	sadd.s32 $0x8, s24;
	(pc) =	sbr.rel @p0 .LBB2_28-.Ltmp13, $2  }
0x147: {  	_ =	sdelay $0x2  }
0x148: {  	s22 =	sadd.s32 $0x80, s22;
	s21 =	sadd.s32 s21, s9  }
0x149: {  	[hbm4b:s21+s26] =	stream.linear.scatter [tilespmem:s25], [sflag:$0x4], $0x40, $0x38;
	[tilespmem:$0x10200] =	vst v63  }
0x14a: {  	s24 =	simm.s32 $0x4  }
0x14b: {  	_ =	swait.ge [sflag:s24], $0x4000  }
0x14c: {  	s25 =	simm.s32 $0x0;
	[sflag:s24] =	ssyncset.done $0x0  }
0x14d: {  	s22 =	rddreg [dreg:$0x12];
	[sflag:s24] =	ssyncadd.s32 $0xFFFFC000;
	s24 =	simm.s32 $0x100  }
0x14e: {  	[tilespmem:s24], [sflag:$0x5] =	stream.linear.gather [hbm4b:s22+s25], $0x100, $0x38;
	[tilespmem:$0x10200] =	vst v63  }
0x14f: {  	_ =	swait.ge [sflag:s23], $0x100  }
0x150: {  	[sflag:s23] =	ssyncset.done $0x0  }
0x151: {  	s25 =	simm.s32 $0x8200;
	s22 =	rddreg [dreg:$0x1c];
	[sflag:s23] =	ssyncadd.s32 $0xFFFFFF00  }
0x152: {  	[tilespmem:s25], [sflag:$0x2] =	stream.indirect.gather [hbm4b:s22+s24], $0x80, s24, s24, $0xb8;
	[tilespmem:$0x10200] =	vst v63  }
0x153: {  	s25 =	simm.s32 $0x1  }
0x154: {  	_ =	swait.ge [sflag:s25], $0x8000  }
0x155: {  	s21 =	sadd.s32 $0x0, s10;
	s24 =	simm.s32 $0x8;
	[sflag:s25] =	ssyncset.done $0x0  }
0x156: {  	s22 =	simm.s32 $0x280;
	[sflag:s25] =	ssyncadd.s32 $0xFFFF8000;
	s25 =	simm.s32 $0x200  }
.LBB2_30:
0x157: {  	[hbm4b:s21+s26] =	stream.linear.scatter [tilespmem:s25], [sflag:$0x3], $0x40, $0x38;
	[tilespmem:$0x10200] =	vst v63  }
0x158: {  	s21 =	smov.u32 s24;
	s25 =	smov.u32 s22;
	p0 =	sne.s32 s24, $0x7F8  }
.Ltmp14:
0x159: {  	s24 =	sadd.s32 $0x8, s24;
	(pc) =	sbr.rel @p0 .LBB2_30-.Ltmp14, $2  }
0x15a: {  	_ =	sdelay $0x2  }
0x15b: {  	s22 =	sadd.s32 $0x80, s22;
	s21 =	sadd.s32 s21, s10  }
0x15c: {  	[hbm4b:s21+s26] =	stream.linear.scatter [tilespmem:s25], [sflag:$0x3], $0x40, $0x38;
	[tilespmem:$0x10200] =	vst v63  }
0x15d: {  	s24 =	simm.s32 $0x3  }
0x15e: {  	_ =	swait.ge [sflag:s24], $0x4000  }
0x15f: {  	[sflag:s24] =	ssyncset.done $0x0  }
0x160: {  	s21 =	simm.s32 $0x0;
	s22 =	rddreg [dreg:$0x13];
	[sflag:s24] =	ssyncadd.s32 $0xFFFFC000  }
0x161: {  	[tilespmem:s21], [sflag:$0x5] =	stream.linear.gather [hbm4b:s22+s21], $0x100, $0x38;
	[tilespmem:$0x10200] =	vst v63  }
0x162: {  	_ =	swait.ge [sflag:s23], $0x100  }
0x163: {  	s25 =	simm.s32 $0x200;
	[sflag:s23] =	ssyncset.done $0x0  }
0x164: {  	s24 =	simm.s32 $0x100;
	s22 =	rddreg [dreg:$0x1c];
	[sflag:s23] =	ssyncadd.s32 $0xFFFFFF00  }
0x165: {  	[tilespmem:s25], [sflag:$0x1] =	stream.indirect.gather [hbm4b:s22+s24], $0x80, s21, s24, $0xb8;
	[tilespmem:$0x10200] =	vst v63  }
0x166: {  	s25 =	simm.s32 $0x2  }
0x167: {  	_ =	swait.ge [sflag:s25], $0x8000  }
0x168: {  	s24 =	simm.s32 $0x8;
	s21 =	sadd.s32 $0x0, s11;
	[sflag:s25] =	ssyncset.done $0x0  }
0x169: {  	s22 =	simm.s32 $0x8280;
	[sflag:s25] =	ssyncadd.s32 $0xFFFF8000;
	s25 =	simm.s32 $0x8200  }
.LBB2_32:
0x16a: {  	[hbm4b:s21+s26] =	stream.linear.scatter [tilespmem:s25], [sflag:$0x4], $0x40, $0x38;
	[tilespmem:$0x10200] =	vst v63  }
0x16b: {  	s21 =	smov.u32 s24;
	s25 =	smov.u32 s22;
	p0 =	sne.s32 s24, $0x7F8  }
.Ltmp15:
0x16c: {  	s24 =	sadd.s32 $0x8, s24;
	(pc) =	sbr.rel @p0 .LBB2_32-.Ltmp15, $2  }
0x16d: {  	_ =	sdelay $0x2  }
0x16e: {  	s22 =	sadd.s32 $0x80, s22;
	s21 =	sadd.s32 s21, s11  }
0x16f: {  	[hbm4b:s21+s26] =	stream.linear.scatter [tilespmem:s25], [sflag:$0x4], $0x40, $0x38;
	[tilespmem:$0x10200] =	vst v63  }
0x170: {  	s24 =	simm.s32 $0x4  }
0x171: {  	_ =	swait.ge [sflag:s24], $0x4000  }
0x172: {  	s25 =	simm.s32 $0x0;
	[sflag:s24] =	ssyncset.done $0x0  }
0x173: {  	s22 =	rddreg [dreg:$0x14];
	[sflag:s24] =	ssyncadd.s32 $0xFFFFC000;
	s24 =	simm.s32 $0x100  }
0x174: {  	[tilespmem:s24], [sflag:$0x5] =	stream.linear.gather [hbm4b:s22+s25], $0x100, $0x38;
	[tilespmem:$0x10200] =	vst v63  }
0x175: {  	_ =	swait.ge [sflag:s23], $0x100  }
0x176: {  	[sflag:s23] =	ssyncset.done $0x0  }
0x177: {  	s25 =	simm.s32 $0x8200;
	s22 =	rddreg [dreg:$0x1c];
	[sflag:s23] =	ssyncadd.s32 $0xFFFFFF00  }
0x178: {  	[tilespmem:s25], [sflag:$0x2] =	stream.indirect.gather [hbm4b:s22+s24], $0x80, s24, s24, $0xb8;
	[tilespmem:$0x10200] =	vst v63  }
0x179: {  	s25 =	simm.s32 $0x1  }
0x17a: {  	_ =	swait.ge [sflag:s25], $0x8000  }
0x17b: {  	s21 =	sadd.s32 $0x0, s12;
	s24 =	simm.s32 $0x8;
	[sflag:s25] =	ssyncset.done $0x0  }
0x17c: {  	s22 =	simm.s32 $0x280;
	[sflag:s25] =	ssyncadd.s32 $0xFFFF8000;
	s25 =	simm.s32 $0x200  }
.LBB2_34:
0x17d: {  	[hbm4b:s21+s26] =	stream.linear.scatter [tilespmem:s25], [sflag:$0x3], $0x40, $0x38;
	[tilespmem:$0x10200] =	vst v63  }
0x17e: {  	s21 =	smov.u32 s24;
	s25 =	smov.u32 s22;
	p0 =	sne.s32 s24, $0x7F8  }
.Ltmp16:
0x17f: {  	s24 =	sadd.s32 $0x8, s24;
	(pc) =	sbr.rel @p0 .LBB2_34-.Ltmp16, $2  }
0x180: {  	_ =	sdelay $0x2  }
0x181: {  	s22 =	sadd.s32 $0x80, s22;
	s21 =	sadd.s32 s21, s12  }
0x182: {  	[hbm4b:s21+s26] =	stream.linear.scatter [tilespmem:s25], [sflag:$0x3], $0x40, $0x38;
	[tilespmem:$0x10200] =	vst v63  }
0x183: {  	s24 =	simm.s32 $0x3  }
0x184: {  	_ =	swait.ge [sflag:s24], $0x4000  }
0x185: {  	[sflag:s24] =	ssyncset.done $0x0  }
0x186: {  	s21 =	simm.s32 $0x0;
	s22 =	rddreg [dreg:$0x15];
	[sflag:s24] =	ssyncadd.s32 $0xFFFFC000  }
0x187: {  	[tilespmem:s21], [sflag:$0x5] =	stream.linear.gather [hbm4b:s22+s21], $0x100, $0x38;
	[tilespmem:$0x10200] =	vst v63  }
0x188: {  	_ =	swait.ge [sflag:s23], $0x100  }
0x189: {  	s25 =	simm.s32 $0x200;
	[sflag:s23] =	ssyncset.done $0x0  }
0x18a: {  	s24 =	simm.s32 $0x100;
	s22 =	rddreg [dreg:$0x1c];
	[sflag:s23] =	ssyncadd.s32 $0xFFFFFF00  }
0x18b: {  	[tilespmem:s25], [sflag:$0x1] =	stream.indirect.gather [hbm4b:s22+s24], $0x80, s21, s24, $0xb8;
	[tilespmem:$0x10200] =	vst v63  }
0x18c: {  	s25 =	simm.s32 $0x2  }
0x18d: {  	_ =	swait.ge [sflag:s25], $0x8000  }
0x18e: {  	s24 =	simm.s32 $0x8;
	s21 =	sadd.s32 $0x0, s13;
	[sflag:s25] =	ssyncset.done $0x0  }
0x18f: {  	s22 =	simm.s32 $0x8280;
	[sflag:s25] =	ssyncadd.s32 $0xFFFF8000;
	s25 =	simm.s32 $0x8200  }
.LBB2_36:
0x190: {  	[hbm4b:s21+s26] =	stream.linear.scatter [tilespmem:s25], [sflag:$0x4], $0x40, $0x38;
	[tilespmem:$0x10200] =	vst v63  }
0x191: {  	s21 =	smov.u32 s24;
	s25 =	smov.u32 s22;
	p0 =	sne.s32 s24, $0x7F8  }
.Ltmp17:
0x192: {  	s24 =	sadd.s32 $0x8, s24;
	(pc) =	sbr.rel @p0 .LBB2_36-.Ltmp17, $2  }
0x193: {  	_ =	sdelay $0x2  }
0x194: {  	s22 =	sadd.s32 $0x80, s22;
	s21 =	sadd.s32 s21, s13  }
0x195: {  	[hbm4b:s21+s26] =	stream.linear.scatter [tilespmem:s25], [sflag:$0x4], $0x40, $0x38;
	[tilespmem:$0x10200] =	vst v63  }
0x196: {  	s24 =	simm.s32 $0x4  }
0x197: {  	_ =	swait.ge [sflag:s24], $0x4000  }
0x198: {  	s25 =	simm.s32 $0x0;
	[sflag:s24] =	ssyncset.done $0x0  }
0x199: {  	s22 =	rddreg [dreg:$0x16];
	[sflag:s24] =	ssyncadd.s32 $0xFFFFC000;
	s24 =	simm.s32 $0x100  }
0x19a: {  	[tilespmem:s24], [sflag:$0x5] =	stream.linear.gather [hbm4b:s22+s25], $0x100, $0x38;
	[tilespmem:$0x10200] =	vst v63  }
0x19b: {  	_ =	swait.ge [sflag:s23], $0x100  }
0x19c: {  	[sflag:s23] =	ssyncset.done $0x0  }
0x19d: {  	s25 =	simm.s32 $0x8200;
	s22 =	rddreg [dreg:$0x1c];
	[sflag:s23] =	ssyncadd.s32 $0xFFFFFF00  }
0x19e: {  	[tilespmem:s25], [sflag:$0x2] =	stream.indirect.gather [hbm4b:s22+s24], $0x80, s24, s24, $0xb8;
	[tilespmem:$0x10200] =	vst v63  }
0x19f: {  	s25 =	simm.s32 $0x1  }
0x1a0: {  	_ =	swait.ge [sflag:s25], $0x8000  }
0x1a1: {  	s21 =	sadd.s32 $0x0, s14;
	s24 =	simm.s32 $0x8;
	[sflag:s25] =	ssyncset.done $0x0  }
0x1a2: {  	s22 =	simm.s32 $0x280;
	[sflag:s25] =	ssyncadd.s32 $0xFFFF8000;
	s25 =	simm.s32 $0x200  }
.LBB2_38:
0x1a3: {  	[hbm4b:s21+s26] =	stream.linear.scatter [tilespmem:s25], [sflag:$0x3], $0x40, $0x38;
	[tilespmem:$0x10200] =	vst v63  }
0x1a4: {  	s21 =	smov.u32 s24;
	s25 =	smov.u32 s22;
	p0 =	sne.s32 s24, $0x7F8  }
.Ltmp18:
0x1a5: {  	s24 =	sadd.s32 $0x8, s24;
	(pc) =	sbr.rel @p0 .LBB2_38-.Ltmp18, $2  }
0x1a6: {  	_ =	sdelay $0x2  }
0x1a7: {  	s22 =	sadd.s32 $0x80, s22;
	s21 =	sadd.s32 s21, s14  }
0x1a8: {  	[hbm4b:s21+s26] =	stream.linear.scatter [tilespmem:s25], [sflag:$0x3], $0x40, $0x38;
	[tilespmem:$0x10200] =	vst v63  }
0x1a9: {  	s24 =	simm.s32 $0x3  }
0x1aa: {  	_ =	swait.ge [sflag:s24], $0x4000  }
0x1ab: {  	[sflag:s24] =	ssyncset.done $0x0  }
0x1ac: {  	s21 =	simm.s32 $0x0;
	s22 =	rddreg [dreg:$0x17];
	[sflag:s24] =	ssyncadd.s32 $0xFFFFC000  }
0x1ad: {  	[tilespmem:s21], [sflag:$0x5] =	stream.linear.gather [hbm4b:s22+s21], $0x100, $0x38;
	[tilespmem:$0x10200] =	vst v63  }
0x1ae: {  	_ =	swait.ge [sflag:s23], $0x100  }
0x1af: {  	s25 =	simm.s32 $0x200;
	[sflag:s23] =	ssyncset.done $0x0  }
0x1b0: {  	s24 =	simm.s32 $0x100;
	s22 =	rddreg [dreg:$0x1c];
	[sflag:s23] =	ssyncadd.s32 $0xFFFFFF00  }
0x1b1: {  	[tilespmem:s25], [sflag:$0x1] =	stream.indirect.gather [hbm4b:s22+s24], $0x80, s21, s24, $0xb8;
	[tilespmem:$0x10200] =	vst v63  }
0x1b2: {  	s25 =	simm.s32 $0x2  }
0x1b3: {  	_ =	swait.ge [sflag:s25], $0x8000  }
0x1b4: {  	s24 =	simm.s32 $0x8;
	s21 =	sadd.s32 $0x0, s15;
	[sflag:s25] =	ssyncset.done $0x0  }
0x1b5: {  	s22 =	simm.s32 $0x8280;
	[sflag:s25] =	ssyncadd.s32 $0xFFFF8000;
	s25 =	simm.s32 $0x8200  }
.LBB2_40:
0x1b6: {  	[hbm4b:s21+s26] =	stream.linear.scatter [tilespmem:s25], [sflag:$0x4], $0x40, $0x38;
	[tilespmem:$0x10200] =	vst v63  }
0x1b7: {  	s21 =	smov.u32 s24;
	s25 =	smov.u32 s22;
	p0 =	sne.s32 s24, $0x7F8  }
.Ltmp19:
0x1b8: {  	s24 =	sadd.s32 $0x8, s24;
	(pc) =	sbr.rel @p0 .LBB2_40-.Ltmp19, $2  }
0x1b9: {  	_ =	sdelay $0x2  }
0x1ba: {  	s22 =	sadd.s32 $0x80, s22;
	s21 =	sadd.s32 s21, s15  }
0x1bb: {  	[hbm4b:s21+s26] =	stream.linear.scatter [tilespmem:s25], [sflag:$0x4], $0x40, $0x38;
	[tilespmem:$0x10200] =	vst v63  }
0x1bc: {  	s24 =	simm.s32 $0x4  }
0x1bd: {  	_ =	swait.ge [sflag:s24], $0x4000  }
0x1be: {  	s25 =	simm.s32 $0x0;
	[sflag:s24] =	ssyncset.done $0x0  }
0x1bf: {  	s22 =	rddreg [dreg:$0x18];
	[sflag:s24] =	ssyncadd.s32 $0xFFFFC000;
	s24 =	simm.s32 $0x100  }
0x1c0: {  	[tilespmem:s24], [sflag:$0x5] =	stream.linear.gather [hbm4b:s22+s25], $0x100, $0x38;
	[tilespmem:$0x10200] =	vst v63  }
0x1c1: {  	_ =	swait.ge [sflag:s23], $0x100  }
0x1c2: {  	[sflag:s23] =	ssyncset.done $0x0  }
0x1c3: {  	s25 =	simm.s32 $0x8200;
	s22 =	rddreg [dreg:$0x1c];
	[sflag:s23] =	ssyncadd.s32 $0xFFFFFF00  }
0x1c4: {  	[tilespmem:s25], [sflag:$0x2] =	stream.indirect.gather [hbm4b:s22+s24], $0x80, s24, s24, $0xb8;
	[tilespmem:$0x10200] =	vst v63  }
0x1c5: {  	s25 =	simm.s32 $0x1  }
0x1c6: {  	_ =	swait.ge [sflag:s25], $0x8000  }
0x1c7: {  	s21 =	sadd.s32 $0x0, s16;
	s24 =	simm.s32 $0x8;
	[sflag:s25] =	ssyncset.done $0x0  }
0x1c8: {  	s22 =	simm.s32 $0x280;
	[sflag:s25] =	ssyncadd.s32 $0xFFFF8000;
	s25 =	simm.s32 $0x200  }
.LBB2_42:
0x1c9: {  	[hbm4b:s21+s26] =	stream.linear.scatter [tilespmem:s25], [sflag:$0x3], $0x40, $0x38;
	[tilespmem:$0x10200] =	vst v63  }
0x1ca: {  	s21 =	smov.u32 s24;
	s25 =	smov.u32 s22;
	p0 =	sne.s32 s24, $0x7F8  }
.Ltmp20:
0x1cb: {  	s24 =	sadd.s32 $0x8, s24;
	(pc) =	sbr.rel @p0 .LBB2_42-.Ltmp20, $2  }
0x1cc: {  	_ =	sdelay $0x2  }
0x1cd: {  	s22 =	sadd.s32 $0x80, s22;
	s21 =	sadd.s32 s21, s16  }
0x1ce: {  	[hbm4b:s21+s26] =	stream.linear.scatter [tilespmem:s25], [sflag:$0x3], $0x40, $0x38;
	[tilespmem:$0x10200] =	vst v63  }
0x1cf: {  	s24 =	simm.s32 $0x3  }
0x1d0: {  	_ =	swait.ge [sflag:s24], $0x4000  }
0x1d1: {  	[sflag:s24] =	ssyncset.done $0x0  }
0x1d2: {  	s21 =	simm.s32 $0x0;
	s22 =	rddreg [dreg:$0x19];
	[sflag:s24] =	ssyncadd.s32 $0xFFFFC000  }
0x1d3: {  	[tilespmem:s21], [sflag:$0x5] =	stream.linear.gather [hbm4b:s22+s21], $0x100, $0x38;
	[tilespmem:$0x10200] =	vst v63  }
0x1d4: {  	_ =	swait.ge [sflag:s23], $0x100  }
0x1d5: {  	s25 =	simm.s32 $0x200;
	[sflag:s23] =	ssyncset.done $0x0  }
0x1d6: {  	s24 =	simm.s32 $0x100;
	s22 =	rddreg [dreg:$0x1c];
	[sflag:s23] =	ssyncadd.s32 $0xFFFFFF00  }
0x1d7: {  	[tilespmem:s25], [sflag:$0x1] =	stream.indirect.gather [hbm4b:s22+s24], $0x80, s21, s24, $0xb8;
	[tilespmem:$0x10200] =	vst v63  }
0x1d8: {  	s25 =	simm.s32 $0x2  }
0x1d9: {  	_ =	swait.ge [sflag:s25], $0x8000  }
0x1da: {  	s24 =	simm.s32 $0x8;
	s21 =	sadd.s32 $0x0, s17;
	[sflag:s25] =	ssyncset.done $0x0  }
0x1db: {  	s22 =	simm.s32 $0x8280;
	[sflag:s25] =	ssyncadd.s32 $0xFFFF8000;
	s25 =	simm.s32 $0x8200  }
.LBB2_44:
0x1dc: {  	[hbm4b:s21+s26] =	stream.linear.scatter [tilespmem:s25], [sflag:$0x4], $0x40, $0x38;
	[tilespmem:$0x10200] =	vst v63  }
0x1dd: {  	s21 =	smov.u32 s24;
	s25 =	smov.u32 s22;
	p0 =	sne.s32 s24, $0x7F8  }
.Ltmp21:
0x1de: {  	s24 =	sadd.s32 $0x8, s24;
	(pc) =	sbr.rel @p0 .LBB2_44-.Ltmp21, $2  }
0x1df: {  	_ =	sdelay $0x2  }
0x1e0: {  	s22 =	sadd.s32 $0x80, s22;
	s21 =	sadd.s32 s21, s17  }
0x1e1: {  	[hbm4b:s21+s26] =	stream.linear.scatter [tilespmem:s25], [sflag:$0x4], $0x40, $0x38;
	[tilespmem:$0x10200] =	vst v63  }
0x1e2: {  	s24 =	simm.s32 $0x4  }
0x1e3: {  	_ =	swait.ge [sflag:s24], $0x4000  }
0x1e4: {  	s25 =	simm.s32 $0x0;
	[sflag:s24] =	ssyncset.done $0x0  }
0x1e5: {  	s22 =	rddreg [dreg:$0x1a];
	[sflag:s24] =	ssyncadd.s32 $0xFFFFC000;
	s24 =	simm.s32 $0x100  }
0x1e6: {  	[tilespmem:s24], [sflag:$0x5] =	stream.linear.gather [hbm4b:s22+s25], $0x100, $0x38;
	[tilespmem:$0x10200] =	vst v63  }
0x1e7: {  	_ =	swait.ge [sflag:s23], $0x100  }
0x1e8: {  	[sflag:s23] =	ssyncset.done $0x0  }
0x1e9: {  	s25 =	simm.s32 $0x8200;
	s22 =	rddreg [dreg:$0x1c];
	[sflag:s23] =	ssyncadd.s32 $0xFFFFFF00  }
0x1ea: {  	[tilespmem:s25], [sflag:$0x2] =	stream.indirect.gather [hbm4b:s22+s24], $0x80, s24, s24, $0xb8;
	[tilespmem:$0x10200] =	vst v63  }
0x1eb: {  	s25 =	simm.s32 $0x1  }
0x1ec: {  	_ =	swait.ge [sflag:s25], $0x8000  }
0x1ed: {  	s21 =	sadd.s32 $0x0, s18;
	s24 =	simm.s32 $0x8;
	[sflag:s25] =	ssyncset.done $0x0  }
0x1ee: {  	s22 =	simm.s32 $0x280;
	[sflag:s25] =	ssyncadd.s32 $0xFFFF8000;
	s25 =	simm.s32 $0x200  }
.LBB2_46:
0x1ef: {  	[hbm4b:s21+s26] =	stream.linear.scatter [tilespmem:s25], [sflag:$0x3], $0x40, $0x38;
	[tilespmem:$0x10200] =	vst v63  }
0x1f0: {  	s21 =	smov.u32 s24;
	s25 =	smov.u32 s22;
	p0 =	sne.s32 s24, $0x7F8  }
.Ltmp22:
0x1f1: {  	s24 =	sadd.s32 $0x8, s24;
	(pc) =	sbr.rel @p0 .LBB2_46-.Ltmp22, $2  }
0x1f2: {  	_ =	sdelay $0x2  }
0x1f3: {  	s22 =	sadd.s32 $0x80, s22;
	s21 =	sadd.s32 s21, s18  }
0x1f4: {  	[hbm4b:s21+s26] =	stream.linear.scatter [tilespmem:s25], [sflag:$0x3], $0x40, $0x38;
	[tilespmem:$0x10200] =	vst v63  }
0x1f5: {  	s24 =	simm.s32 $0x3  }
0x1f6: {  	_ =	swait.ge [sflag:s24], $0x4000  }
0x1f7: {  	[sflag:s24] =	ssyncset.done $0x0  }
0x1f8: {  	s21 =	simm.s32 $0x0;
	s22 =	rddreg [dreg:$0x1b];
	[sflag:s24] =	ssyncadd.s32 $0xFFFFC000  }
0x1f9: {  	[tilespmem:s21], [sflag:$0x5] =	stream.linear.gather [hbm4b:s22+s21], $0x100, $0x38;
	[tilespmem:$0x10200] =	vst v63  }
0x1fa: {  	_ =	swait.ge [sflag:s23], $0x100  }
0x1fb: {  	s25 =	simm.s32 $0x200;
	[sflag:s23] =	ssyncset.done $0x0  }
0x1fc: {  	s24 =	simm.s32 $0x100;
	s22 =	rddreg [dreg:$0x1c];
	[sflag:s23] =	ssyncadd.s32 $0xFFFFFF00  }
0x1fd: {  	[tilespmem:s25], [sflag:$0x1] =	stream.indirect.gather [hbm4b:s22+s24], $0x80, s21, s24, $0xb8;
	[tilespmem:$0x10200] =	vst v63  }
0x1fe: {  	s25 =	simm.s32 $0x2  }
0x1ff: {  	_ =	swait.ge [sflag:s25], $0x8000  }
0x200: {  	s24 =	simm.s32 $0x8;
	s21 =	sadd.s32 $0x0, s19;
	[sflag:s25] =	ssyncset.done $0x0  }
0x201: {  	s22 =	simm.s32 $0x8280;
	[sflag:s25] =	ssyncadd.s32 $0xFFFF8000;
	s25 =	simm.s32 $0x8200  }
.LBB2_48:
0x202: {  	[hbm4b:s21+s26] =	stream.linear.scatter [tilespmem:s25], [sflag:$0x4], $0x40, $0x38;
	[tilespmem:$0x10200] =	vst v63  }
0x203: {  	s21 =	smov.u32 s24;
	s25 =	smov.u32 s22;
	p0 =	sne.s32 s24, $0x7F8  }
.Ltmp23:
0x204: {  	s24 =	sadd.s32 $0x8, s24;
	(pc) =	sbr.rel @p0 .LBB2_48-.Ltmp23, $2  }
0x205: {  	_ =	sdelay $0x2  }
0x206: {  	s22 =	sadd.s32 $0x80, s22;
	s21 =	sadd.s32 s21, s19  }
0x207: {  	[hbm4b:s21+s26] =	stream.linear.scatter [tilespmem:s25], [sflag:$0x4], $0x40, $0x38;
	[tilespmem:$0x10200] =	vst v63  }
0x208: {  	s25 =	simm.s32 $0x1  }
0x209: {  	_ =	swait.ge [sflag:s25], $0x8000  }
0x20a: {  	s24 =	simm.s32 $0x8;
	s21 =	sadd.s32 $0x0, s20;
	[sflag:s25] =	ssyncset.done $0x0  }
0x20b: {  	s22 =	simm.s32 $0x280;
	[sflag:s25] =	ssyncadd.s32 $0xFFFF8000;
	s25 =	simm.s32 $0x200  }
.LBB2_50:
0x20c: {  	[hbm4b:s21+s26] =	stream.linear.scatter [tilespmem:s25], [sflag:$0x5], $0x40, $0x38;
	[tilespmem:$0x10200] =	vst v63  }
0x20d: {  	s21 =	smov.u32 s24;
	s25 =	smov.u32 s22;
	p0 =	sne.s32 s24, $0x7F8  }
.Ltmp24:
0x20e: {  	s24 =	sadd.s32 $0x8, s24;
	(pc) =	sbr.rel @p0 .LBB2_50-.Ltmp24, $2  }
0x20f: {  	_ =	sdelay $0x2  }
0x210: {  	s22 =	sadd.s32 $0x80, s22;
	s21 =	sadd.s32 s21, s20  }
0x211: {  	[hbm4b:s21+s26] =	stream.linear.scatter [tilespmem:s25], [sflag:$0x5], $0x40, $0x38;
	[tilespmem:$0x10200] =	vst v63  }
0x212: {  	_ =	swait.ge [sflag:s23], $0x4000  }
0x213: {  	[sflag:s23] =	ssyncset.done $0x0  }
0x214: {  	s22 =	simm.s32 $0x4;
	[sflag:s23] =	ssyncadd.s32 $0xFFFFC000  }
0x215: {  	_ =	swait.ge [sflag:s22], $0x4000  }
0x216: {  	s24 =	rddreg [dreg:$0x1e]  }
0x217: {  	s25 =	rddreg [dreg:$0x1d];
	s24 =	sadd.s32 $0x1, s24  }
0x218: {  	p0 =	sne.s32 s24, s25  }
.Ltmp25:
0x219: {  	_ = 	snop;
	(pc) =	sbr.rel @p0 .LBB2_1-.Ltmp25, $3  }
0x21a: {  	_ =	sdelay $0x1  }
0x21b: {  	[sflag:s22] =	ssyncset.done $0x0  }
0x21c: {  	[sflag:s22] =	ssyncadd.s32 $0xFFFFC000  }
0x21d: {  	_ =	sfence.sel $0x180000  }
0x21e: {  	[bflag:$0x0] =	sbarrier.arrive $0xFFFF  }
0x21f: {  	_ =	strace $0x90000047  }
0x220: {  	s0 =	stileid.u32;
	[bflag:$0x2] =	sbarrier.arrive $0xFFFF  }
0x221: {  	p0 =	sne.s32 s0, $0x0;
	s0 =	rddreg [dreg:$0x2]  }
0x222: {  	s0 =	sadd.s32 @!p0 $0x100000, s0  }
0x223: {  	[sflag:s0] =	ssyncadd.tile.s32 @!p0 $0x1;
	_ =	shalt  }
.Lfunc_end2:
_tile_overlayer_lowered:
.L_overlay_start_2:
0x224: {  	(tag) =	ssettag $0x2  }
0x225: {  	s0 =	rddreg [dreg:$0x0];
	s2 =	stileid.u32  }
0x226: {  	s1 =	rddreg [dreg:$0x1];
	p0 =	sne.s32 s2, $0x0  }
0x227: {  	s3 =	rddreg [dreg:$0x2];
	[bflag:$0x3] =	sbarrier.arrive $0xFFFF;
	s2 =	simm.s32 @!p0 $0x1C05  }
0x228: {  	[timem:s3], [sflag:s2] =	dma.local @!p0 [hbm:s0], s1  }
0x229: {  	s0 =	simm.s32 @!p0 $0x5  }
0x22a: {  	_ =	swait.ge @!p0 [sflag:s0], s1  }
0x22b: {  	s1 =	ssub.s32 @!p0 $0x0, s1;
	[sflag:s0] =	ssyncset.done @!p0 $0x0  }
0x22c: {  	[sflag:s0] =	ssyncadd.s32 @!p0 s1  }
0x22d: {  	[bflag:$0x3] =	sbarrier.arrive $0xFFFF  }
0x22e: {  	_ =	shalt  }

// kernel: sparse-core-data-format-call.cloned.1.call-start
scs
called_computation_lowered:
.L_overlay_start_0:
0x0: {  	s2 =	sld [smem:$0x3FD9]  }
0x1: {  	s3 =	sld [smem:$0x3FFE];
	_ =	sdelay $0x1  }
0x2: {  	s1 =	srdreg.scid  }
0x3: {  	s0 =	sand.u32 $0x1, s1  }
0x4: {  	s18 =	sshll.u32 s0, $0xA;
	s2 =	sadd.s32 s3, s2  }
0x5: {  	s2 =	sadd.s32 s2, s18  }
0x6: {  	[smem:$0x3FC6] =	sst s2  }
0x7: {  	_ = 	snop  }
0x8: {  	s2 =	sld [smem:$0x3FD0];
	(tm) =	ssettm $0x1  }
0x9: {  	s19 =	sld [smem:$0x3FFB];
	_ =	sdelay $0x3  }
0xa: {  	_ =	strace s19  }
0xb: {  	s3 =	sld [smem:$0x3FFC];
	_ =	sdelay $0x3  }
0xc: {  	_ =	strace s3  }
0xd: {  	s3 =	sld [smem:$0x3FFD];
	_ =	sdelay $0x3  }
0xe: {  	_ =	strace s3  }
0xf: {  	_ =	strace $0x8FFFFFFF  }
0x10: {  	s20 =	sld [smem:$0x3FDB];
	_ =	sdelay $0x1  }
0x11: {  	s4 =	simm.s32 $_scs_section_size  }
0x12: {  	s5 =	simm.s32 $_size__tile_overlayer_lowered;
	s6 =	simm.s32 $_tile_overlayer_lowered  }
0x13: {  	s23 =	simm.s32 $0x1BFF;
	s22 =	sshll.u32 s6, $0x1;
	s3 =	sadd.s32 s4, s20  }
0x14: {  	s7 =	simm.s32 $0x0;
	s21 =	sshll.u32 s5, $0x1;
	s5 =	sadd.s32 s22, s3  }
0x15: {  	[timem:s7], [sflag:s23] =	dma.local [hbm:s5], s21  }
0x16: {  	_ =	swait.ge [sflag:s23], s21  }
0x17: {  	s4 =	ssub.s32 $0x0, s21;
	[sflag:s23] =	ssyncset.done $0x0  }
0x18: {  	[sflag:s23] =	ssyncadd.s32 s4;
	_ =	sdelay $0x1  }
0x19: {  	s24 =	simm.s32 $0x1B8B  }
0x1a: {  	_ =	swait.ge [sflag:s24], $0x1  }
0x1b: {  	[sflag:s24] =	ssyncset.done $0x0  }
0x1c: {  	s26 =	simm.s32 $0x1B8E;
	s25 =	sld [smem:$0x3FFE];
	[sflag:s24] =	ssyncadd.s32 $0xFFFFFFFF  }
0x1d: {  	s27 =	simm.s32 $execute0_lowered;
	[smem:$0x3FD2] =	sst s26  }
0x1e: {  	s5 =	sshll.u32 s27, $0x1;
	_ =	strace $0x80000049;
	[dreg:$0x1] =	wrdreg $0xFFFFFFFF  }
0x1f: {  	s28 =	simm.s32 $_size_execute0_lowered;
	s3 =	sadd.s32 s3, s5;
	[dreg:$0x0] =	wrdreg $0x0  }
0x20: {  	s5 =	sshll.u32 s28, $0x1;
	[dreg:$0x2] =	wrdreg s3  }
0x21: {  	[dreg:$0x3] =	wrdreg s5  }
0x22: {  	[dreg:$0x4] =	wrdreg $0xC0  }
0x23: {  	_ =	task [dreg:s7], $0x5FFFF  }
0x24: {  	[dreg:$0x1] =	wrdreg $0xFFFFFFFF  }
0x25: {  	[dreg:$0x0] =	wrdreg $0x60  }
0x26: {  	[dreg:$0x2] =	wrdreg s25  }
0x27: {  	[dreg:$0x3] =	wrdreg s2  }
0x28: {  	[dreg:$0x4] =	wrdreg $0x9  }
0x29: {  	_ =	task.clear_ibuf [dreg:s7], $0x5FFFF;
	_ =	strace $0x90000049  }
0x2a: {  	s29 =	simm.s32 $0x9;
	_ =	strace $0x8000004B  }
0x2b: {  	_ =	swait.ge [sflag:s29], $0x1  }
0x2c: {  	[sflag:s29] =	ssyncadd.s32 $0xFFFFFFFF  }
0x2d: {  	_ =	strace $0x9000004B  }
0x2e: {  	_ =	sfence  }
0x2f: {  	s30 =	sld [smem:$0x0];
	_ =	sdelay $0x2  }
0x30: {  	s31 =	sshll.u32 s1, $0xD;
	s1 =	sshrl.u32 s1, $0x2  }
0x31: {  	s3 =	sand.u32 $0x4000, s31;
	s1 =	sadd.s32 s1, s30  }
0x32: {  	s0 =	sor.u32 s3, s0;
	s1 =	sshll.u32 s1, $0x11  }
0x33: {  	s0 =	sor.u32 s1, s0  }
0x34: {  	s0 =	sadd.s32 $0x8F2B, s0  }
0x35: {  	[sflag:s0] =	ssyncadd.remote.s32 $0x1  }
0x36: {  	_ =	sfence.sel $0xFFFF  }
0x37: {  	[dreg:$0x0] =	wrdreg $0xFFFFFFFF;
	(pc) =	sbr.abs _section_cstart, $3  }
0x38: {  	[dreg:$0x1] =	wrdreg $0xFFFFFFFF  }
0x39: {  	_ =	task.clear_ibuf [dreg:s7], $0x2FFFF;
	_ =	strace $0x9FFFFFFF  }
0x3a: {  	(tm) =	ssettm $0x7FFFFFFF  }
0x3b: {  	_ =	shalt  }
tec
execute0_lowered:
.L_overlay_start_1:
0x0: {  	(tag) =	ssettag $0x1  }
0x1: {  	s7 =	rddreg [dreg:$0x0]  }
0x2: {  	s2 =	rddreg [dreg:$0x1]  }
0x3: {  	s0 =	stileid.u32;
	s1 =	srdreg.scid;
	s31 =	simm.s32 $0x2  }
0x4: {  	s14 =	simm.s32 $0x0;
	s15 =	simm.s32 $0x0;
	s13 =	simm.s32 $0x0  }
0x5: {  	s3 =	sshll.u32 s0, $0x5;
	s4 =	sshll.u32 s1, $0x9;
	s5 =	sshll.u32 s0, $0x1  }
0x6: {  	s1 =	rddreg [dreg:$0x2];
	s4 =	sor.u32 s3, s4;
	s3 =	sand.u32 $0x6, s5  }
0x7: {  	_ =	strace $0x8000004A;
	s4 =	sand.u32 $0x380, s4;
	s5 =	ssub.s32 $0xC8, s3  }
0x8: {  	s12 =	smov.u32 s3;
	s8 =	sshll.u32 s4, $0x4;
	s6 =	sand.u32 $0x6, s5  }
0x9: {  	s9 =	ssub.s32 $0x400, s4;
	s11 =	sshrl.u32 s5, $0x3;
	s5 =	simm.s32 $0x1  }
0xa: {  	p0 =	sne.s32 s6, $0x0;
	s6 =	simm.s32 $0x1;
	s10 =	sand.u32 $0x380, s9  }
0xb: {  	s6 =	simm.s32 @!p0 $0x0;
	p0 =	sne.s32 s10, $0x0;
	s10 =	simm.s32 $0x1  }
.Ltmp0:
0xc: {  	s9 =	sshrl.u32 s9, $0xA;
	s10 =	simm.s32 @!p0 $0x0;
	(pc) =	sbr.rel .LBB1_1-.Ltmp0, $4  }
0xd: {  	[sflag:s5] =	ssyncpa.u1 $0x0;
	s6 =	sadd.s32 s6, s11;
	s9 =	sadd.s32 s10, s9  }
0xe: {  	s8 =	sadd.s32 s8, s7;
	[sflag:s31] =	ssyncpa.u1 $0x0;
	s6 =	smul.u32 s6, s9  }
0xf: {  	s7 =	sadd.s32 $0xA00, s8;
	s8 =	sadd.s32 $0x4A00, s8;
	p0 =	por $0x0, $0x0  }
0x10: {  	s11 =	simm.s32 $0x2000;
	s10 =	simm.s32 $0x400;
	s9 =	sadd.s32 $0x1, s6  }
.LBB1_7:
0x11: {  	s16 =	sadd.s32 $0x8, s12  }
0x12: {  	p2 =	sgt.s32 s16, $0xC7  }
0x13: {  	s16 =	smov.u32 @p2 s3;
	p2 =	sne.s32 s13, s9  }
.Ltmp1:
0x14: {  	p1 =	slt.u32 s13, $0x2;
	(pc) =	sbr.rel @!p2 .LBB1_8-.Ltmp1, $4  }
0x15: {  	s14 =	simm.s32 @!p1 $0x2  }
0x16: {  	s17 =	sadd.s32 $0x1, s13;
	s15 =	smov.u32 s12;
	_ =	swait.ge @!p1 [sflag:s14], $0x4000  }
0x17: {  	p0 =	por !p0, !p0;
	s13 =	smov.u32 s17;
	[sflag:s14] =	ssyncset.done @!p1 $0x0  }
0x18: {  	s12 =	smov.u32 s16;
	[sflag:s14] =	ssyncadd.s32 @!p1 $0xFFFFC000;
	s14 =	smov.u32 s4  }
.LBB1_1:
0x19: {  	p1 =	sge.u32 s13, s6  }
0x1a: {  	s16 =	sxor.u32 @!p1 $0xFFFFFFFF, s13  }
0x1b: {  	s17 =	sshll.u32 @!p1 s12, $0xE;
	s19 =	simm.s32 @!p1 $0x40;
	s16 =	sshll.u32 @!p1 s16, $0xE  }
0x1c: {  	s20 =	simm.s32 @!p1 $0x80;
	s18 =	sadd.s32 @!p1 s17, s7;
	s16 =	sand.u32 @!p1 $0x4000, s16  }
0x1d: {  	[tilespmem:s16], [sflag:$0x1] =	stream.strided.gather @!p1 [hbm4b:s18+s19], $0x2000, s20, s19, $0x38;
	[tilespmem:$0x10100] =	vst v63  }
0x1e: {  	s31 =	sadd.s32 $0xFFFFFFFF, s13;
	s17 =	sadd.s32 @!p1 s17, s8;
	s16 =	sor.u32 @!p1 $0x2000, s16  }
0x1f: {  	[tilespmem:s16], [sflag:$0x1] =	stream.strided.gather @!p1 [hbm4b:s17+s19], $0x2000, s20, s19, $0x38;
	[tilespmem:$0x10100] =	vst v63  }
0x20: {  	p1 =	sge.u32 s31, s6  }
.Ltmp2:
0x21: {  	_ = 	snop;
	(pc) =	sbr.rel @p1 .LBB1_7-.Ltmp2, $1  }
0x22: {  	_ =	sdelay $0x3  }
0x23: {  	s16 =	simm.s32 $0x1;
	s18 =	sand.u32 $0x1, s13  }
0x24: {  	_ =	swait.ge [sflag:s5], $0x4000;
	s16 =	simm.s32 @!p0 $0x0;
	s18 =	smul.u32 $0x10200, s18  }
0x25: {  	p2 =	por $0x1, $0x1;
	[sflag:s5] =	ssyncset.done $0x0;
	s17 =	smul.u32 $0x10200, s16  }
0x26: {  	s19 =	sshll.u32 s16, $0x10;
	[sflag:s5] =	ssyncadd.s32 $0xFFFFC000;
	s30 =	sshrl.u32 s18, $0x2  }
0x27: {  	s31 =	sshrl.u32 s19, $0x2;
	s19 =	simm.s32 $0x0;
	s17 =	sshrl.u32 s17, $0x2  }
0x28: {  	s16 =	sor.u32 $0x8000, s30;
	s18 =	sadd.s32 $0x20, s31;
	s17 =	sor.u32 $0x8000, s17  }
.LBB1_3:
0x29: {  	s20 =	sshll.u32 s19, $0xD  }
0x2a: {  	s20 =	sand.u32 $0x3FFFE000, s20  }
0x2b: {  	s22 =	sadd.s32 s20, s18  }
0x2c: {  	s31 =	smul.u32 $0x8100, s19;
	v3 =	vld [tilespmem:s22+$0x10]  }
0x2d: {  	v1 =	vld [tilespmem:s22+$0xFFFFFFF0]  }
0x2e: {  	s19 =	sshra.s32 s31, $0x2;
	v0 =	vld [tilespmem:s22+$0x0]  }
0x2f: {  	s19 =	sadd.s32 s19, s17;
	v2 =	vld [tilespmem:s22+$0xFFFFFFE0]  }
0x30: {  	s20 =	sadd.s32 $0x0, s19  }
0x31: {  	p1 =	por p2, p2;
	s21 =	simm.s32 $0x4;
	s22 =	sadd.s32 $0x40, s22;
	[tilespmem:s20+$0x1830 ss:$0x81] =	vst.msk $0xffff, v3  }
.LBB1_4:
0x32: {  	v3 =	vld [tilespmem:s22+$0x10];
	p2 =	sne.s32 s21, $0x1FC;
	[tilespmem:s20+$0x810 ss:$0x81] =	vst.msk $0xffff, v1;
	s23 =	smov.u32 s21;
	s21 =	sadd.s32 $0x4, s21  }
.Ltmp3:
0x33: {  	v1 =	vld [tilespmem:s22+$0xFFFFFFF0];
	[tilespmem:s20+$0x1020 ss:$0x81] =	vst.msk $0xffff, v0;
	(pc) =	sbr.rel @p2 .LBB1_4-.Ltmp3, $4  }
0x34: {  	v0 =	vld [tilespmem:s22+$0x0];
	[tilespmem:s20+$0x0 ss:$0x81] =	vst.msk $0xffff, v2  }
0x35: {  	s20 =	sshra.s32 s23, $0x2;
	v2 =	vld [tilespmem:s22+$0xFFFFFFE0]  }
0x36: {  	s20 =	sadd.s32 s20, s19  }
0x37: {  	s22 =	sadd.s32 $0x40, s22;
	[tilespmem:s20+$0x1830 ss:$0x81] =	vst.msk $0xffff, v3  }
.Ltmp4:
0x38: {  	(pc) =	sbr.rel @p1 .LBB1_3-.Ltmp4, $4  }
0x39: {  	_ = 	snop  }
0x3a: {  	[tilespmem:s20+$0x810 ss:$0x81] =	vst.msk $0xffff, v1  }
0x3b: {  	[tilespmem:s20+$0x1020 ss:$0x81] =	vst.msk $0xffff, v0  }
0x3c: {  	s19 =	simm.s32 $0x1;
	p2 =	por $0x0, $0x0;
	[tilespmem:s20+$0x0 ss:$0x81] =	vst.msk $0xffff, v2  }
.Ltmp5:
0x3d: {  	(pc) =	sbr.rel .LBB1_7-.Ltmp5, $4  }
0x3e: {  	_ = 	snop  }
0x3f: {  	s15 =	sshll.u32 s15, $0xD;
	s14 =	sadd.s32 s2, s14  }
0x40: {  	s14 =	sadd.s32 s15, s14  }
0x41: {  	[hbm4b:s14+s10] =	stream.strided.scatter [tilespmem:s16], [sflag:$0x2], $0x4000, s11, s10, $0x20;
	[tilespmem:$0x10100] =	vst v63  }
.LBB1_8:
0x42: {  	_ =	sfence.sel $0x180000  }
0x43: {  	s2 =	simm.s32 $0x1;
	[bflag:$0x0] =	sbarrier.arrive $0xFFFF  }
0x44: {  	s31 =	simm.s32 $0x2;
	[sflag:s2] =	ssyncpa.u1 $0x1  }
0x45: {  	[sflag:s31] =	ssyncpa.u1 $0x1  }
0x46: {  	p0 =	sne.s32 s0, $0x0;
	_ =	strace $0x9000004A  }
0x47: {  	s0 =	sadd.s32 @!p0 $0x100000, s1;
	[bflag:$0x2] =	sbarrier.arrive $0xFFFF  }
0x48: {  	[sflag:s0] =	ssyncadd.tile.s32 @!p0 $0x1;
	_ =	shalt  }
.Lfunc_end1:
_tile_overlayer_lowered:
.L_overlay_start_2:
0x49: {  	(tag) =	ssettag $0x2  }
0x4a: {  	s0 =	rddreg [dreg:$0x0];
	s2 =	stileid.u32  }
0x4b: {  	s1 =	rddreg [dreg:$0x1];
	p0 =	sne.s32 s2, $0x0  }
0x4c: {  	s3 =	rddreg [dreg:$0x2];
	[bflag:$0x3] =	sbarrier.arrive $0xFFFF;
	s2 =	simm.s32 @!p0 $0x1C01  }
0x4d: {  	[timem:s3], [sflag:s2] =	dma.local @!p0 [hbm:s0], s1  }
0x4e: {  	s0 =	simm.s32 @!p0 $0x1  }
0x4f: {  	_ =	swait.ge @!p0 [sflag:s0], s1  }
0x50: {  	s1 =	ssub.s32 @!p0 $0x0, s1;
	[sflag:s0] =	ssyncset.done @!p0 $0x0  }
0x51: {  	[sflag:s0] =	ssyncadd.s32 @!p0 s1  }
0x52: {  	[bflag:$0x3] =	sbarrier.arrive $0xFFFF  }
0x53: {  	_ =	shalt  }

</sc_bundles>
